<compile_context>
chip_gen: v7x
topology: tpu7x:2x2x1
jax: 0.10.2.dev20260603
libtpu: 0.0.44.dev20260713+nightly
codegen_flags: <defaults>
</compile_context>

<pallas_src>
import functools

import jax
import jax.numpy as jnp
from jax import lax
from jax.experimental import pallas as pl
from jax.experimental.pallas import tpu as pltpu
from jax.experimental.pallas import tpu_sc as plsc

N = 10000
E = 320000
D = 128

NC = 2
NS = 16
NW = NC * NS
CHUNK = 128
G = 10
NGRP = 8
NCHUNK = NGRP * G
EPT = NCHUNK * CHUNK
EPADDED = NW * EPT
NPAD = 10240
STRIPE = NPAD // NS
ZCH = STRIPE // CHUNK

_mesh = plsc.VectorSubcoreMesh(
    core_axis_name="c", subcore_axis_name="s", num_cores=NC, num_subcores=NS
)


@functools.partial(
    pl.kernel,
    out_type=jax.ShapeDtypeStruct((NC, NPAD, D), jnp.float32),
    mesh=_mesh,
    scratch_types=[
        pltpu.VMEM((2, G, CHUNK), jnp.int32),
        pltpu.VMEM((2, G, CHUNK), jnp.int32),
        pltpu.VMEM((2, CHUNK, D), jnp.float32),
        pltpu.VMEM_SHARED((NPAD, D), jnp.float32),
        pltpu.SemaphoreType.DMA((2,)),
        pltpu.SemaphoreType.DMA((2,)),
    ],
)
def _sc_aggregate(x_hbm, ei_hbm, out_hbm, src_v, dst_v, rows, agg, sems, isems):
    c = lax.axis_index("c")
    s = lax.axis_index("s")
    wid = c * NS + s

    pltpu.async_copy(ei_hbm.at[0, wid, 0], src_v.at[0], isems.at[0])
    pltpu.async_copy(ei_hbm.at[1, wid, 0], dst_v.at[0], isems.at[1])

    z16 = jnp.zeros((16,), jnp.float32)

    def _zero_body(t, carry):
        rows[0, t // (D // 16), pl.ds((t % (D // 16)) * 16, 16)] = z16
        return carry

    lax.fori_loop(0, CHUNK * (D // 16), _zero_body, 0)

    def _zissue(k, carry):
        pltpu.async_copy(
            rows.at[0], agg.at[pl.ds(s * STRIPE + k * CHUNK, CHUNK)], sems.at[k % 2]
        )
        return carry

    def _zwait(k, carry):
        pltpu.make_async_copy(
            rows.at[0], agg.at[pl.ds(s * STRIPE + k * CHUNK, CHUNK)], sems.at[k % 2]
        ).wait()
        return carry

    lax.fori_loop(0, ZCH, _zissue, 0)
    lax.fori_loop(0, ZCH, _zwait, 0)
    pltpu.make_async_copy(ei_hbm.at[0, wid, 0], src_v.at[0], isems.at[0]).wait()
    pltpu.make_async_copy(ei_hbm.at[1, wid, 0], dst_v.at[0], isems.at[1]).wait()
    plsc.subcore_barrier()

    def _group_body(g, carry):
        hg = g % 2
        hn = (g + 1) % 2

        @pl.when(g > 0)
        def _():
            pltpu.make_async_copy(ei_hbm.at[0, wid, g], src_v.at[hg], isems.at[0]).wait()
            pltpu.make_async_copy(ei_hbm.at[1, wid, g], dst_v.at[hg], isems.at[1]).wait()

        @pl.when(g + 1 < NGRP)
        def _():
            pltpu.async_copy(ei_hbm.at[0, wid, g + 1], src_v.at[hn], isems.at[0])
            pltpu.async_copy(ei_hbm.at[1, wid, g + 1], dst_v.at[hn], isems.at[1])

        def _issue(k, carry):
            b = k % 2
            pltpu.async_copy(x_hbm.at[src_v.at[hg, k]], rows.at[b], sems.at[b])
            return carry

        lax.fori_loop(0, 2, _issue, 0)

        def _chunk_body(k, carry):
            b = k % 2
            pltpu.make_async_copy(
                x_hbm.at[src_v.at[hg, k]], rows.at[b], sems.at[b]
            ).wait()
            pltpu.sync_copy(rows.at[b], agg.at[dst_v.at[hg, k]], add=True)

            @pl.when(k + 2 < G)
            def _():
                _issue(k + 2, 0)

            return carry

        lax.fori_loop(0, G, _chunk_body, 0)
        return carry

    lax.fori_loop(0, NGRP, _group_body, 0)
    plsc.subcore_barrier()

    pltpu.sync_copy(
        agg.at[pl.ds(s * STRIPE, STRIPE)],
        out_hbm.at[c, pl.ds(s * STRIPE, STRIPE)],
    )


def _dense_hidden_body(eps_ref, x_ref, agg_ref, w_ref, b_ref, g_ref, bt_ref, o_ref):
    h = x_ref[...] * (1.0 + eps_ref[0, 0]) + agg_ref[0, :N] + agg_ref[1, :N]
    h = jnp.dot(
        h, w_ref[...],
        precision=jax.lax.Precision.HIGHEST,
        preferred_element_type=jnp.float32,
    ) + b_ref[...]
    m = jnp.mean(h, axis=0, keepdims=True)
    v = jnp.mean((h - m) * (h - m), axis=0, keepdims=True)
    hn = g_ref[...] * (h - m) / jnp.sqrt(v + 1e-5) + bt_ref[...]
    o_ref[...] = jnp.maximum(hn, 0.0)


def _dense_final_body(eps_ref, x_ref, agg_ref, w_ref, b_ref, o_ref):
    h = x_ref[...] * (1.0 + eps_ref[0, 0]) + agg_ref[0, :N] + agg_ref[1, :N]
    h = jnp.dot(
        h, w_ref[...],
        precision=jax.lax.Precision.HIGHEST,
        preferred_element_type=jnp.float32,
    ) + b_ref[...]
    m = jnp.max(h, axis=-1, keepdims=True)
    e = h - m
    o_ref[...] = e - jnp.log(jnp.sum(jnp.exp(e), axis=-1, keepdims=True))


_dense_hidden = pl.pallas_call(
    _dense_hidden_body,
    out_shape=jax.ShapeDtypeStruct((N, D), jnp.float32),
)

_dense_final = pl.pallas_call(
    _dense_final_body,
    out_shape=jax.ShapeDtypeStruct((N, D), jnp.float32),
)


def kernel(x, edge_index, eps0, W0, b0, eps1, W1, b1, eps2, W2, b2, g0, bt0, g1, bt1):
    pad = jnp.stack(
        [
            jnp.zeros((EPADDED - E,), jnp.int32),
            jnp.full((EPADDED - E,), N, jnp.int32),
        ]
    )
    ei = jnp.concatenate([edge_index, pad], axis=1).reshape(2, NW, NGRP, G, CHUNK)

    def row(a):
        return a.reshape(1, D)

    h = x
    agg = _sc_aggregate(h, ei)
    h = _dense_hidden(eps0.reshape(1, 1), h, agg, W0, row(b0), row(g0), row(bt0))
    agg = _sc_aggregate(h, ei)
    h = _dense_hidden(eps1.reshape(1, 1), h, agg, W1, row(b1), row(g1), row(bt1))
    agg = _sc_aggregate(h, ei)
    return _dense_final(eps2.reshape(1, 1), h, agg, W2, row(b2))

# --- scband reference (transcript-rebuilt; emitter-appended) ---
"""Pipeline reference for scband-gin-4346506904237 (READ-ONLY COPY).

The authoritative reference and input builder live on the scoring server;
editing this copy changes nothing except your own understanding.
"""

import jax, jax.numpy as jnp
import numpy as np

N = 10000
E = 320000
D = 128


def setup_inputs(seed: int = 0) -> dict:
    key = jax.random.key(seed)
    ks = jax.random.split(key, 20)
    inp = {}
    inp["x"] = jax.random.normal(ks[0], (N, D), dtype=jnp.float32)
    inp["edge_index"] = jax.random.randint(ks[1], (2, E), 0, N, dtype=jnp.int32)
    s = 1.0 / np.sqrt(D)
    # GINConv params: eps (learnable scalar, init 0) + linear W,b per layer
    inp["eps0"] = jnp.zeros((), dtype=jnp.float32)
    inp["W0"] = jax.random.normal(ks[2], (D, D), dtype=jnp.float32) * s
    inp["b0"] = jnp.zeros((D,), dtype=jnp.float32)
    inp["eps1"] = jnp.zeros((), dtype=jnp.float32)
    inp["W1"] = jax.random.normal(ks[3], (D, D), dtype=jnp.float32) * s
    inp["b1"] = jnp.zeros((D,), dtype=jnp.float32)
    inp["eps2"] = jnp.zeros((), dtype=jnp.float32)
    inp["W2"] = jax.random.normal(ks[4], (D, D), dtype=jnp.float32) * s
    inp["b2"] = jnp.zeros((D,), dtype=jnp.float32)
    # BatchNorm affine params for the 2 hidden-layer BNs
    inp["g0"] = jnp.ones((D,), dtype=jnp.float32)
    inp["bt0"] = jnp.zeros((D,), dtype=jnp.float32)
    inp["g1"] = jnp.ones((D,), dtype=jnp.float32)
    inp["bt1"] = jnp.zeros((D,), dtype=jnp.float32)
    return inp


def _gin_conv(x, edge_index, eps, W, b):
    src = edge_index[0]
    dst = edge_index[1]
    # sum aggregation of neighbor messages (scatter-add)
    agg = jnp.zeros_like(x).at[dst].add(x[src])
    h = (1.0 + eps) * x + agg
    return h @ W + b


def _batchnorm(x, gamma, beta, eps=1e-5):
    mean = jnp.mean(x, axis=0)
    var = jnp.var(x, axis=0)
    return gamma * (x - mean) / jnp.sqrt(var + eps) + beta


def reference(x, edge_index, eps0, W0, b0, eps1, W1, b1, eps2, W2, b2, g0, bt0, g1, bt1):
    # layer 0
    h = _gin_conv(x, edge_index, eps0, W0, b0)
    h = _batchnorm(h, g0, bt0)
    h = jax.nn.relu(h)
    # dropout is identity in eval mode
    # layer 1
    h = _gin_conv(h, edge_index, eps1, W1, b1)
    h = _batchnorm(h, g1, bt1)
    h = jax.nn.relu(h)
    # layer 2 (output)
    h = _gin_conv(h, edge_index, eps2, W2, b2)
    # return_embeds=False -> log_softmax
    return jax.nn.log_softmax(h, axis=-1)

if __name__ == "__main__":
    import jax
    _d = setup_inputs()
    print(jax.jit(kernel)(*tuple(_d.values())))

</pallas_src>

<mosaic_0001>
#map = affine_map<(d0, d1) -> (0, 0)>
#map1 = affine_map<(d0, d1) -> (0, 0, 0, 0, 0)>
#map2 = affine_map<(d0, d1) -> (0, 0, 0)>
module attributes {stable_mosaic.version = 14 : i64} {
  func.func @_sc_aggregate(%arg0: i32, %arg1: i32, %arg2: memref<10000x128xf32, #tpu.memory_space<hbm>>, %arg3: memref<2x32x8x10x128xi32, #tpu.memory_space<hbm>>, %arg4: memref<2x10240x128xf32, #tpu.memory_space<hbm>>, %arg5: memref<2x10x128xi32, #tpu.memory_space<vmem>>, %arg6: memref<2x10x128xi32, #tpu.memory_space<vmem>>, %arg7: memref<2x128x128xf32, #tpu.memory_space<vmem>>, %arg8: memref<10240x128xf32, #tpu.memory_space<vmem_shared>>, %arg9: memref<2x!tpu.dma_semaphore, #tpu.memory_space<semaphore_mem>>, %arg10: memref<2x!tpu.dma_semaphore, #tpu.memory_space<semaphore_mem>>) attributes {dimension_semantics = [#tpu.dimension_semantics<core_parallel>, #tpu.dimension_semantics<subcore_parallel>], iteration_bounds = array<i64: 2, 16>, scalar_prefetch = 0 : i64, scratch_operands = 6 : i64, tpu.core_type = #tpu.core_type<sc_vector_subcore>, window_params = [{transform_indices = #map}, {transform_indices = #map1}, {transform_indices = #map2}]} {
    %mul3A = arith.constant 16 : i32
    %mul3A_0 = arith.muli %arg0, %mul3A : i32
    %add3A = arith.addi %mul3A_0, %arg1 : i32
    %dma_start3A = arith.constant 0 : i32
    %dma_start3A_1 = arith.constant 0 : i32
    %dma_start3A_2 = arith.constant 0 : i32
    %dma_start3A_3 = arith.constant 0 : i32
    %dma_start3A_4 = arith.constant 0 : i32
    %dma_start3A_5 = arith.constant 0 : i32
    %dma_start3A_6 = tpu.memref_slice %arg5[%dma_start3A_2, %dma_start3A_4, %dma_start3A_5] : memref<2x10x128xi32, #tpu.memory_space<vmem>> -> memref<1x10x128xi32, #tpu.memory_space<vmem>>
    %dma_start3A_7 = tpu.memref_squeeze %dma_start3A_6 : memref<1x10x128xi32, #tpu.memory_space<vmem>> -> memref<10x128xi32, #tpu.memory_space<vmem>>
    %dma_start3A_8 = arith.constant 0 : i32
    %dma_start3A_9 = arith.constant 0 : i32
    %dma_start3A_10 = tpu.memref_slice %arg3[%dma_start3A, %add3A, %dma_start3A_1, %dma_start3A_8, %dma_start3A_9] : memref<2x32x8x10x128xi32, #tpu.memory_space<hbm>> -> memref<1x1x1x10x128xi32, #tpu.memory_space<hbm>>
    %dma_start3A_11 = tpu.memref_squeeze %dma_start3A_10 : memref<1x1x1x10x128xi32, #tpu.memory_space<hbm>> -> memref<10x128xi32, #tpu.memory_space<hbm>>
    %dma_start3A_12 = tpu.memref_slice %arg10[%dma_start3A_3] : memref<2x!tpu.dma_semaphore, #tpu.memory_space<semaphore_mem>> -> memref<1x!tpu.dma_semaphore, #tpu.memory_space<semaphore_mem>>
    %dma_start3A_13 = tpu.memref_squeeze %dma_start3A_12 : memref<1x!tpu.dma_semaphore, #tpu.memory_space<semaphore_mem>> -> memref<!tpu.dma_semaphore, #tpu.memory_space<semaphore_mem>>
    %dma_start3A_14 = arith.constant 0 : i32
    %dma_start3A_15 = arith.constant 0 : i32
    %dma_start3A_16 = tpu.memref_slice %arg5[%dma_start3A_2, %dma_start3A_14, %dma_start3A_15] : memref<2x10x128xi32, #tpu.memory_space<vmem>> -> memref<1x10x128xi32, #tpu.memory_space<vmem>>
    %dma_start3A_17 = tpu.memref_squeeze %dma_start3A_16 : memref<1x10x128xi32, #tpu.memory_space<vmem>> -> memref<10x128xi32, #tpu.memory_space<vmem>>
    %dma_start3A_18 = arith.constant 0 : i32
    %dma_start3A_19 = arith.constant 0 : i32
    %dma_start3A_20 = tpu.memref_slice %arg3[%dma_start3A, %add3A, %dma_start3A_1, %dma_start3A_18, %dma_start3A_19] : memref<2x32x8x10x128xi32, #tpu.memory_space<hbm>> -> memref<1x1x1x10x128xi32, #tpu.memory_space<hbm>>
    %dma_start3A_21 = tpu.memref_squeeze %dma_start3A_20 : memref<1x1x1x10x128xi32, #tpu.memory_space<hbm>> -> memref<10x128xi32, #tpu.memory_space<hbm>>
    tpu.enqueue_dma source(%dma_start3A_21 : memref<10x128xi32, #tpu.memory_space<hbm>>) target(%dma_start3A_17 : memref<10x128xi32, #tpu.memory_space<vmem>>) target_semaphore(%dma_start3A_13 : memref<!tpu.dma_semaphore, #tpu.memory_space<semaphore_mem>>)
    %dma_start3A_22 = arith.constant 1 : i32
    %dma_start3A_23 = arith.constant 0 : i32
    %dma_start3A_24 = arith.constant 0 : i32
    %dma_start3A_25 = arith.constant 1 : i32
    %dma_start3A_26 = arith.constant 0 : i32
    %dma_start3A_27 = arith.constant 0 : i32
    %dma_start3A_28 = tpu.memref_slice %arg6[%dma_start3A_24, %dma_start3A_26, %dma_start3A_27] : memref<2x10x128xi32, #tpu.memory_space<vmem>> -> memref<1x10x128xi32, #tpu.memory_space<vmem>>
    %dma_start3A_29 = tpu.memref_squeeze %dma_start3A_28 : memref<1x10x128xi32, #tpu.memory_space<vmem>> -> memref<10x128xi32, #tpu.memory_space<vmem>>
    %dma_start3A_30 = arith.constant 0 : i32
    %dma_start3A_31 = arith.constant 0 : i32
    %dma_start3A_32 = tpu.memref_slice %arg3[%dma_start3A_22, %add3A, %dma_start3A_23, %dma_start3A_30, %dma_start3A_31] : memref<2x32x8x10x128xi32, #tpu.memory_space<hbm>> -> memref<1x1x1x10x128xi32, #tpu.memory_space<hbm>>
    %dma_start3A_33 = tpu.memref_squeeze %dma_start3A_32 : memref<1x1x1x10x128xi32, #tpu.memory_space<hbm>> -> memref<10x128xi32, #tpu.memory_space<hbm>>
    %dma_start3A_34 = tpu.memref_slice %arg10[%dma_start3A_25] : memref<2x!tpu.dma_semaphore, #tpu.memory_space<semaphore_mem>> -> memref<1x!tpu.dma_semaphore, #tpu.memory_space<semaphore_mem>>
    %dma_start3A_35 = tpu.memref_squeeze %dma_start3A_34 : memref<1x!tpu.dma_semaphore, #tpu.memory_space<semaphore_mem>> -> memref<!tpu.dma_semaphore, #tpu.memory_space<semaphore_mem>>
    %dma_start3A_36 = arith.constant 0 : i32
    %dma_start3A_37 = arith.constant 0 : i32
    %dma_start3A_38 = tpu.memref_slice %arg6[%dma_start3A_24, %dma_start3A_36, %dma_start3A_37] : memref<2x10x128xi32, #tpu.memory_space<vmem>> -> memref<1x10x128xi32, #tpu.memory_space<vmem>>
    %dma_start3A_39 = tpu.memref_squeeze %dma_start3A_38 : memref<1x10x128xi32, #tpu.memory_space<vmem>> -> memref<10x128xi32, #tpu.memory_space<vmem>>
    %dma_start3A_40 = arith.constant 0 : i32
    %dma_start3A_41 = arith.constant 0 : i32
    %dma_start3A_42 = tpu.memref_slice %arg3[%dma_start3A_22, %add3A, %dma_start3A_23, %dma_start3A_40, %dma_start3A_41] : memref<2x32x8x10x128xi32, #tpu.memory_space<hbm>> -> memref<1x1x1x10x128xi32, #tpu.memory_space<hbm>>
    %dma_start3A_43 = tpu.memref_squeeze %dma_start3A_42 : memref<1x1x1x10x128xi32, #tpu.memory_space<hbm>> -> memref<10x128xi32, #tpu.memory_space<hbm>>
    tpu.enqueue_dma source(%dma_start3A_43 : memref<10x128xi32, #tpu.memory_space<hbm>>) target(%dma_start3A_39 : memref<10x128xi32, #tpu.memory_space<vmem>>) target_semaphore(%dma_start3A_35 : memref<!tpu.dma_semaphore, #tpu.memory_space<semaphore_mem>>)
    %broadcast_in_dim3A = arith.constant 0.000000e+00 : f32
    %broadcast_in_dim3A_44 = vector.broadcast %broadcast_in_dim3A : f32 to vector<16xf32>
    %scan3A = arith.constant 0 : i32
    %scan3A_45 = arith.constant 0 : i32
    %scan3A_46 = arith.constant 1024 : i32
    %scan3A_47 = arith.addi %scan3A_45, %scan3A_46 : i32
    %scan3A_48 = arith.constant 1 : i32
    scf.for %scan3A_116 = %scan3A_45 to %scan3A_47 step %scan3A_48  : i32 {
      %jit3A = arith.constant 8 : i32
      %div3A = arith.divsi %scan3A_116, %jit3A : i32
      %sign3A = arith.constant 0 : i32
      %sign3A_117 = arith.cmpi sgt, %scan3A_116, %sign3A : i32
      %sign3A_118 = arith.extui %sign3A_117 : i1 to i32
      %sign3A_119 = arith.constant 0 : i32
      %sign3A_120 = arith.cmpi slt, %scan3A_116, %sign3A_119 : i32
      %sign3A_121 = arith.extui %sign3A_120 : i1 to i32
      %sign3A_122 = arith.subi %sign3A_118, %sign3A_121 : i32
      %sign3A_123 = arith.constant 0 : i32
      %sign3A_124 = arith.cmpi sgt, %jit3A, %sign3A_123 : i32
      %sign3A_125 = arith.extui %sign3A_124 : i1 to i32
      %sign3A_126 = arith.constant 0 : i32
      %sign3A_127 = arith.cmpi slt, %jit3A, %sign3A_126 : i32
      %sign3A_128 = arith.extui %sign3A_127 : i1 to i32
      %sign3A_129 = arith.subi %sign3A_125, %sign3A_128 : i32
      %ne3A = arith.cmpi ne, %sign3A_122, %sign3A_129 : i32
      %rem3A = arith.remsi %scan3A_116, %jit3A : i32
      %ne3A_130 = arith.constant 0 : i32
      %ne3A_131 = arith.cmpi ne, %rem3A, %ne3A_130 : i32
      %and3A = arith.andi %ne3A, %ne3A_131 : i1
      %sub3A = arith.constant 1 : i32
      %sub3A_132 = arith.subi %div3A, %sub3A : i32
      %select_n3A = arith.select %and3A, %sub3A_132, %div3A : i32
      %jit3A_133 = arith.constant 8 : i32
      %eq3A = arith.constant 0 : i32
      %eq3A_134 = arith.cmpi eq, %jit3A_133, %eq3A : i32
      %jit3A_135 = arith.constant 1 : i32
      %select_n3A_136 = arith.select %eq3A_134, %jit3A_135, %jit3A_133 : i32
      %rem3A_137 = arith.remsi %scan3A_116, %select_n3A_136 : i32
      %ne3A_138 = arith.constant 0 : i32
      %ne3A_139 = arith.cmpi ne, %rem3A_137, %ne3A_138 : i32
      %lt3A = arith.constant 0 : i32
      %lt3A_140 = arith.cmpi slt, %rem3A_137, %lt3A : i32
      %lt3A_141 = arith.constant 0 : i32
      %lt3A_142 = arith.cmpi slt, %select_n3A_136, %lt3A_141 : i32
      %ne3A_143 = arith.xori %lt3A_140, %lt3A_142 : i1
      %and3A_144 = arith.andi %ne3A_143, %ne3A_139 : i1
      %add3A_145 = arith.addi %rem3A_137, %select_n3A_136 : i32
      %select_n3A_146 = arith.select %and3A_144, %add3A_145, %rem3A_137 : i32
      %mul3A_147 = arith.constant 16 : i32
      %mul3A_148 = arith.muli %select_n3A_146, %mul3A_147 : i32
      %swap3A = arith.constant 0 : i32
      %swap3A_149 = arith.index_cast %swap3A : i32 to index
      %swap3A_150 = arith.index_cast %select_n3A : i32 to index
      %swap3A_151 = arith.index_cast %mul3A_148 : i32 to index
      %swap3A_152 = tpu.vector_load %arg7[%swap3A_149, %swap3A_150, %swap3A_151] {strides = array<i32>} : memref<2x128x128xf32, #tpu.memory_space<vmem>>, vector<1x1x16xf32>,
      %swap3A_153 = vector.shape_cast %swap3A_152 : vector<1x1x16xf32> to vector<16xf32>
      %swap3A_154 = vector.shape_cast %broadcast_in_dim3A_44 : vector<16xf32> to vector<1x1x16xf32>
      tpu.vector_store %arg7[%swap3A_149, %swap3A_150, %swap3A_151], %swap3A_154 {strides = array<i32>} : memref<2x128x128xf32, #tpu.memory_space<vmem>>, vector<1x1x16xf32>,
    }
    %scan3A_49 = arith.constant 1024 : i32
    %scan3A_50 = arith.constant 0 : i32
    %scan3A_51 = arith.constant 0 : i32
    %scan3A_52 = arith.constant 5 : i32
    %scan3A_53 = arith.addi %scan3A_51, %scan3A_52 : i32
    %scan3A_54 = arith.constant 1 : i32
    scf.for %scan3A_116 = %scan3A_51 to %scan3A_53 step %scan3A_54  : i32 {
      %mul3A_117 = arith.constant 640 : i32
      %mul3A_118 = arith.muli %arg1, %mul3A_117 : i32
      %mul3A_119 = arith.constant 128 : i32
      %mul3A_120 = arith.muli %scan3A_116, %mul3A_119 : i32
      %add3A_121 = arith.addi %mul3A_118, %mul3A_120 : i32
      %jit3A = arith.constant 2 : i32
      %eq3A = arith.constant 0 : i32
      %eq3A_122 = arith.cmpi eq, %jit3A, %eq3A : i32
      %jit3A_123 = arith.constant 1 : i32
      %select_n3A = arith.select %eq3A_122, %jit3A_123, %jit3A : i32
      %rem3A = arith.remsi %scan3A_116, %select_n3A : i32
      %ne3A = arith.constant 0 : i32
      %ne3A_124 = arith.cmpi ne, %rem3A, %ne3A : i32
      %lt3A = arith.constant 0 : i32
      %lt3A_125 = arith.cmpi slt, %rem3A, %lt3A : i32
      %lt3A_126 = arith.constant 0 : i32
      %lt3A_127 = arith.cmpi slt, %select_n3A, %lt3A_126 : i32
      %ne3A_128 = arith.xori %lt3A_125, %lt3A_127 : i1
      %and3A = arith.andi %ne3A_128, %ne3A_124 : i1
      %add3A_129 = arith.addi %rem3A, %select_n3A : i32
      %select_n3A_130 = arith.select %and3A, %add3A_129, %rem3A : i32
      %dma_start3A_131 = arith.constant 0 : i32
      %dma_start3A_132 = arith.constant 0 : i32
      %dma_start3A_133 = arith.constant 0 : i32
      %dma_start3A_134 = tpu.memref_slice %arg7[%dma_start3A_131, %dma_start3A_132, %dma_start3A_133] : memref<2x128x128xf32, #tpu.memory_space<vmem>> -> memref<1x128x128xf32, #tpu.memory_space<vmem>>
      %dma_start3A_135 = tpu.memref_squeeze %dma_start3A_134 : memref<1x128x128xf32, #tpu.memory_space<vmem>> -> memref<128x128xf32, #tpu.memory_space<vmem>>
      %dma_start3A_136 = arith.constant 0 : i32
      %dma_start3A_137 = tpu.memref_slice %arg8[%add3A_121, %dma_start3A_136] : memref<10240x128xf32, #tpu.memory_space<vmem_shared>> -> memref<128x128xf32, #tpu.memory_space<vmem_shared>>
      %dma_start3A_138 = tpu.memref_slice %arg9[%select_n3A_130] : memref<2x!tpu.dma_semaphore, #tpu.memory_space<semaphore_mem>> -> memref<1x!tpu.dma_semaphore, #tpu.memory_space<semaphore_mem>>
      %dma_start3A_139 = tpu.memref_squeeze %dma_start3A_138 : memref<1x!tpu.dma_semaphore, #tpu.memory_space<semaphore_mem>> -> memref<!tpu.dma_semaphore, #tpu.memory_space<semaphore_mem>>
      %dma_start3A_140 = arith.constant 0 : i32
      %dma_start3A_141 = tpu.memref_slice %arg8[%add3A_121, %dma_start3A_140] : memref<10240x128xf32, #tpu.memory_space<vmem_shared>> -> memref<128x128xf32, #tpu.memory_space<vmem_shared>>
      %dma_start3A_142 = arith.constant 0 : i32
      %dma_start3A_143 = arith.constant 0 : i32
      %dma_start3A_144 = tpu.memref_slice %arg7[%dma_start3A_131, %dma_start3A_142, %dma_start3A_143] : memref<2x128x128xf32, #tpu.memory_space<vmem>> -> memref<1x128x128xf32, #tpu.memory_space<vmem>>
      %dma_start3A_145 = tpu.memref_squeeze %dma_start3A_144 : memref<1x128x128xf32, #tpu.memory_space<vmem>> -> memref<128x128xf32, #tpu.memory_space<vmem>>
      tpu.enqueue_dma source(%dma_start3A_145 : memref<128x128xf32, #tpu.memory_space<vmem>>) target(%dma_start3A_141 : memref<128x128xf32, #tpu.memory_space<vmem_shared>>) target_semaphore(%dma_start3A_139 : memref<!tpu.dma_semaphore, #tpu.memory_space<semaphore_mem>>)
    }
    %scan3A_55 = arith.constant 5 : i32
    %scan3A_56 = arith.constant 0 : i32
    %scan3A_57 = arith.constant 0 : i32
    %scan3A_58 = arith.constant 5 : i32
    %scan3A_59 = arith.addi %scan3A_57, %scan3A_58 : i32
    %scan3A_60 = arith.constant 1 : i32
    scf.for %scan3A_116 = %scan3A_57 to %scan3A_59 step %scan3A_60  : i32 {
      %mul3A_117 = arith.constant 640 : i32
      %mul3A_118 = arith.muli %arg1, %mul3A_117 : i32
      %mul3A_119 = arith.constant 128 : i32
      %mul3A_120 = arith.muli %scan3A_116, %mul3A_119 : i32
      %add3A_121 = arith.addi %mul3A_118, %mul3A_120 : i32
      %jit3A = arith.constant 2 : i32
      %eq3A = arith.constant 0 : i32
      %eq3A_122 = arith.cmpi eq, %jit3A, %eq3A : i32
      %jit3A_123 = arith.constant 1 : i32
      %select_n3A = arith.select %eq3A_122, %jit3A_123, %jit3A : i32
      %rem3A = arith.remsi %scan3A_116, %select_n3A : i32
      %ne3A = arith.constant 0 : i32
      %ne3A_124 = arith.cmpi ne, %rem3A, %ne3A : i32
      %lt3A = arith.constant 0 : i32
      %lt3A_125 = arith.cmpi slt, %rem3A, %lt3A : i32
      %lt3A_126 = arith.constant 0 : i32
      %lt3A_127 = arith.cmpi slt, %select_n3A, %lt3A_126 : i32
      %ne3A_128 = arith.xori %lt3A_125, %lt3A_127 : i1
      %and3A = arith.andi %ne3A_128, %ne3A_124 : i1
      %add3A_129 = arith.addi %rem3A, %select_n3A : i32
      %select_n3A_130 = arith.select %and3A, %add3A_129, %rem3A : i32
      %dma_wait3A_131 = arith.constant 0 : i32
      %dma_wait3A_132 = arith.constant 0 : i32
      %dma_wait3A_133 = arith.constant 0 : i32
      %dma_wait3A_134 = tpu.memref_slice %arg7[%dma_wait3A_131, %dma_wait3A_132, %dma_wait3A_133] : memref<2x128x128xf32, #tpu.memory_space<vmem>> -> memref<1x128x128xf32, #tpu.memory_space<vmem>>
      %dma_wait3A_135 = tpu.memref_squeeze %dma_wait3A_134 : memref<1x128x128xf32, #tpu.memory_space<vmem>> -> memref<128x128xf32, #tpu.memory_space<vmem>>
      %dma_wait3A_136 = arith.constant 0 : i32
      %dma_wait3A_137 = tpu.memref_slice %arg8[%add3A_121, %dma_wait3A_136] : memref<10240x128xf32, #tpu.memory_space<vmem_shared>> -> memref<128x128xf32, #tpu.memory_space<vmem_shared>>
      %dma_wait3A_138 = tpu.memref_slice %arg9[%select_n3A_130] : memref<2x!tpu.dma_semaphore, #tpu.memory_space<semaphore_mem>> -> memref<1x!tpu.dma_semaphore, #tpu.memory_space<semaphore_mem>>
      %dma_wait3A_139 = tpu.memref_squeeze %dma_wait3A_138 : memref<1x!tpu.dma_semaphore, #tpu.memory_space<semaphore_mem>> -> memref<!tpu.dma_semaphore, #tpu.memory_space<semaphore_mem>>
      %dma_wait3A_140 = arith.constant 0 : i32
      %dma_wait3A_141 = tpu.memref_slice %arg8[%add3A_121, %dma_wait3A_140] : memref<10240x128xf32, #tpu.memory_space<vmem_shared>> -> memref<128x128xf32, #tpu.memory_space<vmem_shared>>
      %dma_wait3A_142 = arith.constant 0 : i32
      %dma_wait3A_143 = arith.constant 0 : i32
      %dma_wait3A_144 = tpu.memref_slice %arg7[%dma_wait3A_131, %dma_wait3A_142, %dma_wait3A_143] : memref<2x128x128xf32, #tpu.memory_space<vmem>> -> memref<1x128x128xf32, #tpu.memory_space<vmem>>
      %dma_wait3A_145 = tpu.memref_squeeze %dma_wait3A_144 : memref<1x128x128xf32, #tpu.memory_space<vmem>> -> memref<128x128xf32, #tpu.memory_space<vmem>>
      tpu.wait_dma2 semaphore(%dma_wait3A_139 : memref<!tpu.dma_semaphore, #tpu.memory_space<semaphore_mem>>) src(%dma_wait3A_145 : memref<128x128xf32, #tpu.memory_space<vmem>>) dst(%dma_wait3A_141 : memref<128x128xf32, #tpu.memory_space<vmem_shared>>)
    }
    %scan3A_61 = arith.constant 5 : i32
    %dma_wait3A = arith.constant 0 : i32
    %dma_wait3A_62 = arith.constant 0 : i32
    %dma_wait3A_63 = arith.constant 0 : i32
    %dma_wait3A_64 = arith.constant 0 : i32
    %dma_wait3A_65 = arith.constant 0 : i32
    %dma_wait3A_66 = arith.constant 0 : i32
    %dma_wait3A_67 = tpu.memref_slice %arg5[%dma_wait3A_63, %dma_wait3A_65, %dma_wait3A_66] : memref<2x10x128xi32, #tpu.memory_space<vmem>> -> memref<1x10x128xi32, #tpu.memory_space<vmem>>
    %dma_wait3A_68 = tpu.memref_squeeze %dma_wait3A_67 : memref<1x10x128xi32, #tpu.memory_space<vmem>> -> memref<10x128xi32, #tpu.memory_space<vmem>>
    %dma_wait3A_69 = arith.constant 0 : i32
    %dma_wait3A_70 = arith.constant 0 : i32
    %dma_wait3A_71 = tpu.memref_slice %arg3[%dma_wait3A, %add3A, %dma_wait3A_62, %dma_wait3A_69, %dma_wait3A_70] : memref<2x32x8x10x128xi32, #tpu.memory_space<hbm>> -> memref<1x1x1x10x128xi32, #tpu.memory_space<hbm>>
    %dma_wait3A_72 = tpu.memref_squeeze %dma_wait3A_71 : memref<1x1x1x10x128xi32, #tpu.memory_space<hbm>> -> memref<10x128xi32, #tpu.memory_space<hbm>>
    %dma_wait3A_73 = tpu.memref_slice %arg10[%dma_wait3A_64] : memref<2x!tpu.dma_semaphore, #tpu.memory_space<semaphore_mem>> -> memref<1x!tpu.dma_semaphore, #tpu.memory_space<semaphore_mem>>
    %dma_wait3A_74 = tpu.memref_squeeze %dma_wait3A_73 : memref<1x!tpu.dma_semaphore, #tpu.memory_space<semaphore_mem>> -> memref<!tpu.dma_semaphore, #tpu.memory_space<semaphore_mem>>
    %dma_wait3A_75 = arith.constant 0 : i32
    %dma_wait3A_76 = arith.constant 0 : i32
    %dma_wait3A_77 = tpu.memref_slice %arg5[%dma_wait3A_63, %dma_wait3A_75, %dma_wait3A_76] : memref<2x10x128xi32, #tpu.memory_space<vmem>> -> memref<1x10x128xi32, #tpu.memory_space<vmem>>
    %dma_wait3A_78 = tpu.memref_squeeze %dma_wait3A_77 : memref<1x10x128xi32, #tpu.memory_space<vmem>> -> memref<10x128xi32, #tpu.memory_space<vmem>>
    %dma_wait3A_79 = arith.constant 0 : i32
    %dma_wait3A_80 = arith.constant 0 : i32
    %dma_wait3A_81 = tpu.memref_slice %arg3[%dma_wait3A, %add3A, %dma_wait3A_62, %dma_wait3A_79, %dma_wait3A_80] : memref<2x32x8x10x128xi32, #tpu.memory_space<hbm>> -> memref<1x1x1x10x128xi32, #tpu.memory_space<hbm>>
    %dma_wait3A_82 = tpu.memref_squeeze %dma_wait3A_81 : memref<1x1x1x10x128xi32, #tpu.memory_space<hbm>> -> memref<10x128xi32, #tpu.memory_space<hbm>>
    tpu.wait_dma2 semaphore(%dma_wait3A_74 : memref<!tpu.dma_semaphore, #tpu.memory_space<semaphore_mem>>) src(%dma_wait3A_82 : memref<10x128xi32, #tpu.memory_space<hbm>>) dst(%dma_wait3A_78 : memref<10x128xi32, #tpu.memory_space<vmem>>)
    %dma_wait3A_83 = arith.constant 1 : i32
    %dma_wait3A_84 = arith.constant 0 : i32
    %dma_wait3A_85 = arith.constant 0 : i32
    %dma_wait3A_86 = arith.constant 1 : i32
    %dma_wait3A_87 = arith.constant 0 : i32
    %dma_wait3A_88 = arith.constant 0 : i32
    %dma_wait3A_89 = tpu.memref_slice %arg6[%dma_wait3A_85, %dma_wait3A_87, %dma_wait3A_88] : memref<2x10x128xi32, #tpu.memory_space<vmem>> -> memref<1x10x128xi32, #tpu.memory_space<vmem>>
    %dma_wait3A_90 = tpu.memref_squeeze %dma_wait3A_89 : memref<1x10x128xi32, #tpu.memory_space<vmem>> -> memref<10x128xi32, #tpu.memory_space<vmem>>
    %dma_wait3A_91 = arith.constant 0 : i32
    %dma_wait3A_92 = arith.constant 0 : i32
    %dma_wait3A_93 = tpu.memref_slice %arg3[%dma_wait3A_83, %add3A, %dma_wait3A_84, %dma_wait3A_91, %dma_wait3A_92] : memref<2x32x8x10x128xi32, #tpu.memory_space<hbm>> -> memref<1x1x1x10x128xi32, #tpu.memory_space<hbm>>
    %dma_wait3A_94 = tpu.memref_squeeze %dma_wait3A_93 : memref<1x1x1x10x128xi32, #tpu.memory_space<hbm>> -> memref<10x128xi32, #tpu.memory_space<hbm>>
    %dma_wait3A_95 = tpu.memref_slice %arg10[%dma_wait3A_86] : memref<2x!tpu.dma_semaphore, #tpu.memory_space<semaphore_mem>> -> memref<1x!tpu.dma_semaphore, #tpu.memory_space<semaphore_mem>>
    %dma_wait3A_96 = tpu.memref_squeeze %dma_wait3A_95 : memref<1x!tpu.dma_semaphore, #tpu.memory_space<semaphore_mem>> -> memref<!tpu.dma_semaphore, #tpu.memory_space<semaphore_mem>>
    %dma_wait3A_97 = arith.constant 0 : i32
    %dma_wait3A_98 = arith.constant 0 : i32
    %dma_wait3A_99 = tpu.memref_slice %arg6[%dma_wait3A_85, %dma_wait3A_97, %dma_wait3A_98] : memref<2x10x128xi32, #tpu.memory_space<vmem>> -> memref<1x10x128xi32, #tpu.memory_space<vmem>>
    %dma_wait3A_100 = tpu.memref_squeeze %dma_wait3A_99 : memref<1x10x128xi32, #tpu.memory_space<vmem>> -> memref<10x128xi32, #tpu.memory_space<vmem>>
    %dma_wait3A_101 = arith.constant 0 : i32
    %dma_wait3A_102 = arith.constant 0 : i32
    %dma_wait3A_103 = tpu.memref_slice %arg3[%dma_wait3A_83, %add3A, %dma_wait3A_84, %dma_wait3A_101, %dma_wait3A_102] : memref<2x32x8x10x128xi32, #tpu.memory_space<hbm>> -> memref<1x1x1x10x128xi32, #tpu.memory_space<hbm>>
    %dma_wait3A_104 = tpu.memref_squeeze %dma_wait3A_103 : memref<1x1x1x10x128xi32, #tpu.memory_space<hbm>> -> memref<10x128xi32, #tpu.memory_space<hbm>>
    tpu.wait_dma2 semaphore(%dma_wait3A_96 : memref<!tpu.dma_semaphore, #tpu.memory_space<semaphore_mem>>) src(%dma_wait3A_104 : memref<10x128xi32, #tpu.memory_space<hbm>>) dst(%dma_wait3A_100 : memref<10x128xi32, #tpu.memory_space<vmem>>)
    %barrier3A = arith.constant 0 : index
    tpu.barrier barrier_id(%barrier3A)
    %scan3A_105 = arith.constant 0 : i32
    %scan3A_106 = arith.constant 0 : i32
    %scan3A_107 = arith.constant 8 : i32
    %scan3A_108 = arith.addi %scan3A_106, %scan3A_107 : i32
    %scan3A_109 = arith.constant 1 : i32
    scf.for %scan3A_116 = %scan3A_106 to %scan3A_108 step %scan3A_109  : i32 {
      %jit3A = arith.constant 2 : i32
      %eq3A = arith.constant 0 : i32
      %eq3A_117 = arith.cmpi eq, %jit3A, %eq3A : i32
      %jit3A_118 = arith.constant 1 : i32
      %select_n3A = arith.select %eq3A_117, %jit3A_118, %jit3A : i32
      %rem3A = arith.remsi %scan3A_116, %select_n3A : i32
      %ne3A = arith.constant 0 : i32
      %ne3A_119 = arith.cmpi ne, %rem3A, %ne3A : i32
      %lt3A = arith.constant 0 : i32
      %lt3A_120 = arith.cmpi slt, %rem3A, %lt3A : i32
      %lt3A_121 = arith.constant 0 : i32
      %lt3A_122 = arith.cmpi slt, %select_n3A, %lt3A_121 : i32
      %ne3A_123 = arith.xori %lt3A_120, %lt3A_122 : i1
      %and3A = arith.andi %ne3A_123, %ne3A_119 : i1
      %add3A_124 = arith.addi %rem3A, %select_n3A : i32
      %select_n3A_125 = arith.select %and3A, %add3A_124, %rem3A : i32
      %add3A_126 = arith.constant 1 : i32
      %add3A_127 = arith.addi %scan3A_116, %add3A_126 : i32
      %jit3A_128 = arith.constant 2 : i32
      %eq3A_129 = arith.constant 0 : i32
      %eq3A_130 = arith.cmpi eq, %jit3A_128, %eq3A_129 : i32
      %jit3A_131 = arith.constant 1 : i32
      %select_n3A_132 = arith.select %eq3A_130, %jit3A_131, %jit3A_128 : i32
      %rem3A_133 = arith.remsi %add3A_127, %select_n3A_132 : i32
      %ne3A_134 = arith.constant 0 : i32
      %ne3A_135 = arith.cmpi ne, %rem3A_133, %ne3A_134 : i32
      %lt3A_136 = arith.constant 0 : i32
      %lt3A_137 = arith.cmpi slt, %rem3A_133, %lt3A_136 : i32
      %lt3A_138 = arith.constant 0 : i32
      %lt3A_139 = arith.cmpi slt, %select_n3A_132, %lt3A_138 : i32
      %ne3A_140 = arith.xori %lt3A_137, %lt3A_139 : i1
      %and3A_141 = arith.andi %ne3A_140, %ne3A_135 : i1
      %add3A_142 = arith.addi %rem3A_133, %select_n3A_132 : i32
      %select_n3A_143 = arith.select %and3A_141, %add3A_142, %rem3A_133 : i32
      %gt3A = arith.constant 0 : i32
      %gt3A_144 = arith.cmpi sgt, %scan3A_116, %gt3A : i32
      %convert_element_type3A = arith.extui %gt3A_144 : i1 to i32
      %cond3A = arith.constant 0 : i32
      %cond3A_145 = arith.cmpi ne, %convert_element_type3A, %cond3A : i32
      scf.if %cond3A_145 {
        %dma_wait3A_165 = arith.constant 0 : i32
        %dma_wait3A_166 = arith.constant 0 : i32
        %dma_wait3A_167 = arith.constant 0 : i32
        %dma_wait3A_168 = arith.constant 0 : i32
        %dma_wait3A_169 = tpu.memref_slice %arg5[%select_n3A_125, %dma_wait3A_167, %dma_wait3A_168] : memref<2x10x128xi32, #tpu.memory_space<vmem>> -> memref<1x10x128xi32, #tpu.memory_space<vmem>>
        %dma_wait3A_170 = tpu.memref_squeeze %dma_wait3A_169 : memref<1x10x128xi32, #tpu.memory_space<vmem>> -> memref<10x128xi32, #tpu.memory_space<vmem>>
        %dma_wait3A_171 = arith.constant 0 : i32
        %dma_wait3A_172 = arith.constant 0 : i32
        %dma_wait3A_173 = tpu.memref_slice %arg3[%dma_wait3A_165, %add3A, %scan3A_116, %dma_wait3A_171, %dma_wait3A_172] : memref<2x32x8x10x128xi32, #tpu.memory_space<hbm>> -> memref<1x1x1x10x128xi32, #tpu.memory_space<hbm>>
        %dma_wait3A_174 = tpu.memref_squeeze %dma_wait3A_173 : memref<1x1x1x10x128xi32, #tpu.memory_space<hbm>> -> memref<10x128xi32, #tpu.memory_space<hbm>>
        %dma_wait3A_175 = tpu.memref_slice %arg10[%dma_wait3A_166] : memref<2x!tpu.dma_semaphore, #tpu.memory_space<semaphore_mem>> -> memref<1x!tpu.dma_semaphore, #tpu.memory_space<semaphore_mem>>
        %dma_wait3A_176 = tpu.memref_squeeze %dma_wait3A_175 : memref<1x!tpu.dma_semaphore, #tpu.memory_space<semaphore_mem>> -> memref<!tpu.dma_semaphore, #tpu.memory_space<semaphore_mem>>
        %dma_wait3A_177 = arith.constant 0 : i32
        %dma_wait3A_178 = arith.constant 0 : i32
        %dma_wait3A_179 = tpu.memref_slice %arg5[%select_n3A_125, %dma_wait3A_177, %dma_wait3A_178] : memref<2x10x128xi32, #tpu.memory_space<vmem>> -> memref<1x10x128xi32, #tpu.memory_space<vmem>>
        %dma_wait3A_180 = tpu.memref_squeeze %dma_wait3A_179 : memref<1x10x128xi32, #tpu.memory_space<vmem>> -> memref<10x128xi32, #tpu.memory_space<vmem>>
        %dma_wait3A_181 = arith.constant 0 : i32
        %dma_wait3A_182 = arith.constant 0 : i32
        %dma_wait3A_183 = tpu.memref_slice %arg3[%dma_wait3A_165, %add3A, %scan3A_116, %dma_wait3A_181, %dma_wait3A_182] : memref<2x32x8x10x128xi32, #tpu.memory_space<hbm>> -> memref<1x1x1x10x128xi32, #tpu.memory_space<hbm>>
        %dma_wait3A_184 = tpu.memref_squeeze %dma_wait3A_183 : memref<1x1x1x10x128xi32, #tpu.memory_space<hbm>> -> memref<10x128xi32, #tpu.memory_space<hbm>>
        tpu.wait_dma2 semaphore(%dma_wait3A_176 : memref<!tpu.dma_semaphore, #tpu.memory_space<semaphore_mem>>) src(%dma_wait3A_184 : memref<10x128xi32, #tpu.memory_space<hbm>>) dst(%dma_wait3A_180 : memref<10x128xi32, #tpu.memory_space<vmem>>)
        %dma_wait3A_185 = arith.constant 1 : i32
        %dma_wait3A_186 = arith.constant 1 : i32
        %dma_wait3A_187 = arith.constant 0 : i32
        %dma_wait3A_188 = arith.constant 0 : i32
        %dma_wait3A_189 = tpu.memref_slice %arg6[%select_n3A_125, %dma_wait3A_187, %dma_wait3A_188] : memref<2x10x128xi32, #tpu.memory_space<vmem>> -> memref<1x10x128xi32, #tpu.memory_space<vmem>>
        %dma_wait3A_190 = tpu.memref_squeeze %dma_wait3A_189 : memref<1x10x128xi32, #tpu.memory_space<vmem>> -> memref<10x128xi32, #tpu.memory_space<vmem>>
        %dma_wait3A_191 = arith.constant 0 : i32
        %dma_wait3A_192 = arith.constant 0 : i32
        %dma_wait3A_193 = tpu.memref_slice %arg3[%dma_wait3A_185, %add3A, %scan3A_116, %dma_wait3A_191, %dma_wait3A_192] : memref<2x32x8x10x128xi32, #tpu.memory_space<hbm>> -> memref<1x1x1x10x128xi32, #tpu.memory_space<hbm>>
        %dma_wait3A_194 = tpu.memref_squeeze %dma_wait3A_193 : memref<1x1x1x10x128xi32, #tpu.memory_space<hbm>> -> memref<10x128xi32, #tpu.memory_space<hbm>>
        %dma_wait3A_195 = tpu.memref_slice %arg10[%dma_wait3A_186] : memref<2x!tpu.dma_semaphore, #tpu.memory_space<semaphore_mem>> -> memref<1x!tpu.dma_semaphore, #tpu.memory_space<semaphore_mem>>
        %dma_wait3A_196 = tpu.memref_squeeze %dma_wait3A_195 : memref<1x!tpu.dma_semaphore, #tpu.memory_space<semaphore_mem>> -> memref<!tpu.dma_semaphore, #tpu.memory_space<semaphore_mem>>
        %dma_wait3A_197 = arith.constant 0 : i32
        %dma_wait3A_198 = arith.constant 0 : i32
        %dma_wait3A_199 = tpu.memref_slice %arg6[%select_n3A_125, %dma_wait3A_197, %dma_wait3A_198] : memref<2x10x128xi32, #tpu.memory_space<vmem>> -> memref<1x10x128xi32, #tpu.memory_space<vmem>>
        %dma_wait3A_200 = tpu.memref_squeeze %dma_wait3A_199 : memref<1x10x128xi32, #tpu.memory_space<vmem>> -> memref<10x128xi32, #tpu.memory_space<vmem>>
        %dma_wait3A_201 = arith.constant 0 : i32
        %dma_wait3A_202 = arith.constant 0 : i32
        %dma_wait3A_203 = tpu.memref_slice %arg3[%dma_wait3A_185, %add3A, %scan3A_116, %dma_wait3A_201, %dma_wait3A_202] : memref<2x32x8x10x128xi32, #tpu.memory_space<hbm>> -> memref<1x1x1x10x128xi32, #tpu.memory_space<hbm>>
        %dma_wait3A_204 = tpu.memref_squeeze %dma_wait3A_203 : memref<1x1x1x10x128xi32, #tpu.memory_space<hbm>> -> memref<10x128xi32, #tpu.memory_space<hbm>>
        tpu.wait_dma2 semaphore(%dma_wait3A_196 : memref<!tpu.dma_semaphore, #tpu.memory_space<semaphore_mem>>) src(%dma_wait3A_204 : memref<10x128xi32, #tpu.memory_space<hbm>>) dst(%dma_wait3A_200 : memref<10x128xi32, #tpu.memory_space<vmem>>)
      } else {
      }
      %add3A_146 = arith.constant 1 : i32
      %add3A_147 = arith.addi %scan3A_116, %add3A_146 : i32
      %lt3A_148 = arith.constant 8 : i32
      %lt3A_149 = arith.cmpi slt, %add3A_147, %lt3A_148 : i32
      %convert_element_type3A_150 = arith.extui %lt3A_149 : i1 to i32
      %cond3A_151 = arith.constant 0 : i32
      %cond3A_152 = arith.cmpi ne, %convert_element_type3A_150, %cond3A_151 : i32
      scf.if %cond3A_152 {
        %add3A_165 = arith.constant 1 : i32
        %add3A_166 = arith.addi %scan3A_116, %add3A_165 : i32
        %dma_start3A_167 = arith.constant 0 : i32
        %dma_start3A_168 = arith.constant 0 : i32
        %dma_start3A_169 = arith.constant 0 : i32
        %dma_start3A_170 = arith.constant 0 : i32
        %dma_start3A_171 = tpu.memref_slice %arg5[%select_n3A_143, %dma_start3A_169, %dma_start3A_170] : memref<2x10x128xi32, #tpu.memory_space<vmem>> -> memref<1x10x128xi32, #tpu.memory_space<vmem>>
        %dma_start3A_172 = tpu.memref_squeeze %dma_start3A_171 : memref<1x10x128xi32, #tpu.memory_space<vmem>> -> memref<10x128xi32, #tpu.memory_space<vmem>>
        %dma_start3A_173 = arith.constant 0 : i32
        %dma_start3A_174 = arith.constant 0 : i32
        %dma_start3A_175 = tpu.memref_slice %arg3[%dma_start3A_167, %add3A, %add3A_166, %dma_start3A_173, %dma_start3A_174] : memref<2x32x8x10x128xi32, #tpu.memory_space<hbm>> -> memref<1x1x1x10x128xi32, #tpu.memory_space<hbm>>
        %dma_start3A_176 = tpu.memref_squeeze %dma_start3A_175 : memref<1x1x1x10x128xi32, #tpu.memory_space<hbm>> -> memref<10x128xi32, #tpu.memory_space<hbm>>
        %dma_start3A_177 = tpu.memref_slice %arg10[%dma_start3A_168] : memref<2x!tpu.dma_semaphore, #tpu.memory_space<semaphore_mem>> -> memref<1x!tpu.dma_semaphore, #tpu.memory_space<semaphore_mem>>
        %dma_start3A_178 = tpu.memref_squeeze %dma_start3A_177 : memref<1x!tpu.dma_semaphore, #tpu.memory_space<semaphore_mem>> -> memref<!tpu.dma_semaphore, #tpu.memory_space<semaphore_mem>>
        %dma_start3A_179 = arith.constant 0 : i32
        %dma_start3A_180 = arith.constant 0 : i32
        %dma_start3A_181 = tpu.memref_slice %arg5[%select_n3A_143, %dma_start3A_179, %dma_start3A_180] : memref<2x10x128xi32, #tpu.memory_space<vmem>> -> memref<1x10x128xi32, #tpu.memory_space<vmem>>
        %dma_start3A_182 = tpu.memref_squeeze %dma_start3A_181 : memref<1x10x128xi32, #tpu.memory_space<vmem>> -> memref<10x128xi32, #tpu.memory_space<vmem>>
        %dma_start3A_183 = arith.constant 0 : i32
        %dma_start3A_184 = arith.constant 0 : i32
        %dma_start3A_185 = tpu.memref_slice %arg3[%dma_start3A_167, %add3A, %add3A_166, %dma_start3A_183, %dma_start3A_184] : memref<2x32x8x10x128xi32, #tpu.memory_space<hbm>> -> memref<1x1x1x10x128xi32, #tpu.memory_space<hbm>>
        %dma_start3A_186 = tpu.memref_squeeze %dma_start3A_185 : memref<1x1x1x10x128xi32, #tpu.memory_space<hbm>> -> memref<10x128xi32, #tpu.memory_space<hbm>>
        tpu.enqueue_dma source(%dma_start3A_186 : memref<10x128xi32, #tpu.memory_space<hbm>>) target(%dma_start3A_182 : memref<10x128xi32, #tpu.memory_space<vmem>>) target_semaphore(%dma_start3A_178 : memref<!tpu.dma_semaphore, #tpu.memory_space<semaphore_mem>>)
        %add3A_187 = arith.constant 1 : i32
        %add3A_188 = arith.addi %scan3A_116, %add3A_187 : i32
        %dma_start3A_189 = arith.constant 1 : i32
        %dma_start3A_190 = arith.constant 1 : i32
        %dma_start3A_191 = arith.constant 0 : i32
        %dma_start3A_192 = arith.constant 0 : i32
        %dma_start3A_193 = tpu.memref_slice %arg6[%select_n3A_143, %dma_start3A_191, %dma_start3A_192] : memref<2x10x128xi32, #tpu.memory_space<vmem>> -> memref<1x10x128xi32, #tpu.memory_space<vmem>>
        %dma_start3A_194 = tpu.memref_squeeze %dma_start3A_193 : memref<1x10x128xi32, #tpu.memory_space<vmem>> -> memref<10x128xi32, #tpu.memory_space<vmem>>
        %dma_start3A_195 = arith.constant 0 : i32
        %dma_start3A_196 = arith.constant 0 : i32
        %dma_start3A_197 = tpu.memref_slice %arg3[%dma_start3A_189, %add3A, %add3A_188, %dma_start3A_195, %dma_start3A_196] : memref<2x32x8x10x128xi32, #tpu.memory_space<hbm>> -> memref<1x1x1x10x128xi32, #tpu.memory_space<hbm>>
        %dma_start3A_198 = tpu.memref_squeeze %dma_start3A_197 : memref<1x1x1x10x128xi32, #tpu.memory_space<hbm>> -> memref<10x128xi32, #tpu.memory_space<hbm>>
        %dma_start3A_199 = tpu.memref_slice %arg10[%dma_start3A_190] : memref<2x!tpu.dma_semaphore, #tpu.memory_space<semaphore_mem>> -> memref<1x!tpu.dma_semaphore, #tpu.memory_space<semaphore_mem>>
        %dma_start3A_200 = tpu.memref_squeeze %dma_start3A_199 : memref<1x!tpu.dma_semaphore, #tpu.memory_space<semaphore_mem>> -> memref<!tpu.dma_semaphore, #tpu.memory_space<semaphore_mem>>
        %dma_start3A_201 = arith.constant 0 : i32
        %dma_start3A_202 = arith.constant 0 : i32
        %dma_start3A_203 = tpu.memref_slice %arg6[%select_n3A_143, %dma_start3A_201, %dma_start3A_202] : memref<2x10x128xi32, #tpu.memory_space<vmem>> -> memref<1x10x128xi32, #tpu.memory_space<vmem>>
        %dma_start3A_204 = tpu.memref_squeeze %dma_start3A_203 : memref<1x10x128xi32, #tpu.memory_space<vmem>> -> memref<10x128xi32, #tpu.memory_space<vmem>>
        %dma_start3A_205 = arith.constant 0 : i32
        %dma_start3A_206 = arith.constant 0 : i32
        %dma_start3A_207 = tpu.memref_slice %arg3[%dma_start3A_189, %add3A, %add3A_188, %dma_start3A_205, %dma_start3A_206] : memref<2x32x8x10x128xi32, #tpu.memory_space<hbm>> -> memref<1x1x1x10x128xi32, #tpu.memory_space<hbm>>
        %dma_start3A_208 = tpu.memref_squeeze %dma_start3A_207 : memref<1x1x1x10x128xi32, #tpu.memory_space<hbm>> -> memref<10x128xi32, #tpu.memory_space<hbm>>
        tpu.enqueue_dma source(%dma_start3A_208 : memref<10x128xi32, #tpu.memory_space<hbm>>) target(%dma_start3A_204 : memref<10x128xi32, #tpu.memory_space<vmem>>) target_semaphore(%dma_start3A_200 : memref<!tpu.dma_semaphore, #tpu.memory_space<semaphore_mem>>)
      } else {
      }
      %scan3A_153 = arith.constant 0 : i32
      %scan3A_154 = arith.constant 0 : i32
      %scan3A_155 = arith.constant 2 : i32
      %scan3A_156 = arith.addi %scan3A_154, %scan3A_155 : i32
      %scan3A_157 = arith.constant 1 : i32
      scf.for %scan3A_165 = %scan3A_154 to %scan3A_156 step %scan3A_157  : i32 {
        %jit3A_166 = arith.constant 2 : i32
        %eq3A_167 = arith.constant 0 : i32
        %eq3A_168 = arith.cmpi eq, %jit3A_166, %eq3A_167 : i32
        %jit3A_169 = arith.constant 1 : i32
        %select_n3A_170 = arith.select %eq3A_168, %jit3A_169, %jit3A_166 : i32
        %rem3A_171 = arith.remsi %scan3A_165, %select_n3A_170 : i32
        %ne3A_172 = arith.constant 0 : i32
        %ne3A_173 = arith.cmpi ne, %rem3A_171, %ne3A_172 : i32
        %lt3A_174 = arith.constant 0 : i32
        %lt3A_175 = arith.cmpi slt, %rem3A_171, %lt3A_174 : i32
        %lt3A_176 = arith.constant 0 : i32
        %lt3A_177 = arith.cmpi slt, %select_n3A_170, %lt3A_176 : i32
        %ne3A_178 = arith.xori %lt3A_175, %lt3A_177 : i1
        %and3A_179 = arith.andi %ne3A_178, %ne3A_173 : i1
        %add3A_180 = arith.addi %rem3A_171, %select_n3A_170 : i32
        %select_n3A_181 = arith.select %and3A_179, %add3A_180, %rem3A_171 : i32
        %dma_start3A_182 = arith.constant 0 : i32
        %dma_start3A_183 = arith.constant 0 : i32
        %dma_start3A_184 = tpu.memref_slice %arg7[%select_n3A_181, %dma_start3A_182, %dma_start3A_183] : memref<2x128x128xf32, #tpu.memory_space<vmem>> -> memref<1x128x128xf32, #tpu.memory_space<vmem>>
        %dma_start3A_185 = tpu.memref_squeeze %dma_start3A_184 : memref<1x128x128xf32, #tpu.memory_space<vmem>> -> memref<128x128xf32, #tpu.memory_space<vmem>>
        %dma_start3A_186 = arith.constant 0 : i32
        %dma_start3A_187 = tpu.memref_slice %arg5[%select_n3A_125, %scan3A_165, %dma_start3A_186] : memref<2x10x128xi32, #tpu.memory_space<vmem>> -> memref<1x1x128xi32, #tpu.memory_space<vmem>>
        %dma_start3A_188 = tpu.memref_squeeze %dma_start3A_187 : memref<1x1x128xi32, #tpu.memory_space<vmem>> -> memref<128xi32, #tpu.memory_space<vmem>>
        %dma_start3A_189 = arith.constant 0 : i32
        %dma_start3A_190 = arith.constant 0 : i32
        %dma_start3A_191 = tpu.memref_slice %arg2[%dma_start3A_189, %dma_start3A_190] : memref<10000x128xf32, #tpu.memory_space<hbm>> -> memref<10000x128xf32, #tpu.memory_space<hbm>>
        %dma_start3A_192 = tpu.memref_slice %arg9[%select_n3A_181] : memref<2x!tpu.dma_semaphore, #tpu.memory_space<semaphore_mem>> -> memref<1x!tpu.dma_semaphore, #tpu.memory_space<semaphore_mem>>
        %dma_start3A_193 = tpu.memref_squeeze %dma_start3A_192 : memref<1x!tpu.dma_semaphore, #tpu.memory_space<semaphore_mem>> -> memref<!tpu.dma_semaphore, #tpu.memory_space<semaphore_mem>>
        tpu.enqueue_indirect_dma source(%dma_start3A_191 : memref<10000x128xf32, #tpu.memory_space<hbm>>) target(%dma_start3A_185 : memref<128x128xf32, #tpu.memory_space<vmem>>) offsets(%dma_start3A_188 : memref<128xi32, #tpu.memory_space<vmem>>) semaphore(%dma_start3A_193 : memref<!tpu.dma_semaphore, #tpu.memory_space<semaphore_mem>>)
      }
      %scan3A_158 = arith.constant 2 : i32
      %scan3A_159 = arith.constant 0 : i32
      %scan3A_160 = arith.constant 0 : i32
      %scan3A_161 = arith.constant 10 : i32
      %scan3A_162 = arith.addi %scan3A_160, %scan3A_161 : i32
      %scan3A_163 = arith.constant 1 : i32
      scf.for %scan3A_165 = %scan3A_160 to %scan3A_162 step %scan3A_163  : i32 {
        %jit3A_166 = arith.constant 2 : i32
        %eq3A_167 = arith.constant 0 : i32
        %eq3A_168 = arith.cmpi eq, %jit3A_166, %eq3A_167 : i32
        %jit3A_169 = arith.constant 1 : i32
        %select_n3A_170 = arith.select %eq3A_168, %jit3A_169, %jit3A_166 : i32
        %rem3A_171 = arith.remsi %scan3A_165, %select_n3A_170 : i32
        %ne3A_172 = arith.constant 0 : i32
        %ne3A_173 = arith.cmpi ne, %rem3A_171, %ne3A_172 : i32
        %lt3A_174 = arith.constant 0 : i32
        %lt3A_175 = arith.cmpi slt, %rem3A_171, %lt3A_174 : i32
        %lt3A_176 = arith.constant 0 : i32
        %lt3A_177 = arith.cmpi slt, %select_n3A_170, %lt3A_176 : i32
        %ne3A_178 = arith.xori %lt3A_175, %lt3A_177 : i1
        %and3A_179 = arith.andi %ne3A_178, %ne3A_173 : i1
        %add3A_180 = arith.addi %rem3A_171, %select_n3A_170 : i32
        %select_n3A_181 = arith.select %and3A_179, %add3A_180, %rem3A_171 : i32
        %dma_wait3A_182 = arith.constant 0 : i32
        %dma_wait3A_183 = arith.constant 0 : i32
        %dma_wait3A_184 = tpu.memref_slice %arg7[%select_n3A_181, %dma_wait3A_182, %dma_wait3A_183] : memref<2x128x128xf32, #tpu.memory_space<vmem>> -> memref<1x128x128xf32, #tpu.memory_space<vmem>>
        %dma_wait3A_185 = tpu.memref_squeeze %dma_wait3A_184 : memref<1x128x128xf32, #tpu.memory_space<vmem>> -> memref<128x128xf32, #tpu.memory_space<vmem>>
        %dma_wait3A_186 = arith.constant 0 : i32
        %dma_wait3A_187 = tpu.memref_slice %arg5[%select_n3A_125, %scan3A_165, %dma_wait3A_186] : memref<2x10x128xi32, #tpu.memory_space<vmem>> -> memref<1x1x128xi32, #tpu.memory_space<vmem>>
        %dma_wait3A_188 = tpu.memref_squeeze %dma_wait3A_187 : memref<1x1x128xi32, #tpu.memory_space<vmem>> -> memref<128xi32, #tpu.memory_space<vmem>>
        %dma_wait3A_189 = arith.constant 0 : i32
        %dma_wait3A_190 = arith.constant 0 : i32
        %dma_wait3A_191 = tpu.memref_slice %arg2[%dma_wait3A_189, %dma_wait3A_190] : memref<10000x128xf32, #tpu.memory_space<hbm>> -> memref<10000x128xf32, #tpu.memory_space<hbm>>
        %dma_wait3A_192 = tpu.memref_slice %arg9[%select_n3A_181] : memref<2x!tpu.dma_semaphore, #tpu.memory_space<semaphore_mem>> -> memref<1x!tpu.dma_semaphore, #tpu.memory_space<semaphore_mem>>
        %dma_wait3A_193 = tpu.memref_squeeze %dma_wait3A_192 : memref<1x!tpu.dma_semaphore, #tpu.memory_space<semaphore_mem>> -> memref<!tpu.dma_semaphore, #tpu.memory_space<semaphore_mem>>
        tpu.wait_indirect_dma semaphore(%dma_wait3A_193 : memref<!tpu.dma_semaphore, #tpu.memory_space<semaphore_mem>>) src(%dma_wait3A_191 : memref<10000x128xf32, #tpu.memory_space<hbm>>) dst(%dma_wait3A_185 : memref<128x128xf32, #tpu.memory_space<vmem>>)
        "tpu.region"() ({
          %run_scoped3A = tpu.sem_alloc : memref<!tpu.dma_semaphore, #tpu.memory_space<semaphore_mem>>
          %dma_start3A_201 = arith.constant 0 : i32
          %dma_start3A_202 = arith.constant 0 : i32
          %dma_start3A_203 = tpu.memref_slice %arg7[%select_n3A_181, %dma_start3A_201, %dma_start3A_202] : memref<2x128x128xf32, #tpu.memory_space<vmem>> -> memref<1x128x128xf32, #tpu.memory_space<vmem>>
          %dma_start3A_204 = tpu.memref_squeeze %dma_start3A_203 : memref<1x128x128xf32, #tpu.memory_space<vmem>> -> memref<128x128xf32, #tpu.memory_space<vmem>>
          %dma_start3A_205 = arith.constant 0 : i32
          %dma_start3A_206 = tpu.memref_slice %arg6[%select_n3A_125, %scan3A_165, %dma_start3A_205] : memref<2x10x128xi32, #tpu.memory_space<vmem>> -> memref<1x1x128xi32, #tpu.memory_space<vmem>>
          %dma_start3A_207 = tpu.memref_squeeze %dma_start3A_206 : memref<1x1x128xi32, #tpu.memory_space<vmem>> -> memref<128xi32, #tpu.memory_space<vmem>>
          %dma_start3A_208 = arith.constant 0 : i32
          %dma_start3A_209 = arith.constant 0 : i32
          %dma_start3A_210 = tpu.memref_slice %arg8[%dma_start3A_208, %dma_start3A_209] : memref<10240x128xf32, #tpu.memory_space<vmem_shared>> -> memref<10240x128xf32, #tpu.memory_space<vmem_shared>>
          tpu.enqueue_indirect_dma source(%dma_start3A_204 : memref<128x128xf32, #tpu.memory_space<vmem>>) target(%dma_start3A_210 : memref<10240x128xf32, #tpu.memory_space<vmem_shared>>) offsets(%dma_start3A_207 : memref<128xi32, #tpu.memory_space<vmem>>) semaphore(%run_scoped3A : memref<!tpu.dma_semaphore, #tpu.memory_space<semaphore_mem>>) {add = true}
          %dma_wait3A_211 = arith.constant 0 : i32
          %dma_wait3A_212 = arith.constant 0 : i32
          %dma_wait3A_213 = tpu.memref_slice %arg7[%select_n3A_181, %dma_wait3A_211, %dma_wait3A_212] : memref<2x128x128xf32, #tpu.memory_space<vmem>> -> memref<1x128x128xf32, #tpu.memory_space<vmem>>
          %dma_wait3A_214 = tpu.memref_squeeze %dma_wait3A_213 : memref<1x128x128xf32, #tpu.memory_space<vmem>> -> memref<128x128xf32, #tpu.memory_space<vmem>>
          %dma_wait3A_215 = arith.constant 0 : i32
          %dma_wait3A_216 = tpu.memref_slice %arg6[%select_n3A_125, %scan3A_165, %dma_wait3A_215] : memref<2x10x128xi32, #tpu.memory_space<vmem>> -> memref<1x1x128xi32, #tpu.memory_space<vmem>>
          %dma_wait3A_217 = tpu.memref_squeeze %dma_wait3A_216 : memref<1x1x128xi32, #tpu.memory_space<vmem>> -> memref<128xi32, #tpu.memory_space<vmem>>
          %dma_wait3A_218 = arith.constant 0 : i32
          %dma_wait3A_219 = arith.constant 0 : i32
          %dma_wait3A_220 = tpu.memref_slice %arg8[%dma_wait3A_218, %dma_wait3A_219] : memref<10240x128xf32, #tpu.memory_space<vmem_shared>> -> memref<10240x128xf32, #tpu.memory_space<vmem_shared>>
          tpu.wait_indirect_dma semaphore(%run_scoped3A : memref<!tpu.dma_semaphore, #tpu.memory_space<semaphore_mem>>) src(%dma_wait3A_214 : memref<128x128xf32, #tpu.memory_space<vmem>>) dst(%dma_wait3A_220 : memref<10240x128xf32, #tpu.memory_space<vmem_shared>>)
          tpu.yield
        }) : () -> ()
        %add3A_194 = arith.constant 2 : i32
        %add3A_195 = arith.addi %scan3A_165, %add3A_194 : i32
        %lt3A_196 = arith.constant 10 : i32
        %lt3A_197 = arith.cmpi slt, %add3A_195, %lt3A_196 : i32
        %convert_element_type3A_198 = arith.extui %lt3A_197 : i1 to i32
        %cond3A_199 = arith.constant 0 : i32
        %cond3A_200 = arith.cmpi ne, %convert_element_type3A_198, %cond3A_199 : i32
        scf.if %cond3A_200 {
          %add3A_201 = arith.constant 2 : i32
          %add3A_202 = arith.addi %scan3A_165, %add3A_201 : i32
          %jit3A_203 = arith.constant 2 : i32
          %eq3A_204 = arith.constant 0 : i32
          %eq3A_205 = arith.cmpi eq, %jit3A_203, %eq3A_204 : i32
          %jit3A_206 = arith.constant 1 : i32
          %select_n3A_207 = arith.select %eq3A_205, %jit3A_206, %jit3A_203 : i32
          %rem3A_208 = arith.remsi %add3A_202, %select_n3A_207 : i32
          %ne3A_209 = arith.constant 0 : i32
          %ne3A_210 = arith.cmpi ne, %rem3A_208, %ne3A_209 : i32
          %lt3A_211 = arith.constant 0 : i32
          %lt3A_212 = arith.cmpi slt, %rem3A_208, %lt3A_211 : i32
          %lt3A_213 = arith.constant 0 : i32
          %lt3A_214 = arith.cmpi slt, %select_n3A_207, %lt3A_213 : i32
          %ne3A_215 = arith.xori %lt3A_212, %lt3A_214 : i1
          %and3A_216 = arith.andi %ne3A_215, %ne3A_210 : i1
          %add3A_217 = arith.addi %rem3A_208, %select_n3A_207 : i32
          %select_n3A_218 = arith.select %and3A_216, %add3A_217, %rem3A_208 : i32
          %dma_start3A_219 = arith.constant 0 : i32
          %dma_start3A_220 = arith.constant 0 : i32
          %dma_start3A_221 = tpu.memref_slice %arg7[%select_n3A_218, %dma_start3A_219, %dma_start3A_220] : memref<2x128x128xf32, #tpu.memory_space<vmem>> -> memref<1x128x128xf32, #tpu.memory_space<vmem>>
          %dma_start3A_222 = tpu.memref_squeeze %dma_start3A_221 : memref<1x128x128xf32, #tpu.memory_space<vmem>> -> memref<128x128xf32, #tpu.memory_space<vmem>>
          %dma_start3A_223 = arith.constant 0 : i32
          %dma_start3A_224 = tpu.memref_slice %arg5[%select_n3A_125, %add3A_202, %dma_start3A_223] : memref<2x10x128xi32, #tpu.memory_space<vmem>> -> memref<1x1x128xi32, #tpu.memory_space<vmem>>
          %dma_start3A_225 = tpu.memref_squeeze %dma_start3A_224 : memref<1x1x128xi32, #tpu.memory_space<vmem>> -> memref<128xi32, #tpu.memory_space<vmem>>
          %dma_start3A_226 = arith.constant 0 : i32
          %dma_start3A_227 = arith.constant 0 : i32
          %dma_start3A_228 = tpu.memref_slice %arg2[%dma_start3A_226, %dma_start3A_227] : memref<10000x128xf32, #tpu.memory_space<hbm>> -> memref<10000x128xf32, #tpu.memory_space<hbm>>
          %dma_start3A_229 = tpu.memref_slice %arg9[%select_n3A_218] : memref<2x!tpu.dma_semaphore, #tpu.memory_space<semaphore_mem>> -> memref<1x!tpu.dma_semaphore, #tpu.memory_space<semaphore_mem>>
          %dma_start3A_230 = tpu.memref_squeeze %dma_start3A_229 : memref<1x!tpu.dma_semaphore, #tpu.memory_space<semaphore_mem>> -> memref<!tpu.dma_semaphore, #tpu.memory_space<semaphore_mem>>
          tpu.enqueue_indirect_dma source(%dma_start3A_228 : memref<10000x128xf32, #tpu.memory_space<hbm>>) target(%dma_start3A_222 : memref<128x128xf32, #tpu.memory_space<vmem>>) offsets(%dma_start3A_225 : memref<128xi32, #tpu.memory_space<vmem>>) semaphore(%dma_start3A_230 : memref<!tpu.dma_semaphore, #tpu.memory_space<semaphore_mem>>)
        } else {
        }
      }
      %scan3A_164 = arith.constant 10 : i32
    }
    %scan3A_110 = arith.constant 8 : i32
    %barrier3A_111 = arith.constant 0 : index
    tpu.barrier barrier_id(%barrier3A_111)
    %mul3A_112 = arith.constant 640 : i32
    %mul3A_113 = arith.muli %arg1, %mul3A_112 : i32
    %mul3A_114 = arith.constant 640 : i32
    %mul3A_115 = arith.muli %arg1, %mul3A_114 : i32
    "tpu.region"() ({
      %run_scoped3A = tpu.sem_alloc : memref<!tpu.dma_semaphore, #tpu.memory_space<semaphore_mem>>
      %dma_start3A_116 = arith.constant 0 : i32
      %dma_start3A_117 = tpu.memref_slice %arg4[%arg0, %mul3A_115, %dma_start3A_116] : memref<2x10240x128xf32, #tpu.memory_space<hbm>> -> memref<1x640x128xf32, #tpu.memory_space<hbm>>
      %dma_start3A_118 = tpu.memref_squeeze %dma_start3A_117 : memref<1x640x128xf32, #tpu.memory_space<hbm>> -> memref<640x128xf32, #tpu.memory_space<hbm>>
      %dma_start3A_119 = arith.constant 0 : i32
      %dma_start3A_120 = tpu.memref_slice %arg8[%mul3A_113, %dma_start3A_119] : memref<10240x128xf32, #tpu.memory_space<vmem_shared>> -> memref<640x128xf32, #tpu.memory_space<vmem_shared>>
      tpu.enqueue_dma source(%dma_start3A_120 : memref<640x128xf32, #tpu.memory_space<vmem_shared>>) target(%dma_start3A_118 : memref<640x128xf32, #tpu.memory_space<hbm>>) target_semaphore(%run_scoped3A : memref<!tpu.dma_semaphore, #tpu.memory_space<semaphore_mem>>)
      %dma_wait3A_121 = arith.constant 0 : i32
      %dma_wait3A_122 = tpu.memref_slice %arg4[%arg0, %mul3A_115, %dma_wait3A_121] : memref<2x10240x128xf32, #tpu.memory_space<hbm>> -> memref<1x640x128xf32, #tpu.memory_space<hbm>>
      %dma_wait3A_123 = tpu.memref_squeeze %dma_wait3A_122 : memref<1x640x128xf32, #tpu.memory_space<hbm>> -> memref<640x128xf32, #tpu.memory_space<hbm>>
      %dma_wait3A_124 = arith.constant 0 : i32
      %dma_wait3A_125 = tpu.memref_slice %arg8[%mul3A_113, %dma_wait3A_124] : memref<10240x128xf32, #tpu.memory_space<vmem_shared>> -> memref<640x128xf32, #tpu.memory_space<vmem_shared>>
      tpu.wait_dma2 semaphore(%run_scoped3A : memref<!tpu.dma_semaphore, #tpu.memory_space<semaphore_mem>>) src(%dma_wait3A_125 : memref<640x128xf32, #tpu.memory_space<vmem_shared>>) dst(%dma_wait3A_123 : memref<640x128xf32, #tpu.memory_space<hbm>>)
      tpu.yield
    }) : () -> ()
    return
  }
}

#map = affine_map<(d0, d1) -> (0, 0)>
#map1 = affine_map<(d0, d1) -> (0, 0, 0, 0, 0)>
#map2 = affine_map<(d0, d1) -> (0, 0, 0)>
module attributes {stable_mosaic.version = 14 : i64} {
  func.func @_sc_aggregate(%arg0: i32, %arg1: i32, %arg2: memref<10000x128xf32, #tpu.memory_space<hbm>>, %arg3: memref<2x32x8x10x128xi32, #tpu.memory_space<hbm>>, %arg4: memref<2x10240x128xf32, #tpu.memory_space<hbm>>, %arg5: memref<2x10x128xi32, #tpu.memory_space<vmem>>, %arg6: memref<2x10x128xi32, #tpu.memory_space<vmem>>, %arg7: memref<2x128x128xf32, #tpu.memory_space<vmem>>, %arg8: memref<10240x128xf32, #tpu.memory_space<vmem_shared>>, %arg9: memref<2x!tpu.dma_semaphore, #tpu.memory_space<semaphore_mem>>, %arg10: memref<2x!tpu.dma_semaphore, #tpu.memory_space<semaphore_mem>>) attributes {dimension_semantics = [#tpu.dimension_semantics<core_parallel>, #tpu.dimension_semantics<subcore_parallel>], iteration_bounds = array<i64: 2, 16>, scalar_prefetch = 0 : i64, scratch_operands = 6 : i64, tpu.core_type = #tpu.core_type<sc_vector_subcore>, window_params = [{transform_indices = #map}, {transform_indices = #map1}, {transform_indices = #map2}]} {
    %mul3A = arith.constant 16 : i32
    %mul3A_0 = arith.muli %arg0, %mul3A : i32
    %add3A = arith.addi %mul3A_0, %arg1 : i32
    %dma_start3A = arith.constant 0 : i32
    %dma_start3A_1 = arith.constant 0 : i32
    %dma_start3A_2 = arith.constant 0 : i32
    %dma_start3A_3 = arith.constant 0 : i32
    %dma_start3A_4 = arith.constant 0 : i32
    %dma_start3A_5 = arith.constant 0 : i32
    %dma_start3A_6 = tpu.memref_slice %arg5[%dma_start3A_2, %dma_start3A_4, %dma_start3A_5] : memref<2x10x128xi32, #tpu.memory_space<vmem>> -> memref<1x10x128xi32, #tpu.memory_space<vmem>>
    %dma_start3A_7 = tpu.memref_squeeze %dma_start3A_6 : memref<1x10x128xi32, #tpu.memory_space<vmem>> -> memref<10x128xi32, #tpu.memory_space<vmem>>
    %dma_start3A_8 = arith.constant 0 : i32
    %dma_start3A_9 = arith.constant 0 : i32
    %dma_start3A_10 = tpu.memref_slice %arg3[%dma_start3A, %add3A, %dma_start3A_1, %dma_start3A_8, %dma_start3A_9] : memref<2x32x8x10x128xi32, #tpu.memory_space<hbm>> -> memref<1x1x1x10x128xi32, #tpu.memory_space<hbm>>
    %dma_start3A_11 = tpu.memref_squeeze %dma_start3A_10 : memref<1x1x1x10x128xi32, #tpu.memory_space<hbm>> -> memref<10x128xi32, #tpu.memory_space<hbm>>
    %dma_start3A_12 = tpu.memref_slice %arg10[%dma_start3A_3] : memref<2x!tpu.dma_semaphore, #tpu.memory_space<semaphore_mem>> -> memref<1x!tpu.dma_semaphore, #tpu.memory_space<semaphore_mem>>
    %dma_start3A_13 = tpu.memref_squeeze %dma_start3A_12 : memref<1x!tpu.dma_semaphore, #tpu.memory_space<semaphore_mem>> -> memref<!tpu.dma_semaphore, #tpu.memory_space<semaphore_mem>>
    %dma_start3A_14 = arith.constant 0 : i32
    %dma_start3A_15 = arith.constant 0 : i32
    %dma_start3A_16 = tpu.memref_slice %arg5[%dma_start3A_2, %dma_start3A_14, %dma_start3A_15] : memref<2x10x128xi32, #tpu.memory_space<vmem>> -> memref<1x10x128xi32, #tpu.memory_space<vmem>>
    %dma_start3A_17 = tpu.memref_squeeze %dma_start3A_16 : memref<1x10x128xi32, #tpu.memory_space<vmem>> -> memref<10x128xi32, #tpu.memory_space<vmem>>
    %dma_start3A_18 = arith.constant 0 : i32
    %dma_start3A_19 = arith.constant 0 : i32
    %dma_start3A_20 = tpu.memref_slice %arg3[%dma_start3A, %add3A, %dma_start3A_1, %dma_start3A_18, %dma_start3A_19] : memref<2x32x8x10x128xi32, #tpu.memory_space<hbm>> -> memref<1x1x1x10x128xi32, #tpu.memory_space<hbm>>
    %dma_start3A_21 = tpu.memref_squeeze %dma_start3A_20 : memref<1x1x1x10x128xi32, #tpu.memory_space<hbm>> -> memref<10x128xi32, #tpu.memory_space<hbm>>
    tpu.enqueue_dma source(%dma_start3A_21 : memref<10x128xi32, #tpu.memory_space<hbm>>) target(%dma_start3A_17 : memref<10x128xi32, #tpu.memory_space<vmem>>) target_semaphore(%dma_start3A_13 : memref<!tpu.dma_semaphore, #tpu.memory_space<semaphore_mem>>)
    %dma_start3A_22 = arith.constant 1 : i32
    %dma_start3A_23 = arith.constant 0 : i32
    %dma_start3A_24 = arith.constant 0 : i32
    %dma_start3A_25 = arith.constant 1 : i32
    %dma_start3A_26 = arith.constant 0 : i32
    %dma_start3A_27 = arith.constant 0 : i32
    %dma_start3A_28 = tpu.memref_slice %arg6[%dma_start3A_24, %dma_start3A_26, %dma_start3A_27] : memref<2x10x128xi32, #tpu.memory_space<vmem>> -> memref<1x10x128xi32, #tpu.memory_space<vmem>>
    %dma_start3A_29 = tpu.memref_squeeze %dma_start3A_28 : memref<1x10x128xi32, #tpu.memory_space<vmem>> -> memref<10x128xi32, #tpu.memory_space<vmem>>
    %dma_start3A_30 = arith.constant 0 : i32
    %dma_start3A_31 = arith.constant 0 : i32
    %dma_start3A_32 = tpu.memref_slice %arg3[%dma_start3A_22, %add3A, %dma_start3A_23, %dma_start3A_30, %dma_start3A_31] : memref<2x32x8x10x128xi32, #tpu.memory_space<hbm>> -> memref<1x1x1x10x128xi32, #tpu.memory_space<hbm>>
    %dma_start3A_33 = tpu.memref_squeeze %dma_start3A_32 : memref<1x1x1x10x128xi32, #tpu.memory_space<hbm>> -> memref<10x128xi32, #tpu.memory_space<hbm>>
    %dma_start3A_34 = tpu.memref_slice %arg10[%dma_start3A_25] : memref<2x!tpu.dma_semaphore, #tpu.memory_space<semaphore_mem>> -> memref<1x!tpu.dma_semaphore, #tpu.memory_space<semaphore_mem>>
    %dma_start3A_35 = tpu.memref_squeeze %dma_start3A_34 : memref<1x!tpu.dma_semaphore, #tpu.memory_space<semaphore_mem>> -> memref<!tpu.dma_semaphore, #tpu.memory_space<semaphore_mem>>
    %dma_start3A_36 = arith.constant 0 : i32
    %dma_start3A_37 = arith.constant 0 : i32
    %dma_start3A_38 = tpu.memref_slice %arg6[%dma_start3A_24, %dma_start3A_36, %dma_start3A_37] : memref<2x10x128xi32, #tpu.memory_space<vmem>> -> memref<1x10x128xi32, #tpu.memory_space<vmem>>
    %dma_start3A_39 = tpu.memref_squeeze %dma_start3A_38 : memref<1x10x128xi32, #tpu.memory_space<vmem>> -> memref<10x128xi32, #tpu.memory_space<vmem>>
    %dma_start3A_40 = arith.constant 0 : i32
    %dma_start3A_41 = arith.constant 0 : i32
    %dma_start3A_42 = tpu.memref_slice %arg3[%dma_start3A_22, %add3A, %dma_start3A_23, %dma_start3A_40, %dma_start3A_41] : memref<2x32x8x10x128xi32, #tpu.memory_space<hbm>> -> memref<1x1x1x10x128xi32, #tpu.memory_space<hbm>>
    %dma_start3A_43 = tpu.memref_squeeze %dma_start3A_42 : memref<1x1x1x10x128xi32, #tpu.memory_space<hbm>> -> memref<10x128xi32, #tpu.memory_space<hbm>>
    tpu.enqueue_dma source(%dma_start3A_43 : memref<10x128xi32, #tpu.memory_space<hbm>>) target(%dma_start3A_39 : memref<10x128xi32, #tpu.memory_space<vmem>>) target_semaphore(%dma_start3A_35 : memref<!tpu.dma_semaphore, #tpu.memory_space<semaphore_mem>>)
    %broadcast_in_dim3A = arith.constant 0.000000e+00 : f32
    %broadcast_in_dim3A_44 = vector.broadcast %broadcast_in_dim3A : f32 to vector<16xf32>
    %scan3A = arith.constant 0 : i32
    %scan3A_45 = arith.constant 0 : i32
    %scan3A_46 = arith.constant 1024 : i32
    %scan3A_47 = arith.addi %scan3A_45, %scan3A_46 : i32
    %scan3A_48 = arith.constant 1 : i32
    scf.for %scan3A_116 = %scan3A_45 to %scan3A_47 step %scan3A_48  : i32 {
      %jit3A = arith.constant 8 : i32
      %div3A = arith.divsi %scan3A_116, %jit3A : i32
      %sign3A = arith.constant 0 : i32
      %sign3A_117 = arith.cmpi sgt, %scan3A_116, %sign3A : i32
      %sign3A_118 = arith.extui %sign3A_117 : i1 to i32
      %sign3A_119 = arith.constant 0 : i32
      %sign3A_120 = arith.cmpi slt, %scan3A_116, %sign3A_119 : i32
      %sign3A_121 = arith.extui %sign3A_120 : i1 to i32
      %sign3A_122 = arith.subi %sign3A_118, %sign3A_121 : i32
      %sign3A_123 = arith.constant 0 : i32
      %sign3A_124 = arith.cmpi sgt, %jit3A, %sign3A_123 : i32
      %sign3A_125 = arith.extui %sign3A_124 : i1 to i32
      %sign3A_126 = arith.constant 0 : i32
      %sign3A_127 = arith.cmpi slt, %jit3A, %sign3A_126 : i32
      %sign3A_128 = arith.extui %sign3A_127 : i1 to i32
      %sign3A_129 = arith.subi %sign3A_125, %sign3A_128 : i32
      %ne3A = arith.cmpi ne, %sign3A_122, %sign3A_129 : i32
      %rem3A = arith.remsi %scan3A_116, %jit3A : i32
      %ne3A_130 = arith.constant 0 : i32
      %ne3A_131 = arith.cmpi ne, %rem3A, %ne3A_130 : i32
      %and3A = arith.andi %ne3A, %ne3A_131 : i1
      %sub3A = arith.constant 1 : i32
      %sub3A_132 = arith.subi %div3A, %sub3A : i32
      %select_n3A = arith.select %and3A, %sub3A_132, %div3A : i32
      %jit3A_133 = arith.constant 8 : i32
      %eq3A = arith.constant 0 : i32
      %eq3A_134 = arith.cmpi eq, %jit3A_133, %eq3A : i32
      %jit3A_135 = arith.constant 1 : i32
      %select_n3A_136 = arith.select %eq3A_134, %jit3A_135, %jit3A_133 : i32
      %rem3A_137 = arith.remsi %scan3A_116, %select_n3A_136 : i32
      %ne3A_138 = arith.constant 0 : i32
      %ne3A_139 = arith.cmpi ne, %rem3A_137, %ne3A_138 : i32
      %lt3A = arith.constant 0 : i32
      %lt3A_140 = arith.cmpi slt, %rem3A_137, %lt3A : i32
      %lt3A_141 = arith.constant 0 : i32
      %lt3A_142 = arith.cmpi slt, %select_n3A_136, %lt3A_141 : i32
      %ne3A_143 = arith.xori %lt3A_140, %lt3A_142 : i1
      %and3A_144 = arith.andi %ne3A_143, %ne3A_139 : i1
      %add3A_145 = arith.addi %rem3A_137, %select_n3A_136 : i32
      %select_n3A_146 = arith.select %and3A_144, %add3A_145, %rem3A_137 : i32
      %mul3A_147 = arith.constant 16 : i32
      %mul3A_148 = arith.muli %select_n3A_146, %mul3A_147 : i32
      %swap3A = arith.constant 0 : i32
      %swap3A_149 = arith.index_cast %swap3A : i32 to index
      %swap3A_150 = arith.index_cast %select_n3A : i32 to index
      %swap3A_151 = arith.index_cast %mul3A_148 : i32 to index
      %swap3A_152 = tpu.vector_load %arg7[%swap3A_149, %swap3A_150, %swap3A_151] {strides = array<i32>} : memref<2x128x128xf32, #tpu.memory_space<vmem>>, vector<1x1x16xf32>,
      %swap3A_153 = vector.shape_cast %swap3A_152 : vector<1x1x16xf32> to vector<16xf32>
      %swap3A_154 = vector.shape_cast %broadcast_in_dim3A_44 : vector<16xf32> to vector<1x1x16xf32>
      tpu.vector_store %arg7[%swap3A_149, %swap3A_150, %swap3A_151], %swap3A_154 {strides = array<i32>} : memref<2x128x128xf32, #tpu.memory_space<vmem>>, vector<1x1x16xf32>,
    }
    %scan3A_49 = arith.constant 1024 : i32
    %scan3A_50 = arith.constant 0 : i32
    %scan3A_51 = arith.constant 0 : i32
    %scan3A_52 = arith.constant 5 : i32
    %scan3A_53 = arith.addi %scan3A_51, %scan3A_52 : i32
    %scan3A_54 = arith.constant 1 : i32
    scf.for %scan3A_116 = %scan3A_51 to %scan3A_53 step %scan3A_54  : i32 {
      %mul3A_117 = arith.constant 640 : i32
      %mul3A_118 = arith.muli %arg1, %mul3A_117 : i32
      %mul3A_119 = arith.constant 128 : i32
      %mul3A_120 = arith.muli %scan3A_116, %mul3A_119 : i32
      %add3A_121 = arith.addi %mul3A_118, %mul3A_120 : i32
      %jit3A = arith.constant 2 : i32
      %eq3A = arith.constant 0 : i32
      %eq3A_122 = arith.cmpi eq, %jit3A, %eq3A : i32
      %jit3A_123 = arith.constant 1 : i32
      %select_n3A = arith.select %eq3A_122, %jit3A_123, %jit3A : i32
      %rem3A = arith.remsi %scan3A_116, %select_n3A : i32
      %ne3A = arith.constant 0 : i32
      %ne3A_124 = arith.cmpi ne, %rem3A, %ne3A : i32
      %lt3A = arith.constant 0 : i32
      %lt3A_125 = arith.cmpi slt, %rem3A, %lt3A : i32
      %lt3A_126 = arith.constant 0 : i32
      %lt3A_127 = arith.cmpi slt, %select_n3A, %lt3A_126 : i32
      %ne3A_128 = arith.xori %lt3A_125, %lt3A_127 : i1
      %and3A = arith.andi %ne3A_128, %ne3A_124 : i1
      %add3A_129 = arith.addi %rem3A, %select_n3A : i32
      %select_n3A_130 = arith.select %and3A, %add3A_129, %rem3A : i32
      %dma_start3A_131 = arith.constant 0 : i32
      %dma_start3A_132 = arith.constant 0 : i32
      %dma_start3A_133 = arith.constant 0 : i32
      %dma_start3A_134 = tpu.memref_slice %arg7[%dma_start3A_131, %dma_start3A_132, %dma_start3A_133] : memref<2x128x128xf32, #tpu.memory_space<vmem>> -> memref<1x128x128xf32, #tpu.memory_space<vmem>>
      %dma_start3A_135 = tpu.memref_squeeze %dma_start3A_134 : memref<1x128x128xf32, #tpu.memory_space<vmem>> -> memref<128x128xf32, #tpu.memory_space<vmem>>
      %dma_start3A_136 = arith.constant 0 : i32
      %dma_start3A_137 = tpu.memref_slice %arg8[%add3A_121, %dma_start3A_136] : memref<10240x128xf32, #tpu.memory_space<vmem_shared>> -> memref<128x128xf32, #tpu.memory_space<vmem_shared>>
      %dma_start3A_138 = tpu.memref_slice %arg9[%select_n3A_130] : memref<2x!tpu.dma_semaphore, #tpu.memory_space<semaphore_mem>> -> memref<1x!tpu.dma_semaphore, #tpu.memory_space<semaphore_mem>>
      %dma_start3A_139 = tpu.memref_squeeze %dma_start3A_138 : memref<1x!tpu.dma_semaphore, #tpu.memory_space<semaphore_mem>> -> memref<!tpu.dma_semaphore, #tpu.memory_space<semaphore_mem>>
      %dma_start3A_140 = arith.constant 0 : i32
      %dma_start3A_141 = tpu.memref_slice %arg8[%add3A_121, %dma_start3A_140] : memref<10240x128xf32, #tpu.memory_space<vmem_shared>> -> memref<128x128xf32, #tpu.memory_space<vmem_shared>>
      %dma_start3A_142 = arith.constant 0 : i32
      %dma_start3A_143 = arith.constant 0 : i32
      %dma_start3A_144 = tpu.memref_slice %arg7[%dma_start3A_131, %dma_start3A_142, %dma_start3A_143] : memref<2x128x128xf32, #tpu.memory_space<vmem>> -> memref<1x128x128xf32, #tpu.memory_space<vmem>>
      %dma_start3A_145 = tpu.memref_squeeze %dma_start3A_144 : memref<1x128x128xf32, #tpu.memory_space<vmem>> -> memref<128x128xf32, #tpu.memory_space<vmem>>
      tpu.enqueue_dma source(%dma_start3A_145 : memref<128x128xf32, #tpu.memory_space<vmem>>) target(%dma_start3A_141 : memref<128x128xf32, #tpu.memory_space<vmem_shared>>) target_semaphore(%dma_start3A_139 : memref<!tpu.dma_semaphore, #tpu.memory_space<semaphore_mem>>)
    }
    %scan3A_55 = arith.constant 5 : i32
    %scan3A_56 = arith.constant 0 : i32
    %scan3A_57 = arith.constant 0 : i32
    %scan3A_58 = arith.constant 5 : i32
    %scan3A_59 = arith.addi %scan3A_57, %scan3A_58 : i32
    %scan3A_60 = arith.constant 1 : i32
    scf.for %scan3A_116 = %scan3A_57 to %scan3A_59 step %scan3A_60  : i32 {
      %mul3A_117 = arith.constant 640 : i32
      %mul3A_118 = arith.muli %arg1, %mul3A_117 : i32
      %mul3A_119 = arith.constant 128 : i32
      %mul3A_120 = arith.muli %scan3A_116, %mul3A_119 : i32
      %add3A_121 = arith.addi %mul3A_118, %mul3A_120 : i32
      %jit3A = arith.constant 2 : i32
      %eq3A = arith.constant 0 : i32
      %eq3A_122 = arith.cmpi eq, %jit3A, %eq3A : i32
      %jit3A_123 = arith.constant 1 : i32
      %select_n3A = arith.select %eq3A_122, %jit3A_123, %jit3A : i32
      %rem3A = arith.remsi %scan3A_116, %select_n3A : i32
      %ne3A = arith.constant 0 : i32
      %ne3A_124 = arith.cmpi ne, %rem3A, %ne3A : i32
      %lt3A = arith.constant 0 : i32
      %lt3A_125 = arith.cmpi slt, %rem3A, %lt3A : i32
      %lt3A_126 = arith.constant 0 : i32
      %lt3A_127 = arith.cmpi slt, %select_n3A, %lt3A_126 : i32
      %ne3A_128 = arith.xori %lt3A_125, %lt3A_127 : i1
      %and3A = arith.andi %ne3A_128, %ne3A_124 : i1
      %add3A_129 = arith.addi %rem3A, %select_n3A : i32
      %select_n3A_130 = arith.select %and3A, %add3A_129, %rem3A : i32
      %dma_wait3A_131 = arith.constant 0 : i32
      %dma_wait3A_132 = arith.constant 0 : i32
      %dma_wait3A_133 = arith.constant 0 : i32
      %dma_wait3A_134 = tpu.memref_slice %arg7[%dma_wait3A_131, %dma_wait3A_132, %dma_wait3A_133] : memref<2x128x128xf32, #tpu.memory_space<vmem>> -> memref<1x128x128xf32, #tpu.memory_space<vmem>>
      %dma_wait3A_135 = tpu.memref_squeeze %dma_wait3A_134 : memref<1x128x128xf32, #tpu.memory_space<vmem>> -> memref<128x128xf32, #tpu.memory_space<vmem>>
      %dma_wait3A_136 = arith.constant 0 : i32
      %dma_wait3A_137 = tpu.memref_slice %arg8[%add3A_121, %dma_wait3A_136] : memref<10240x128xf32, #tpu.memory_space<vmem_shared>> -> memref<128x128xf32, #tpu.memory_space<vmem_shared>>
      %dma_wait3A_138 = tpu.memref_slice %arg9[%select_n3A_130] : memref<2x!tpu.dma_semaphore, #tpu.memory_space<semaphore_mem>> -> memref<1x!tpu.dma_semaphore, #tpu.memory_space<semaphore_mem>>
      %dma_wait3A_139 = tpu.memref_squeeze %dma_wait3A_138 : memref<1x!tpu.dma_semaphore, #tpu.memory_space<semaphore_mem>> -> memref<!tpu.dma_semaphore, #tpu.memory_space<semaphore_mem>>
      %dma_wait3A_140 = arith.constant 0 : i32
      %dma_wait3A_141 = tpu.memref_slice %arg8[%add3A_121, %dma_wait3A_140] : memref<10240x128xf32, #tpu.memory_space<vmem_shared>> -> memref<128x128xf32, #tpu.memory_space<vmem_shared>>
      %dma_wait3A_142 = arith.constant 0 : i32
      %dma_wait3A_143 = arith.constant 0 : i32
      %dma_wait3A_144 = tpu.memref_slice %arg7[%dma_wait3A_131, %dma_wait3A_142, %dma_wait3A_143] : memref<2x128x128xf32, #tpu.memory_space<vmem>> -> memref<1x128x128xf32, #tpu.memory_space<vmem>>
      %dma_wait3A_145 = tpu.memref_squeeze %dma_wait3A_144 : memref<1x128x128xf32, #tpu.memory_space<vmem>> -> memref<128x128xf32, #tpu.memory_space<vmem>>
      tpu.wait_dma2 semaphore(%dma_wait3A_139 : memref<!tpu.dma_semaphore, #tpu.memory_space<semaphore_mem>>) src(%dma_wait3A_145 : memref<128x128xf32, #tpu.memory_space<vmem>>) dst(%dma_wait3A_141 : memref<128x128xf32, #tpu.memory_space<vmem_shared>>)
    }
    %scan3A_61 = arith.constant 5 : i32
    %dma_wait3A = arith.constant 0 : i32
    %dma_wait3A_62 = arith.constant 0 : i32
    %dma_wait3A_63 = arith.constant 0 : i32
    %dma_wait3A_64 = arith.constant 0 : i32
    %dma_wait3A_65 = arith.constant 0 : i32
    %dma_wait3A_66 = arith.constant 0 : i32
    %dma_wait3A_67 = tpu.memref_slice %arg5[%dma_wait3A_63, %dma_wait3A_65, %dma_wait3A_66] : memref<2x10x128xi32, #tpu.memory_space<vmem>> -> memref<1x10x128xi32, #tpu.memory_space<vmem>>
    %dma_wait3A_68 = tpu.memref_squeeze %dma_wait3A_67 : memref<1x10x128xi32, #tpu.memory_space<vmem>> -> memref<10x128xi32, #tpu.memory_space<vmem>>
    %dma_wait3A_69 = arith.constant 0 : i32
    %dma_wait3A_70 = arith.constant 0 : i32
    %dma_wait3A_71 = tpu.memref_slice %arg3[%dma_wait3A, %add3A, %dma_wait3A_62, %dma_wait3A_69, %dma_wait3A_70] : memref<2x32x8x10x128xi32, #tpu.memory_space<hbm>> -> memref<1x1x1x10x128xi32, #tpu.memory_space<hbm>>
    %dma_wait3A_72 = tpu.memref_squeeze %dma_wait3A_71 : memref<1x1x1x10x128xi32, #tpu.memory_space<hbm>> -> memref<10x128xi32, #tpu.memory_space<hbm>>
    %dma_wait3A_73 = tpu.memref_slice %arg10[%dma_wait3A_64] : memref<2x!tpu.dma_semaphore, #tpu.memory_space<semaphore_mem>> -> memref<1x!tpu.dma_semaphore, #tpu.memory_space<semaphore_mem>>
    %dma_wait3A_74 = tpu.memref_squeeze %dma_wait3A_73 : memref<1x!tpu.dma_semaphore, #tpu.memory_space<semaphore_mem>> -> memref<!tpu.dma_semaphore, #tpu.memory_space<semaphore_mem>>
    %dma_wait3A_75 = arith.constant 0 : i32
    %dma_wait3A_76 = arith.constant 0 : i32
    %dma_wait3A_77 = tpu.memref_slice %arg5[%dma_wait3A_63, %dma_wait3A_75, %dma_wait3A_76] : memref<2x10x128xi32, #tpu.memory_space<vmem>> -> memref<1x10x128xi32, #tpu.memory_space<vmem>>
    %dma_wait3A_78 = tpu.memref_squeeze %dma_wait3A_77 : memref<1x10x128xi32, #tpu.memory_space<vmem>> -> memref<10x128xi32, #tpu.memory_space<vmem>>
    %dma_wait3A_79 = arith.constant 0 : i32
    %dma_wait3A_80 = arith.constant 0 : i32
    %dma_wait3A_81 = tpu.memref_slice %arg3[%dma_wait3A, %add3A, %dma_wait3A_62, %dma_wait3A_79, %dma_wait3A_80] : memref<2x32x8x10x128xi32, #tpu.memory_space<hbm>> -> memref<1x1x1x10x128xi32, #tpu.memory_space<hbm>>
    %dma_wait3A_82 = tpu.memref_squeeze %dma_wait3A_81 : memref<1x1x1x10x128xi32, #tpu.memory_space<hbm>> -> memref<10x128xi32, #tpu.memory_space<hbm>>
    tpu.wait_dma2 semaphore(%dma_wait3A_74 : memref<!tpu.dma_semaphore, #tpu.memory_space<semaphore_mem>>) src(%dma_wait3A_82 : memref<10x128xi32, #tpu.memory_space<hbm>>) dst(%dma_wait3A_78 : memref<10x128xi32, #tpu.memory_space<vmem>>)
    %dma_wait3A_83 = arith.constant 1 : i32
    %dma_wait3A_84 = arith.constant 0 : i32
    %dma_wait3A_85 = arith.constant 0 : i32
    %dma_wait3A_86 = arith.constant 1 : i32
    %dma_wait3A_87 = arith.constant 0 : i32
    %dma_wait3A_88 = arith.constant 0 : i32
    %dma_wait3A_89 = tpu.memref_slice %arg6[%dma_wait3A_85, %dma_wait3A_87, %dma_wait3A_88] : memref<2x10x128xi32, #tpu.memory_space<vmem>> -> memref<1x10x128xi32, #tpu.memory_space<vmem>>
    %dma_wait3A_90 = tpu.memref_squeeze %dma_wait3A_89 : memref<1x10x128xi32, #tpu.memory_space<vmem>> -> memref<10x128xi32, #tpu.memory_space<vmem>>
    %dma_wait3A_91 = arith.constant 0 : i32
    %dma_wait3A_92 = arith.constant 0 : i32
    %dma_wait3A_93 = tpu.memref_slice %arg3[%dma_wait3A_83, %add3A, %dma_wait3A_84, %dma_wait3A_91, %dma_wait3A_92] : memref<2x32x8x10x128xi32, #tpu.memory_space<hbm>> -> memref<1x1x1x10x128xi32, #tpu.memory_space<hbm>>
    %dma_wait3A_94 = tpu.memref_squeeze %dma_wait3A_93 : memref<1x1x1x10x128xi32, #tpu.memory_space<hbm>> -> memref<10x128xi32, #tpu.memory_space<hbm>>
    %dma_wait3A_95 = tpu.memref_slice %arg10[%dma_wait3A_86] : memref<2x!tpu.dma_semaphore, #tpu.memory_space<semaphore_mem>> -> memref<1x!tpu.dma_semaphore, #tpu.memory_space<semaphore_mem>>
    %dma_wait3A_96 = tpu.memref_squeeze %dma_wait3A_95 : memref<1x!tpu.dma_semaphore, #tpu.memory_space<semaphore_mem>> -> memref<!tpu.dma_semaphore, #tpu.memory_space<semaphore_mem>>
    %dma_wait3A_97 = arith.constant 0 : i32
    %dma_wait3A_98 = arith.constant 0 : i32
    %dma_wait3A_99 = tpu.memref_slice %arg6[%dma_wait3A_85, %dma_wait3A_97, %dma_wait3A_98] : memref<2x10x128xi32, #tpu.memory_space<vmem>> -> memref<1x10x128xi32, #tpu.memory_space<vmem>>
    %dma_wait3A_100 = tpu.memref_squeeze %dma_wait3A_99 : memref<1x10x128xi32, #tpu.memory_space<vmem>> -> memref<10x128xi32, #tpu.memory_space<vmem>>
    %dma_wait3A_101 = arith.constant 0 : i32
    %dma_wait3A_102 = arith.constant 0 : i32
    %dma_wait3A_103 = tpu.memref_slice %arg3[%dma_wait3A_83, %add3A, %dma_wait3A_84, %dma_wait3A_101, %dma_wait3A_102] : memref<2x32x8x10x128xi32, #tpu.memory_space<hbm>> -> memref<1x1x1x10x128xi32, #tpu.memory_space<hbm>>
    %dma_wait3A_104 = tpu.memref_squeeze %dma_wait3A_103 : memref<1x1x1x10x128xi32, #tpu.memory_space<hbm>> -> memref<10x128xi32, #tpu.memory_space<hbm>>
    tpu.wait_dma2 semaphore(%dma_wait3A_96 : memref<!tpu.dma_semaphore, #tpu.memory_space<semaphore_mem>>) src(%dma_wait3A_104 : memref<10x128xi32, #tpu.memory_space<hbm>>) dst(%dma_wait3A_100 : memref<10x128xi32, #tpu.memory_space<vmem>>)
    %barrier3A = arith.constant 0 : index
    tpu.barrier barrier_id(%barrier3A)
    %scan3A_105 = arith.constant 0 : i32
    %scan3A_106 = arith.constant 0 : i32
    %scan3A_107 = arith.constant 8 : i32
    %scan3A_108 = arith.addi %scan3A_106, %scan3A_107 : i32
    %scan3A_109 = arith.constant 1 : i32
    scf.for %scan3A_116 = %scan3A_106 to %scan3A_108 step %scan3A_109  : i32 {
      %jit3A = arith.constant 2 : i32
      %eq3A = arith.constant 0 : i32
      %eq3A_117 = arith.cmpi eq, %jit3A, %eq3A : i32
      %jit3A_118 = arith.constant 1 : i32
      %select_n3A = arith.select %eq3A_117, %jit3A_118, %jit3A : i32
      %rem3A = arith.remsi %scan3A_116, %select_n3A : i32
      %ne3A = arith.constant 0 : i32
      %ne3A_119 = arith.cmpi ne, %rem3A, %ne3A : i32
      %lt3A = arith.constant 0 : i32
      %lt3A_120 = arith.cmpi slt, %rem3A, %lt3A : i32
      %lt3A_121 = arith.constant 0 : i32
      %lt3A_122 = arith.cmpi slt, %select_n3A, %lt3A_121 : i32
      %ne3A_123 = arith.xori %lt3A_120, %lt3A_122 : i1
      %and3A = arith.andi %ne3A_123, %ne3A_119 : i1
      %add3A_124 = arith.addi %rem3A, %select_n3A : i32
      %select_n3A_125 = arith.select %and3A, %add3A_124, %rem3A : i32
      %add3A_126 = arith.constant 1 : i32
      %add3A_127 = arith.addi %scan3A_116, %add3A_126 : i32
      %jit3A_128 = arith.constant 2 : i32
      %eq3A_129 = arith.constant 0 : i32
      %eq3A_130 = arith.cmpi eq, %jit3A_128, %eq3A_129 : i32
      %jit3A_131 = arith.constant 1 : i32
      %select_n3A_132 = arith.select %eq3A_130, %jit3A_131, %jit3A_128 : i32
      %rem3A_133 = arith.remsi %add3A_127, %select_n3A_132 : i32
      %ne3A_134 = arith.constant 0 : i32
      %ne3A_135 = arith.cmpi ne, %rem3A_133, %ne3A_134 : i32
      %lt3A_136 = arith.constant 0 : i32
      %lt3A_137 = arith.cmpi slt, %rem3A_133, %lt3A_136 : i32
      %lt3A_138 = arith.constant 0 : i32
      %lt3A_139 = arith.cmpi slt, %select_n3A_132, %lt3A_138 : i32
      %ne3A_140 = arith.xori %lt3A_137, %lt3A_139 : i1
      %and3A_141 = arith.andi %ne3A_140, %ne3A_135 : i1
      %add3A_142 = arith.addi %rem3A_133, %select_n3A_132 : i32
      %select_n3A_143 = arith.select %and3A_141, %add3A_142, %rem3A_133 : i32
      %gt3A = arith.constant 0 : i32
      %gt3A_144 = arith.cmpi sgt, %scan3A_116, %gt3A : i32
      %convert_element_type3A = arith.extui %gt3A_144 : i1 to i32
      %cond3A = arith.constant 0 : i32
      %cond3A_145 = arith.cmpi ne, %convert_element_type3A, %cond3A : i32
      scf.if %cond3A_145 {
        %dma_wait3A_165 = arith.constant 0 : i32
        %dma_wait3A_166 = arith.constant 0 : i32
        %dma_wait3A_167 = arith.constant 0 : i32
        %dma_wait3A_168 = arith.constant 0 : i32
        %dma_wait3A_169 = tpu.memref_slice %arg5[%select_n3A_125, %dma_wait3A_167, %dma_wait3A_168] : memref<2x10x128xi32, #tpu.memory_space<vmem>> -> memref<1x10x128xi32, #tpu.memory_space<vmem>>
        %dma_wait3A_170 = tpu.memref_squeeze %dma_wait3A_169 : memref<1x10x128xi32, #tpu.memory_space<vmem>> -> memref<10x128xi32, #tpu.memory_space<vmem>>
        %dma_wait3A_171 = arith.constant 0 : i32
        %dma_wait3A_172 = arith.constant 0 : i32
        %dma_wait3A_173 = tpu.memref_slice %arg3[%dma_wait3A_165, %add3A, %scan3A_116, %dma_wait3A_171, %dma_wait3A_172] : memref<2x32x8x10x128xi32, #tpu.memory_space<hbm>> -> memref<1x1x1x10x128xi32, #tpu.memory_space<hbm>>
        %dma_wait3A_174 = tpu.memref_squeeze %dma_wait3A_173 : memref<1x1x1x10x128xi32, #tpu.memory_space<hbm>> -> memref<10x128xi32, #tpu.memory_space<hbm>>
        %dma_wait3A_175 = tpu.memref_slice %arg10[%dma_wait3A_166] : memref<2x!tpu.dma_semaphore, #tpu.memory_space<semaphore_mem>> -> memref<1x!tpu.dma_semaphore, #tpu.memory_space<semaphore_mem>>
        %dma_wait3A_176 = tpu.memref_squeeze %dma_wait3A_175 : memref<1x!tpu.dma_semaphore, #tpu.memory_space<semaphore_mem>> -> memref<!tpu.dma_semaphore, #tpu.memory_space<semaphore_mem>>
        %dma_wait3A_177 = arith.constant 0 : i32
        %dma_wait3A_178 = arith.constant 0 : i32
        %dma_wait3A_179 = tpu.memref_slice %arg5[%select_n3A_125, %dma_wait3A_177, %dma_wait3A_178] : memref<2x10x128xi32, #tpu.memory_space<vmem>> -> memref<1x10x128xi32, #tpu.memory_space<vmem>>
        %dma_wait3A_180 = tpu.memref_squeeze %dma_wait3A_179 : memref<1x10x128xi32, #tpu.memory_space<vmem>> -> memref<10x128xi32, #tpu.memory_space<vmem>>
        %dma_wait3A_181 = arith.constant 0 : i32
        %dma_wait3A_182 = arith.constant 0 : i32
        %dma_wait3A_183 = tpu.memref_slice %arg3[%dma_wait3A_165, %add3A, %scan3A_116, %dma_wait3A_181, %dma_wait3A_182] : memref<2x32x8x10x128xi32, #tpu.memory_space<hbm>> -> memref<1x1x1x10x128xi32, #tpu.memory_space<hbm>>
        %dma_wait3A_184 = tpu.memref_squeeze %dma_wait3A_183 : memref<1x1x1x10x128xi32, #tpu.memory_space<hbm>> -> memref<10x128xi32, #tpu.memory_space<hbm>>
        tpu.wait_dma2 semaphore(%dma_wait3A_176 : memref<!tpu.dma_semaphore, #tpu.memory_space<semaphore_mem>>) src(%dma_wait3A_184 : memref<10x128xi32, #tpu.memory_space<hbm>>) dst(%dma_wait3A_180 : memref<10x128xi32, #tpu.memory_space<vmem>>)
        %dma_wait3A_185 = arith.constant 1 : i32
        %dma_wait3A_186 = arith.constant 1 : i32
        %dma_wait3A_187 = arith.constant 0 : i32
        %dma_wait3A_188 = arith.constant 0 : i32
        %dma_wait3A_189 = tpu.memref_slice %arg6[%select_n3A_125, %dma_wait3A_187, %dma_wait3A_188] : memref<2x10x128xi32, #tpu.memory_space<vmem>> -> memref<1x10x128xi32, #tpu.memory_space<vmem>>
        %dma_wait3A_190 = tpu.memref_squeeze %dma_wait3A_189 : memref<1x10x128xi32, #tpu.memory_space<vmem>> -> memref<10x128xi32, #tpu.memory_space<vmem>>
        %dma_wait3A_191 = arith.constant 0 : i32
        %dma_wait3A_192 = arith.constant 0 : i32
        %dma_wait3A_193 = tpu.memref_slice %arg3[%dma_wait3A_185, %add3A, %scan3A_116, %dma_wait3A_191, %dma_wait3A_192] : memref<2x32x8x10x128xi32, #tpu.memory_space<hbm>> -> memref<1x1x1x10x128xi32, #tpu.memory_space<hbm>>
        %dma_wait3A_194 = tpu.memref_squeeze %dma_wait3A_193 : memref<1x1x1x10x128xi32, #tpu.memory_space<hbm>> -> memref<10x128xi32, #tpu.memory_space<hbm>>
        %dma_wait3A_195 = tpu.memref_slice %arg10[%dma_wait3A_186] : memref<2x!tpu.dma_semaphore, #tpu.memory_space<semaphore_mem>> -> memref<1x!tpu.dma_semaphore, #tpu.memory_space<semaphore_mem>>
        %dma_wait3A_196 = tpu.memref_squeeze %dma_wait3A_195 : memref<1x!tpu.dma_semaphore, #tpu.memory_space<semaphore_mem>> -> memref<!tpu.dma_semaphore, #tpu.memory_space<semaphore_mem>>
        %dma_wait3A_197 = arith.constant 0 : i32
        %dma_wait3A_198 = arith.constant 0 : i32
        %dma_wait3A_199 = tpu.memref_slice %arg6[%select_n3A_125, %dma_wait3A_197, %dma_wait3A_198] : memref<2x10x128xi32, #tpu.memory_space<vmem>> -> memref<1x10x128xi32, #tpu.memory_space<vmem>>
        %dma_wait3A_200 = tpu.memref_squeeze %dma_wait3A_199 : memref<1x10x128xi32, #tpu.memory_space<vmem>> -> memref<10x128xi32, #tpu.memory_space<vmem>>
        %dma_wait3A_201 = arith.constant 0 : i32
        %dma_wait3A_202 = arith.constant 0 : i32
        %dma_wait3A_203 = tpu.memref_slice %arg3[%dma_wait3A_185, %add3A, %scan3A_116, %dma_wait3A_201, %dma_wait3A_202] : memref<2x32x8x10x128xi32, #tpu.memory_space<hbm>> -> memref<1x1x1x10x128xi32, #tpu.memory_space<hbm>>
        %dma_wait3A_204 = tpu.memref_squeeze %dma_wait3A_203 : memref<1x1x1x10x128xi32, #tpu.memory_space<hbm>> -> memref<10x128xi32, #tpu.memory_space<hbm>>
        tpu.wait_dma2 semaphore(%dma_wait3A_196 : memref<!tpu.dma_semaphore, #tpu.memory_space<semaphore_mem>>) src(%dma_wait3A_204 : memref<10x128xi32, #tpu.memory_space<hbm>>) dst(%dma_wait3A_200 : memref<10x128xi32, #tpu.memory_space<vmem>>)
      } else {
      }
      %add3A_146 = arith.constant 1 : i32
      %add3A_147 = arith.addi %scan3A_116, %add3A_146 : i32
      %lt3A_148 = arith.constant 8 : i32
      %lt3A_149 = arith.cmpi slt, %add3A_147, %lt3A_148 : i32
      %convert_element_type3A_150 = arith.extui %lt3A_149 : i1 to i32
      %cond3A_151 = arith.constant 0 : i32
      %cond3A_152 = arith.cmpi ne, %convert_element_type3A_150, %cond3A_151 : i32
      scf.if %cond3A_152 {
        %add3A_165 = arith.constant 1 : i32
        %add3A_166 = arith.addi %scan3A_116, %add3A_165 : i32
        %dma_start3A_167 = arith.constant 0 : i32
        %dma_start3A_168 = arith.constant 0 : i32
        %dma_start3A_169 = arith.constant 0 : i32
        %dma_start3A_170 = arith.constant 0 : i32
        %dma_start3A_171 = tpu.memref_slice %arg5[%select_n3A_143, %dma_start3A_169, %dma_start3A_170] : memref<2x10x128xi32, #tpu.memory_space<vmem>> -> memref<1x10x128xi32, #tpu.memory_space<vmem>>
        %dma_start3A_172 = tpu.memref_squeeze %dma_start3A_171 : memref<1x10x128xi32, #tpu.memory_space<vmem>> -> memref<10x128xi32, #tpu.memory_space<vmem>>
        %dma_start3A_173 = arith.constant 0 : i32
        %dma_start3A_174 = arith.constant 0 : i32
        %dma_start3A_175 = tpu.memref_slice %arg3[%dma_start3A_167, %add3A, %add3A_166, %dma_start3A_173, %dma_start3A_174] : memref<2x32x8x10x128xi32, #tpu.memory_space<hbm>> -> memref<1x1x1x10x128xi32, #tpu.memory_space<hbm>>
        %dma_start3A_176 = tpu.memref_squeeze %dma_start3A_175 : memref<1x1x1x10x128xi32, #tpu.memory_space<hbm>> -> memref<10x128xi32, #tpu.memory_space<hbm>>
        %dma_start3A_177 = tpu.memref_slice %arg10[%dma_start3A_168] : memref<2x!tpu.dma_semaphore, #tpu.memory_space<semaphore_mem>> -> memref<1x!tpu.dma_semaphore, #tpu.memory_space<semaphore_mem>>
        %dma_start3A_178 = tpu.memref_squeeze %dma_start3A_177 : memref<1x!tpu.dma_semaphore, #tpu.memory_space<semaphore_mem>> -> memref<!tpu.dma_semaphore, #tpu.memory_space<semaphore_mem>>
        %dma_start3A_179 = arith.constant 0 : i32
        %dma_start3A_180 = arith.constant 0 : i32
        %dma_start3A_181 = tpu.memref_slice %arg5[%select_n3A_143, %dma_start3A_179, %dma_start3A_180] : memref<2x10x128xi32, #tpu.memory_space<vmem>> -> memref<1x10x128xi32, #tpu.memory_space<vmem>>
        %dma_start3A_182 = tpu.memref_squeeze %dma_start3A_181 : memref<1x10x128xi32, #tpu.memory_space<vmem>> -> memref<10x128xi32, #tpu.memory_space<vmem>>
        %dma_start3A_183 = arith.constant 0 : i32
        %dma_start3A_184 = arith.constant 0 : i32
        %dma_start3A_185 = tpu.memref_slice %arg3[%dma_start3A_167, %add3A, %add3A_166, %dma_start3A_183, %dma_start3A_184] : memref<2x32x8x10x128xi32, #tpu.memory_space<hbm>> -> memref<1x1x1x10x128xi32, #tpu.memory_space<hbm>>
        %dma_start3A_186 = tpu.memref_squeeze %dma_start3A_185 : memref<1x1x1x10x128xi32, #tpu.memory_space<hbm>> -> memref<10x128xi32, #tpu.memory_space<hbm>>
        tpu.enqueue_dma source(%dma_start3A_186 : memref<10x128xi32, #tpu.memory_space<hbm>>) target(%dma_start3A_182 : memref<10x128xi32, #tpu.memory_space<vmem>>) target_semaphore(%dma_start3A_178 : memref<!tpu.dma_semaphore, #tpu.memory_space<semaphore_mem>>)
        %add3A_187 = arith.constant 1 : i32
        %add3A_188 = arith.addi %scan3A_116, %add3A_187 : i32
        %dma_start3A_189 = arith.constant 1 : i32
        %dma_start3A_190 = arith.constant 1 : i32
        %dma_start3A_191 = arith.constant 0 : i32
        %dma_start3A_192 = arith.constant 0 : i32
        %dma_start3A_193 = tpu.memref_slice %arg6[%select_n3A_143, %dma_start3A_191, %dma_start3A_192] : memref<2x10x128xi32, #tpu.memory_space<vmem>> -> memref<1x10x128xi32, #tpu.memory_space<vmem>>
        %dma_start3A_194 = tpu.memref_squeeze %dma_start3A_193 : memref<1x10x128xi32, #tpu.memory_space<vmem>> -> memref<10x128xi32, #tpu.memory_space<vmem>>
        %dma_start3A_195 = arith.constant 0 : i32
        %dma_start3A_196 = arith.constant 0 : i32
        %dma_start3A_197 = tpu.memref_slice %arg3[%dma_start3A_189, %add3A, %add3A_188, %dma_start3A_195, %dma_start3A_196] : memref<2x32x8x10x128xi32, #tpu.memory_space<hbm>> -> memref<1x1x1x10x128xi32, #tpu.memory_space<hbm>>
        %dma_start3A_198 = tpu.memref_squeeze %dma_start3A_197 : memref<1x1x1x10x128xi32, #tpu.memory_space<hbm>> -> memref<10x128xi32, #tpu.memory_space<hbm>>
        %dma_start3A_199 = tpu.memref_slice %arg10[%dma_start3A_190] : memref<2x!tpu.dma_semaphore, #tpu.memory_space<semaphore_mem>> -> memref<1x!tpu.dma_semaphore, #tpu.memory_space<semaphore_mem>>
        %dma_start3A_200 = tpu.memref_squeeze %dma_start3A_199 : memref<1x!tpu.dma_semaphore, #tpu.memory_space<semaphore_mem>> -> memref<!tpu.dma_semaphore, #tpu.memory_space<semaphore_mem>>
        %dma_start3A_201 = arith.constant 0 : i32
        %dma_start3A_202 = arith.constant 0 : i32
        %dma_start3A_203 = tpu.memref_slice %arg6[%select_n3A_143, %dma_start3A_201, %dma_start3A_202] : memref<2x10x128xi32, #tpu.memory_space<vmem>> -> memref<1x10x128xi32, #tpu.memory_space<vmem>>
        %dma_start3A_204 = tpu.memref_squeeze %dma_start3A_203 : memref<1x10x128xi32, #tpu.memory_space<vmem>> -> memref<10x128xi32, #tpu.memory_space<vmem>>
        %dma_start3A_205 = arith.constant 0 : i32
        %dma_start3A_206 = arith.constant 0 : i32
        %dma_start3A_207 = tpu.memref_slice %arg3[%dma_start3A_189, %add3A, %add3A_188, %dma_start3A_205, %dma_start3A_206] : memref<2x32x8x10x128xi32, #tpu.memory_space<hbm>> -> memref<1x1x1x10x128xi32, #tpu.memory_space<hbm>>
        %dma_start3A_208 = tpu.memref_squeeze %dma_start3A_207 : memref<1x1x1x10x128xi32, #tpu.memory_space<hbm>> -> memref<10x128xi32, #tpu.memory_space<hbm>>
        tpu.enqueue_dma source(%dma_start3A_208 : memref<10x128xi32, #tpu.memory_space<hbm>>) target(%dma_start3A_204 : memref<10x128xi32, #tpu.memory_space<vmem>>) target_semaphore(%dma_start3A_200 : memref<!tpu.dma_semaphore, #tpu.memory_space<semaphore_mem>>)
      } else {
      }
      %scan3A_153 = arith.constant 0 : i32
      %scan3A_154 = arith.constant 0 : i32
      %scan3A_155 = arith.constant 2 : i32
      %scan3A_156 = arith.addi %scan3A_154, %scan3A_155 : i32
      %scan3A_157 = arith.constant 1 : i32
      scf.for %scan3A_165 = %scan3A_154 to %scan3A_156 step %scan3A_157  : i32 {
        %jit3A_166 = arith.constant 2 : i32
        %eq3A_167 = arith.constant 0 : i32
        %eq3A_168 = arith.cmpi eq, %jit3A_166, %eq3A_167 : i32
        %jit3A_169 = arith.constant 1 : i32
        %select_n3A_170 = arith.select %eq3A_168, %jit3A_169, %jit3A_166 : i32
        %rem3A_171 = arith.remsi %scan3A_165, %select_n3A_170 : i32
        %ne3A_172 = arith.constant 0 : i32
        %ne3A_173 = arith.cmpi ne, %rem3A_171, %ne3A_172 : i32
        %lt3A_174 = arith.constant 0 : i32
        %lt3A_175 = arith.cmpi slt, %rem3A_171, %lt3A_174 : i32
        %lt3A_176 = arith.constant 0 : i32
        %lt3A_177 = arith.cmpi slt, %select_n3A_170, %lt3A_176 : i32
        %ne3A_178 = arith.xori %lt3A_175, %lt3A_177 : i1
        %and3A_179 = arith.andi %ne3A_178, %ne3A_173 : i1
        %add3A_180 = arith.addi %rem3A_171, %select_n3A_170 : i32
        %select_n3A_181 = arith.select %and3A_179, %add3A_180, %rem3A_171 : i32
        %dma_start3A_182 = arith.constant 0 : i32
        %dma_start3A_183 = arith.constant 0 : i32
        %dma_start3A_184 = tpu.memref_slice %arg7[%select_n3A_181, %dma_start3A_182, %dma_start3A_183] : memref<2x128x128xf32, #tpu.memory_space<vmem>> -> memref<1x128x128xf32, #tpu.memory_space<vmem>>
        %dma_start3A_185 = tpu.memref_squeeze %dma_start3A_184 : memref<1x128x128xf32, #tpu.memory_space<vmem>> -> memref<128x128xf32, #tpu.memory_space<vmem>>
        %dma_start3A_186 = arith.constant 0 : i32
        %dma_start3A_187 = tpu.memref_slice %arg5[%select_n3A_125, %scan3A_165, %dma_start3A_186] : memref<2x10x128xi32, #tpu.memory_space<vmem>> -> memref<1x1x128xi32, #tpu.memory_space<vmem>>
        %dma_start3A_188 = tpu.memref_squeeze %dma_start3A_187 : memref<1x1x128xi32, #tpu.memory_space<vmem>> -> memref<128xi32, #tpu.memory_space<vmem>>
        %dma_start3A_189 = arith.constant 0 : i32
        %dma_start3A_190 = arith.constant 0 : i32
        %dma_start3A_191 = tpu.memref_slice %arg2[%dma_start3A_189, %dma_start3A_190] : memref<10000x128xf32, #tpu.memory_space<hbm>> -> memref<10000x128xf32, #tpu.memory_space<hbm>>
        %dma_start3A_192 = tpu.memref_slice %arg9[%select_n3A_181] : memref<2x!tpu.dma_semaphore, #tpu.memory_space<semaphore_mem>> -> memref<1x!tpu.dma_semaphore, #tpu.memory_space<semaphore_mem>>
        %dma_start3A_193 = tpu.memref_squeeze %dma_start3A_192 : memref<1x!tpu.dma_semaphore, #tpu.memory_space<semaphore_mem>> -> memref<!tpu.dma_semaphore, #tpu.memory_space<semaphore_mem>>
        tpu.enqueue_indirect_dma source(%dma_start3A_191 : memref<10000x128xf32, #tpu.memory_space<hbm>>) target(%dma_start3A_185 : memref<128x128xf32, #tpu.memory_space<vmem>>) offsets(%dma_start3A_188 : memref<128xi32, #tpu.memory_space<vmem>>) semaphore(%dma_start3A_193 : memref<!tpu.dma_semaphore, #tpu.memory_space<semaphore_mem>>)
      }
      %scan3A_158 = arith.constant 2 : i32
      %scan3A_159 = arith.constant 0 : i32
      %scan3A_160 = arith.constant 0 : i32
      %scan3A_161 = arith.constant 10 : i32
      %scan3A_162 = arith.addi %scan3A_160, %scan3A_161 : i32
      %scan3A_163 = arith.constant 1 : i32
      scf.for %scan3A_165 = %scan3A_160 to %scan3A_162 step %scan3A_163  : i32 {
        %jit3A_166 = arith.constant 2 : i32
        %eq3A_167 = arith.constant 0 : i32
        %eq3A_168 = arith.cmpi eq, %jit3A_166, %eq3A_167 : i32
        %jit3A_169 = arith.constant 1 : i32
        %select_n3A_170 = arith.select %eq3A_168, %jit3A_169, %jit3A_166 : i32
        %rem3A_171 = arith.remsi %scan3A_165, %select_n3A_170 : i32
        %ne3A_172 = arith.constant 0 : i32
        %ne3A_173 = arith.cmpi ne, %rem3A_171, %ne3A_172 : i32
        %lt3A_174 = arith.constant 0 : i32
        %lt3A_175 = arith.cmpi slt, %rem3A_171, %lt3A_174 : i32
        %lt3A_176 = arith.constant 0 : i32
        %lt3A_177 = arith.cmpi slt, %select_n3A_170, %lt3A_176 : i32
        %ne3A_178 = arith.xori %lt3A_175, %lt3A_177 : i1
        %and3A_179 = arith.andi %ne3A_178, %ne3A_173 : i1
        %add3A_180 = arith.addi %rem3A_171, %select_n3A_170 : i32
        %select_n3A_181 = arith.select %and3A_179, %add3A_180, %rem3A_171 : i32
        %dma_wait3A_182 = arith.constant 0 : i32
        %dma_wait3A_183 = arith.constant 0 : i32
        %dma_wait3A_184 = tpu.memref_slice %arg7[%select_n3A_181, %dma_wait3A_182, %dma_wait3A_183] : memref<2x128x128xf32, #tpu.memory_space<vmem>> -> memref<1x128x128xf32, #tpu.memory_space<vmem>>
        %dma_wait3A_185 = tpu.memref_squeeze %dma_wait3A_184 : memref<1x128x128xf32, #tpu.memory_space<vmem>> -> memref<128x128xf32, #tpu.memory_space<vmem>>
        %dma_wait3A_186 = arith.constant 0 : i32
        %dma_wait3A_187 = tpu.memref_slice %arg5[%select_n3A_125, %scan3A_165, %dma_wait3A_186] : memref<2x10x128xi32, #tpu.memory_space<vmem>> -> memref<1x1x128xi32, #tpu.memory_space<vmem>>
        %dma_wait3A_188 = tpu.memref_squeeze %dma_wait3A_187 : memref<1x1x128xi32, #tpu.memory_space<vmem>> -> memref<128xi32, #tpu.memory_space<vmem>>
        %dma_wait3A_189 = arith.constant 0 : i32
        %dma_wait3A_190 = arith.constant 0 : i32
        %dma_wait3A_191 = tpu.memref_slice %arg2[%dma_wait3A_189, %dma_wait3A_190] : memref<10000x128xf32, #tpu.memory_space<hbm>> -> memref<10000x128xf32, #tpu.memory_space<hbm>>
        %dma_wait3A_192 = tpu.memref_slice %arg9[%select_n3A_181] : memref<2x!tpu.dma_semaphore, #tpu.memory_space<semaphore_mem>> -> memref<1x!tpu.dma_semaphore, #tpu.memory_space<semaphore_mem>>
        %dma_wait3A_193 = tpu.memref_squeeze %dma_wait3A_192 : memref<1x!tpu.dma_semaphore, #tpu.memory_space<semaphore_mem>> -> memref<!tpu.dma_semaphore, #tpu.memory_space<semaphore_mem>>
        tpu.wait_indirect_dma semaphore(%dma_wait3A_193 : memref<!tpu.dma_semaphore, #tpu.memory_space<semaphore_mem>>) src(%dma_wait3A_191 : memref<10000x128xf32, #tpu.memory_space<hbm>>) dst(%dma_wait3A_185 : memref<128x128xf32, #tpu.memory_space<vmem>>)
        "tpu.region"() ({
          %run_scoped3A = tpu.sem_alloc : memref<!tpu.dma_semaphore, #tpu.memory_space<semaphore_mem>>
          %dma_start3A_201 = arith.constant 0 : i32
          %dma_start3A_202 = arith.constant 0 : i32
          %dma_start3A_203 = tpu.memref_slice %arg7[%select_n3A_181, %dma_start3A_201, %dma_start3A_202] : memref<2x128x128xf32, #tpu.memory_space<vmem>> -> memref<1x128x128xf32, #tpu.memory_space<vmem>>
          %dma_start3A_204 = tpu.memref_squeeze %dma_start3A_203 : memref<1x128x128xf32, #tpu.memory_space<vmem>> -> memref<128x128xf32, #tpu.memory_space<vmem>>
          %dma_start3A_205 = arith.constant 0 : i32
          %dma_start3A_206 = tpu.memref_slice %arg6[%select_n3A_125, %scan3A_165, %dma_start3A_205] : memref<2x10x128xi32, #tpu.memory_space<vmem>> -> memref<1x1x128xi32, #tpu.memory_space<vmem>>
          %dma_start3A_207 = tpu.memref_squeeze %dma_start3A_206 : memref<1x1x128xi32, #tpu.memory_space<vmem>> -> memref<128xi32, #tpu.memory_space<vmem>>
          %dma_start3A_208 = arith.constant 0 : i32
          %dma_start3A_209 = arith.constant 0 : i32
          %dma_start3A_210 = tpu.memref_slice %arg8[%dma_start3A_208, %dma_start3A_209] : memref<10240x128xf32, #tpu.memory_space<vmem_shared>> -> memref<10240x128xf32, #tpu.memory_space<vmem_shared>>
          tpu.enqueue_indirect_dma source(%dma_start3A_204 : memref<128x128xf32, #tpu.memory_space<vmem>>) target(%dma_start3A_210 : memref<10240x128xf32, #tpu.memory_space<vmem_shared>>) offsets(%dma_start3A_207 : memref<128xi32, #tpu.memory_space<vmem>>) semaphore(%run_scoped3A : memref<!tpu.dma_semaphore, #tpu.memory_space<semaphore_mem>>) {add = true}
          %dma_wait3A_211 = arith.constant 0 : i32
          %dma_wait3A_212 = arith.constant 0 : i32
          %dma_wait3A_213 = tpu.memref_slice %arg7[%select_n3A_181, %dma_wait3A_211, %dma_wait3A_212] : memref<2x128x128xf32, #tpu.memory_space<vmem>> -> memref<1x128x128xf32, #tpu.memory_space<vmem>>
          %dma_wait3A_214 = tpu.memref_squeeze %dma_wait3A_213 : memref<1x128x128xf32, #tpu.memory_space<vmem>> -> memref<128x128xf32, #tpu.memory_space<vmem>>
          %dma_wait3A_215 = arith.constant 0 : i32
          %dma_wait3A_216 = tpu.memref_slice %arg6[%select_n3A_125, %scan3A_165, %dma_wait3A_215] : memref<2x10x128xi32, #tpu.memory_space<vmem>> -> memref<1x1x128xi32, #tpu.memory_space<vmem>>
          %dma_wait3A_217 = tpu.memref_squeeze %dma_wait3A_216 : memref<1x1x128xi32, #tpu.memory_space<vmem>> -> memref<128xi32, #tpu.memory_space<vmem>>
          %dma_wait3A_218 = arith.constant 0 : i32
          %dma_wait3A_219 = arith.constant 0 : i32
          %dma_wait3A_220 = tpu.memref_slice %arg8[%dma_wait3A_218, %dma_wait3A_219] : memref<10240x128xf32, #tpu.memory_space<vmem_shared>> -> memref<10240x128xf32, #tpu.memory_space<vmem_shared>>
          tpu.wait_indirect_dma semaphore(%run_scoped3A : memref<!tpu.dma_semaphore, #tpu.memory_space<semaphore_mem>>) src(%dma_wait3A_214 : memref<128x128xf32, #tpu.memory_space<vmem>>) dst(%dma_wait3A_220 : memref<10240x128xf32, #tpu.memory_space<vmem_shared>>)
          tpu.yield
        }) : () -> ()
        %add3A_194 = arith.constant 2 : i32
        %add3A_195 = arith.addi %scan3A_165, %add3A_194 : i32
        %lt3A_196 = arith.constant 10 : i32
        %lt3A_197 = arith.cmpi slt, %add3A_195, %lt3A_196 : i32
        %convert_element_type3A_198 = arith.extui %lt3A_197 : i1 to i32
        %cond3A_199 = arith.constant 0 : i32
        %cond3A_200 = arith.cmpi ne, %convert_element_type3A_198, %cond3A_199 : i32
        scf.if %cond3A_200 {
          %add3A_201 = arith.constant 2 : i32
          %add3A_202 = arith.addi %scan3A_165, %add3A_201 : i32
          %jit3A_203 = arith.constant 2 : i32
          %eq3A_204 = arith.constant 0 : i32
          %eq3A_205 = arith.cmpi eq, %jit3A_203, %eq3A_204 : i32
          %jit3A_206 = arith.constant 1 : i32
          %select_n3A_207 = arith.select %eq3A_205, %jit3A_206, %jit3A_203 : i32
          %rem3A_208 = arith.remsi %add3A_202, %select_n3A_207 : i32
          %ne3A_209 = arith.constant 0 : i32
          %ne3A_210 = arith.cmpi ne, %rem3A_208, %ne3A_209 : i32
          %lt3A_211 = arith.constant 0 : i32
          %lt3A_212 = arith.cmpi slt, %rem3A_208, %lt3A_211 : i32
          %lt3A_213 = arith.constant 0 : i32
          %lt3A_214 = arith.cmpi slt, %select_n3A_207, %lt3A_213 : i32
          %ne3A_215 = arith.xori %lt3A_212, %lt3A_214 : i1
          %and3A_216 = arith.andi %ne3A_215, %ne3A_210 : i1
          %add3A_217 = arith.addi %rem3A_208, %select_n3A_207 : i32
          %select_n3A_218 = arith.select %and3A_216, %add3A_217, %rem3A_208 : i32
          %dma_start3A_219 = arith.constant 0 : i32
          %dma_start3A_220 = arith.constant 0 : i32
          %dma_start3A_221 = tpu.memref_slice %arg7[%select_n3A_218, %dma_start3A_219, %dma_start3A_220] : memref<2x128x128xf32, #tpu.memory_space<vmem>> -> memref<1x128x128xf32, #tpu.memory_space<vmem>>
          %dma_start3A_222 = tpu.memref_squeeze %dma_start3A_221 : memref<1x128x128xf32, #tpu.memory_space<vmem>> -> memref<128x128xf32, #tpu.memory_space<vmem>>
          %dma_start3A_223 = arith.constant 0 : i32
          %dma_start3A_224 = tpu.memref_slice %arg5[%select_n3A_125, %add3A_202, %dma_start3A_223] : memref<2x10x128xi32, #tpu.memory_space<vmem>> -> memref<1x1x128xi32, #tpu.memory_space<vmem>>
          %dma_start3A_225 = tpu.memref_squeeze %dma_start3A_224 : memref<1x1x128xi32, #tpu.memory_space<vmem>> -> memref<128xi32, #tpu.memory_space<vmem>>
          %dma_start3A_226 = arith.constant 0 : i32
          %dma_start3A_227 = arith.constant 0 : i32
          %dma_start3A_228 = tpu.memref_slice %arg2[%dma_start3A_226, %dma_start3A_227] : memref<10000x128xf32, #tpu.memory_space<hbm>> -> memref<10000x128xf32, #tpu.memory_space<hbm>>
          %dma_start3A_229 = tpu.memref_slice %arg9[%select_n3A_218] : memref<2x!tpu.dma_semaphore, #tpu.memory_space<semaphore_mem>> -> memref<1x!tpu.dma_semaphore, #tpu.memory_space<semaphore_mem>>
          %dma_start3A_230 = tpu.memref_squeeze %dma_start3A_229 : memref<1x!tpu.dma_semaphore, #tpu.memory_space<semaphore_mem>> -> memref<!tpu.dma_semaphore, #tpu.memory_space<semaphore_mem>>
          tpu.enqueue_indirect_dma source(%dma_start3A_228 : memref<10000x128xf32, #tpu.memory_space<hbm>>) target(%dma_start3A_222 : memref<128x128xf32, #tpu.memory_space<vmem>>) offsets(%dma_start3A_225 : memref<128xi32, #tpu.memory_space<vmem>>) semaphore(%dma_start3A_230 : memref<!tpu.dma_semaphore, #tpu.memory_space<semaphore_mem>>)
        } else {
        }
      }
      %scan3A_164 = arith.constant 10 : i32
    }
    %scan3A_110 = arith.constant 8 : i32
    %barrier3A_111 = arith.constant 0 : index
    tpu.barrier barrier_id(%barrier3A_111)
    %mul3A_112 = arith.constant 640 : i32
    %mul3A_113 = arith.muli %arg1, %mul3A_112 : i32
    %mul3A_114 = arith.constant 640 : i32
    %mul3A_115 = arith.muli %arg1, %mul3A_114 : i32
    "tpu.region"() ({
      %run_scoped3A = tpu.sem_alloc : memref<!tpu.dma_semaphore, #tpu.memory_space<semaphore_mem>>
      %dma_start3A_116 = arith.constant 0 : i32
      %dma_start3A_117 = tpu.memref_slice %arg4[%arg0, %mul3A_115, %dma_start3A_116] : memref<2x10240x128xf32, #tpu.memory_space<hbm>> -> memref<1x640x128xf32, #tpu.memory_space<hbm>>
      %dma_start3A_118 = tpu.memref_squeeze %dma_start3A_117 : memref<1x640x128xf32, #tpu.memory_space<hbm>> -> memref<640x128xf32, #tpu.memory_space<hbm>>
      %dma_start3A_119 = arith.constant 0 : i32
      %dma_start3A_120 = tpu.memref_slice %arg8[%mul3A_113, %dma_start3A_119] : memref<10240x128xf32, #tpu.memory_space<vmem_shared>> -> memref<640x128xf32, #tpu.memory_space<vmem_shared>>
      tpu.enqueue_dma source(%dma_start3A_120 : memref<640x128xf32, #tpu.memory_space<vmem_shared>>) target(%dma_start3A_118 : memref<640x128xf32, #tpu.memory_space<hbm>>) target_semaphore(%run_scoped3A : memref<!tpu.dma_semaphore, #tpu.memory_space<semaphore_mem>>)
      %dma_wait3A_121 = arith.constant 0 : i32
      %dma_wait3A_122 = tpu.memref_slice %arg4[%arg0, %mul3A_115, %dma_wait3A_121] : memref<2x10240x128xf32, #tpu.memory_space<hbm>> -> memref<1x640x128xf32, #tpu.memory_space<hbm>>
      %dma_wait3A_123 = tpu.memref_squeeze %dma_wait3A_122 : memref<1x640x128xf32, #tpu.memory_space<hbm>> -> memref<640x128xf32, #tpu.memory_space<hbm>>
      %dma_wait3A_124 = arith.constant 0 : i32
      %dma_wait3A_125 = tpu.memref_slice %arg8[%mul3A_113, %dma_wait3A_124] : memref<10240x128xf32, #tpu.memory_space<vmem_shared>> -> memref<640x128xf32, #tpu.memory_space<vmem_shared>>
      tpu.wait_dma2 semaphore(%run_scoped3A : memref<!tpu.dma_semaphore, #tpu.memory_space<semaphore_mem>>) src(%dma_wait3A_125 : memref<640x128xf32, #tpu.memory_space<vmem_shared>>) dst(%dma_wait3A_123 : memref<640x128xf32, #tpu.memory_space<hbm>>)
      tpu.yield
    }) : () -> ()
    return
  }
}

#map = affine_map<(d0, d1) -> (0, 0)>
#map1 = affine_map<(d0, d1) -> (0, 0, 0, 0, 0)>
#map2 = affine_map<(d0, d1) -> (0, 0, 0)>
module attributes {stable_mosaic.version = 14 : i64} {
  func.func @_sc_aggregate(%arg0: i32, %arg1: i32, %arg2: memref<10000x128xf32, #tpu.memory_space<hbm>>, %arg3: memref<2x32x8x10x128xi32, #tpu.memory_space<hbm>>, %arg4: memref<2x10240x128xf32, #tpu.memory_space<hbm>>, %arg5: memref<2x10x128xi32, #tpu.memory_space<vmem>>, %arg6: memref<2x10x128xi32, #tpu.memory_space<vmem>>, %arg7: memref<2x128x128xf32, #tpu.memory_space<vmem>>, %arg8: memref<10240x128xf32, #tpu.memory_space<vmem_shared>>, %arg9: memref<2x!tpu.dma_semaphore, #tpu.memory_space<semaphore_mem>>, %arg10: memref<2x!tpu.dma_semaphore, #tpu.memory_space<semaphore_mem>>) attributes {dimension_semantics = [#tpu.dimension_semantics<core_parallel>, #tpu.dimension_semantics<subcore_parallel>], iteration_bounds = array<i64: 2, 16>, scalar_prefetch = 0 : i64, scratch_operands = 6 : i64, tpu.core_type = #tpu.core_type<sc_vector_subcore>, window_params = [{transform_indices = #map}, {transform_indices = #map1}, {transform_indices = #map2}]} {
    %mul3A = arith.constant 16 : i32
    %mul3A_0 = arith.muli %arg0, %mul3A : i32
    %add3A = arith.addi %mul3A_0, %arg1 : i32
    %dma_start3A = arith.constant 0 : i32
    %dma_start3A_1 = arith.constant 0 : i32
    %dma_start3A_2 = arith.constant 0 : i32
    %dma_start3A_3 = arith.constant 0 : i32
    %dma_start3A_4 = arith.constant 0 : i32
    %dma_start3A_5 = arith.constant 0 : i32
    %dma_start3A_6 = tpu.memref_slice %arg5[%dma_start3A_2, %dma_start3A_4, %dma_start3A_5] : memref<2x10x128xi32, #tpu.memory_space<vmem>> -> memref<1x10x128xi32, #tpu.memory_space<vmem>>
    %dma_start3A_7 = tpu.memref_squeeze %dma_start3A_6 : memref<1x10x128xi32, #tpu.memory_space<vmem>> -> memref<10x128xi32, #tpu.memory_space<vmem>>
    %dma_start3A_8 = arith.constant 0 : i32
    %dma_start3A_9 = arith.constant 0 : i32
    %dma_start3A_10 = tpu.memref_slice %arg3[%dma_start3A, %add3A, %dma_start3A_1, %dma_start3A_8, %dma_start3A_9] : memref<2x32x8x10x128xi32, #tpu.memory_space<hbm>> -> memref<1x1x1x10x128xi32, #tpu.memory_space<hbm>>
    %dma_start3A_11 = tpu.memref_squeeze %dma_start3A_10 : memref<1x1x1x10x128xi32, #tpu.memory_space<hbm>> -> memref<10x128xi32, #tpu.memory_space<hbm>>
    %dma_start3A_12 = tpu.memref_slice %arg10[%dma_start3A_3] : memref<2x!tpu.dma_semaphore, #tpu.memory_space<semaphore_mem>> -> memref<1x!tpu.dma_semaphore, #tpu.memory_space<semaphore_mem>>
    %dma_start3A_13 = tpu.memref_squeeze %dma_start3A_12 : memref<1x!tpu.dma_semaphore, #tpu.memory_space<semaphore_mem>> -> memref<!tpu.dma_semaphore, #tpu.memory_space<semaphore_mem>>
    %dma_start3A_14 = arith.constant 0 : i32
    %dma_start3A_15 = arith.constant 0 : i32
    %dma_start3A_16 = tpu.memref_slice %arg5[%dma_start3A_2, %dma_start3A_14, %dma_start3A_15] : memref<2x10x128xi32, #tpu.memory_space<vmem>> -> memref<1x10x128xi32, #tpu.memory_space<vmem>>
    %dma_start3A_17 = tpu.memref_squeeze %dma_start3A_16 : memref<1x10x128xi32, #tpu.memory_space<vmem>> -> memref<10x128xi32, #tpu.memory_space<vmem>>
    %dma_start3A_18 = arith.constant 0 : i32
    %dma_start3A_19 = arith.constant 0 : i32
    %dma_start3A_20 = tpu.memref_slice %arg3[%dma_start3A, %add3A, %dma_start3A_1, %dma_start3A_18, %dma_start3A_19] : memref<2x32x8x10x128xi32, #tpu.memory_space<hbm>> -> memref<1x1x1x10x128xi32, #tpu.memory_space<hbm>>
    %dma_start3A_21 = tpu.memref_squeeze %dma_start3A_20 : memref<1x1x1x10x128xi32, #tpu.memory_space<hbm>> -> memref<10x128xi32, #tpu.memory_space<hbm>>
    tpu.enqueue_dma source(%dma_start3A_21 : memref<10x128xi32, #tpu.memory_space<hbm>>) target(%dma_start3A_17 : memref<10x128xi32, #tpu.memory_space<vmem>>) target_semaphore(%dma_start3A_13 : memref<!tpu.dma_semaphore, #tpu.memory_space<semaphore_mem>>)
    %dma_start3A_22 = arith.constant 1 : i32
    %dma_start3A_23 = arith.constant 0 : i32
    %dma_start3A_24 = arith.constant 0 : i32
    %dma_start3A_25 = arith.constant 1 : i32
    %dma_start3A_26 = arith.constant 0 : i32
    %dma_start3A_27 = arith.constant 0 : i32
    %dma_start3A_28 = tpu.memref_slice %arg6[%dma_start3A_24, %dma_start3A_26, %dma_start3A_27] : memref<2x10x128xi32, #tpu.memory_space<vmem>> -> memref<1x10x128xi32, #tpu.memory_space<vmem>>
    %dma_start3A_29 = tpu.memref_squeeze %dma_start3A_28 : memref<1x10x128xi32, #tpu.memory_space<vmem>> -> memref<10x128xi32, #tpu.memory_space<vmem>>
    %dma_start3A_30 = arith.constant 0 : i32
    %dma_start3A_31 = arith.constant 0 : i32
    %dma_start3A_32 = tpu.memref_slice %arg3[%dma_start3A_22, %add3A, %dma_start3A_23, %dma_start3A_30, %dma_start3A_31] : memref<2x32x8x10x128xi32, #tpu.memory_space<hbm>> -> memref<1x1x1x10x128xi32, #tpu.memory_space<hbm>>
    %dma_start3A_33 = tpu.memref_squeeze %dma_start3A_32 : memref<1x1x1x10x128xi32, #tpu.memory_space<hbm>> -> memref<10x128xi32, #tpu.memory_space<hbm>>
    %dma_start3A_34 = tpu.memref_slice %arg10[%dma_start3A_25] : memref<2x!tpu.dma_semaphore, #tpu.memory_space<semaphore_mem>> -> memref<1x!tpu.dma_semaphore, #tpu.memory_space<semaphore_mem>>
    %dma_start3A_35 = tpu.memref_squeeze %dma_start3A_34 : memref<1x!tpu.dma_semaphore, #tpu.memory_space<semaphore_mem>> -> memref<!tpu.dma_semaphore, #tpu.memory_space<semaphore_mem>>
    %dma_start3A_36 = arith.constant 0 : i32
    %dma_start3A_37 = arith.constant 0 : i32
    %dma_start3A_38 = tpu.memref_slice %arg6[%dma_start3A_24, %dma_start3A_36, %dma_start3A_37] : memref<2x10x128xi32, #tpu.memory_space<vmem>> -> memref<1x10x128xi32, #tpu.memory_space<vmem>>
    %dma_start3A_39 = tpu.memref_squeeze %dma_start3A_38 : memref<1x10x128xi32, #tpu.memory_space<vmem>> -> memref<10x128xi32, #tpu.memory_space<vmem>>
    %dma_start3A_40 = arith.constant 0 : i32
    %dma_start3A_41 = arith.constant 0 : i32
    %dma_start3A_42 = tpu.memref_slice %arg3[%dma_start3A_22, %add3A, %dma_start3A_23, %dma_start3A_40, %dma_start3A_41] : memref<2x32x8x10x128xi32, #tpu.memory_space<hbm>> -> memref<1x1x1x10x128xi32, #tpu.memory_space<hbm>>
    %dma_start3A_43 = tpu.memref_squeeze %dma_start3A_42 : memref<1x1x1x10x128xi32, #tpu.memory_space<hbm>> -> memref<10x128xi32, #tpu.memory_space<hbm>>
    tpu.enqueue_dma source(%dma_start3A_43 : memref<10x128xi32, #tpu.memory_space<hbm>>) target(%dma_start3A_39 : memref<10x128xi32, #tpu.memory_space<vmem>>) target_semaphore(%dma_start3A_35 : memref<!tpu.dma_semaphore, #tpu.memory_space<semaphore_mem>>)
    %broadcast_in_dim3A = arith.constant 0.000000e+00 : f32
    %broadcast_in_dim3A_44 = vector.broadcast %broadcast_in_dim3A : f32 to vector<16xf32>
    %scan3A = arith.constant 0 : i32
    %scan3A_45 = arith.constant 0 : i32
    %scan3A_46 = arith.constant 1024 : i32
    %scan3A_47 = arith.addi %scan3A_45, %scan3A_46 : i32
    %scan3A_48 = arith.constant 1 : i32
    scf.for %scan3A_116 = %scan3A_45 to %scan3A_47 step %scan3A_48  : i32 {
      %jit3A = arith.constant 8 : i32
      %div3A = arith.divsi %scan3A_116, %jit3A : i32
      %sign3A = arith.constant 0 : i32
      %sign3A_117 = arith.cmpi sgt, %scan3A_116, %sign3A : i32
      %sign3A_118 = arith.extui %sign3A_117 : i1 to i32
      %sign3A_119 = arith.constant 0 : i32
      %sign3A_120 = arith.cmpi slt, %scan3A_116, %sign3A_119 : i32
      %sign3A_121 = arith.extui %sign3A_120 : i1 to i32
      %sign3A_122 = arith.subi %sign3A_118, %sign3A_121 : i32
      %sign3A_123 = arith.constant 0 : i32
      %sign3A_124 = arith.cmpi sgt, %jit3A, %sign3A_123 : i32
      %sign3A_125 = arith.extui %sign3A_124 : i1 to i32
      %sign3A_126 = arith.constant 0 : i32
      %sign3A_127 = arith.cmpi slt, %jit3A, %sign3A_126 : i32
      %sign3A_128 = arith.extui %sign3A_127 : i1 to i32
      %sign3A_129 = arith.subi %sign3A_125, %sign3A_128 : i32
      %ne3A = arith.cmpi ne, %sign3A_122, %sign3A_129 : i32
      %rem3A = arith.remsi %scan3A_116, %jit3A : i32
      %ne3A_130 = arith.constant 0 : i32
      %ne3A_131 = arith.cmpi ne, %rem3A, %ne3A_130 : i32
      %and3A = arith.andi %ne3A, %ne3A_131 : i1
      %sub3A = arith.constant 1 : i32
      %sub3A_132 = arith.subi %div3A, %sub3A : i32
      %select_n3A = arith.select %and3A, %sub3A_132, %div3A : i32
      %jit3A_133 = arith.constant 8 : i32
      %eq3A = arith.constant 0 : i32
      %eq3A_134 = arith.cmpi eq, %jit3A_133, %eq3A : i32
      %jit3A_135 = arith.constant 1 : i32
      %select_n3A_136 = arith.select %eq3A_134, %jit3A_135, %jit3A_133 : i32
      %rem3A_137 = arith.remsi %scan3A_116, %select_n3A_136 : i32
      %ne3A_138 = arith.constant 0 : i32
      %ne3A_139 = arith.cmpi ne, %rem3A_137, %ne3A_138 : i32
      %lt3A = arith.constant 0 : i32
      %lt3A_140 = arith.cmpi slt, %rem3A_137, %lt3A : i32
      %lt3A_141 = arith.constant 0 : i32
      %lt3A_142 = arith.cmpi slt, %select_n3A_136, %lt3A_141 : i32
      %ne3A_143 = arith.xori %lt3A_140, %lt3A_142 : i1
      %and3A_144 = arith.andi %ne3A_143, %ne3A_139 : i1
      %add3A_145 = arith.addi %rem3A_137, %select_n3A_136 : i32
      %select_n3A_146 = arith.select %and3A_144, %add3A_145, %rem3A_137 : i32
      %mul3A_147 = arith.constant 16 : i32
      %mul3A_148 = arith.muli %select_n3A_146, %mul3A_147 : i32
      %swap3A = arith.constant 0 : i32
      %swap3A_149 = arith.index_cast %swap3A : i32 to index
      %swap3A_150 = arith.index_cast %select_n3A : i32 to index
      %swap3A_151 = arith.index_cast %mul3A_148 : i32 to index
      %swap3A_152 = tpu.vector_load %arg7[%swap3A_149, %swap3A_150, %swap3A_151] {strides = array<i32>} : memref<2x128x128xf32, #tpu.memory_space<vmem>>, vector<1x1x16xf32>,
      %swap3A_153 = vector.shape_cast %swap3A_152 : vector<1x1x16xf32> to vector<16xf32>
      %swap3A_154 = vector.shape_cast %broadcast_in_dim3A_44 : vector<16xf32> to vector<1x1x16xf32>
      tpu.vector_store %arg7[%swap3A_149, %swap3A_150, %swap3A_151], %swap3A_154 {strides = array<i32>} : memref<2x128x128xf32, #tpu.memory_space<vmem>>, vector<1x1x16xf32>,
    }
    %scan3A_49 = arith.constant 1024 : i32
    %scan3A_50 = arith.constant 0 : i32
    %scan3A_51 = arith.constant 0 : i32
    %scan3A_52 = arith.constant 5 : i32
    %scan3A_53 = arith.addi %scan3A_51, %scan3A_52 : i32
    %scan3A_54 = arith.constant 1 : i32
    scf.for %scan3A_116 = %scan3A_51 to %scan3A_53 step %scan3A_54  : i32 {
      %mul3A_117 = arith.constant 640 : i32
      %mul3A_118 = arith.muli %arg1, %mul3A_117 : i32
      %mul3A_119 = arith.constant 128 : i32
      %mul3A_120 = arith.muli %scan3A_116, %mul3A_119 : i32
      %add3A_121 = arith.addi %mul3A_118, %mul3A_120 : i32
      %jit3A = arith.constant 2 : i32
      %eq3A = arith.constant 0 : i32
      %eq3A_122 = arith.cmpi eq, %jit3A, %eq3A : i32
      %jit3A_123 = arith.constant 1 : i32
      %select_n3A = arith.select %eq3A_122, %jit3A_123, %jit3A : i32
      %rem3A = arith.remsi %scan3A_116, %select_n3A : i32
      %ne3A = arith.constant 0 : i32
      %ne3A_124 = arith.cmpi ne, %rem3A, %ne3A : i32
      %lt3A = arith.constant 0 : i32
      %lt3A_125 = arith.cmpi slt, %rem3A, %lt3A : i32
      %lt3A_126 = arith.constant 0 : i32
      %lt3A_127 = arith.cmpi slt, %select_n3A, %lt3A_126 : i32
      %ne3A_128 = arith.xori %lt3A_125, %lt3A_127 : i1
      %and3A = arith.andi %ne3A_128, %ne3A_124 : i1
      %add3A_129 = arith.addi %rem3A, %select_n3A : i32
      %select_n3A_130 = arith.select %and3A, %add3A_129, %rem3A : i32
      %dma_start3A_131 = arith.constant 0 : i32
      %dma_start3A_132 = arith.constant 0 : i32
      %dma_start3A_133 = arith.constant 0 : i32
      %dma_start3A_134 = tpu.memref_slice %arg7[%dma_start3A_131, %dma_start3A_132, %dma_start3A_133] : memref<2x128x128xf32, #tpu.memory_space<vmem>> -> memref<1x128x128xf32, #tpu.memory_space<vmem>>
      %dma_start3A_135 = tpu.memref_squeeze %dma_start3A_134 : memref<1x128x128xf32, #tpu.memory_space<vmem>> -> memref<128x128xf32, #tpu.memory_space<vmem>>
      %dma_start3A_136 = arith.constant 0 : i32
      %dma_start3A_137 = tpu.memref_slice %arg8[%add3A_121, %dma_start3A_136] : memref<10240x128xf32, #tpu.memory_space<vmem_shared>> -> memref<128x128xf32, #tpu.memory_space<vmem_shared>>
      %dma_start3A_138 = tpu.memref_slice %arg9[%select_n3A_130] : memref<2x!tpu.dma_semaphore, #tpu.memory_space<semaphore_mem>> -> memref<1x!tpu.dma_semaphore, #tpu.memory_space<semaphore_mem>>
      %dma_start3A_139 = tpu.memref_squeeze %dma_start3A_138 : memref<1x!tpu.dma_semaphore, #tpu.memory_space<semaphore_mem>> -> memref<!tpu.dma_semaphore, #tpu.memory_space<semaphore_mem>>
      %dma_start3A_140 = arith.constant 0 : i32
      %dma_start3A_141 = tpu.memref_slice %arg8[%add3A_121, %dma_start3A_140] : memref<10240x128xf32, #tpu.memory_space<vmem_shared>> -> memref<128x128xf32, #tpu.memory_space<vmem_shared>>
      %dma_start3A_142 = arith.constant 0 : i32
      %dma_start3A_143 = arith.constant 0 : i32
      %dma_start3A_144 = tpu.memref_slice %arg7[%dma_start3A_131, %dma_start3A_142, %dma_start3A_143] : memref<2x128x128xf32, #tpu.memory_space<vmem>> -> memref<1x128x128xf32, #tpu.memory_space<vmem>>
      %dma_start3A_145 = tpu.memref_squeeze %dma_start3A_144 : memref<1x128x128xf32, #tpu.memory_space<vmem>> -> memref<128x128xf32, #tpu.memory_space<vmem>>
      tpu.enqueue_dma source(%dma_start3A_145 : memref<128x128xf32, #tpu.memory_space<vmem>>) target(%dma_start3A_141 : memref<128x128xf32, #tpu.memory_space<vmem_shared>>) target_semaphore(%dma_start3A_139 : memref<!tpu.dma_semaphore, #tpu.memory_space<semaphore_mem>>)
    }
    %scan3A_55 = arith.constant 5 : i32
    %scan3A_56 = arith.constant 0 : i32
    %scan3A_57 = arith.constant 0 : i32
    %scan3A_58 = arith.constant 5 : i32
    %scan3A_59 = arith.addi %scan3A_57, %scan3A_58 : i32
    %scan3A_60 = arith.constant 1 : i32
    scf.for %scan3A_116 = %scan3A_57 to %scan3A_59 step %scan3A_60  : i32 {
      %mul3A_117 = arith.constant 640 : i32
      %mul3A_118 = arith.muli %arg1, %mul3A_117 : i32
      %mul3A_119 = arith.constant 128 : i32
      %mul3A_120 = arith.muli %scan3A_116, %mul3A_119 : i32
      %add3A_121 = arith.addi %mul3A_118, %mul3A_120 : i32
      %jit3A = arith.constant 2 : i32
      %eq3A = arith.constant 0 : i32
      %eq3A_122 = arith.cmpi eq, %jit3A, %eq3A : i32
      %jit3A_123 = arith.constant 1 : i32
      %select_n3A = arith.select %eq3A_122, %jit3A_123, %jit3A : i32
      %rem3A = arith.remsi %scan3A_116, %select_n3A : i32
      %ne3A = arith.constant 0 : i32
      %ne3A_124 = arith.cmpi ne, %rem3A, %ne3A : i32
      %lt3A = arith.constant 0 : i32
      %lt3A_125 = arith.cmpi slt, %rem3A, %lt3A : i32
      %lt3A_126 = arith.constant 0 : i32
      %lt3A_127 = arith.cmpi slt, %select_n3A, %lt3A_126 : i32
      %ne3A_128 = arith.xori %lt3A_125, %lt3A_127 : i1
      %and3A = arith.andi %ne3A_128, %ne3A_124 : i1
      %add3A_129 = arith.addi %rem3A, %select_n3A : i32
      %select_n3A_130 = arith.select %and3A, %add3A_129, %rem3A : i32
      %dma_wait3A_131 = arith.constant 0 : i32
      %dma_wait3A_132 = arith.constant 0 : i32
      %dma_wait3A_133 = arith.constant 0 : i32
      %dma_wait3A_134 = tpu.memref_slice %arg7[%dma_wait3A_131, %dma_wait3A_132, %dma_wait3A_133] : memref<2x128x128xf32, #tpu.memory_space<vmem>> -> memref<1x128x128xf32, #tpu.memory_space<vmem>>
      %dma_wait3A_135 = tpu.memref_squeeze %dma_wait3A_134 : memref<1x128x128xf32, #tpu.memory_space<vmem>> -> memref<128x128xf32, #tpu.memory_space<vmem>>
      %dma_wait3A_136 = arith.constant 0 : i32
      %dma_wait3A_137 = tpu.memref_slice %arg8[%add3A_121, %dma_wait3A_136] : memref<10240x128xf32, #tpu.memory_space<vmem_shared>> -> memref<128x128xf32, #tpu.memory_space<vmem_shared>>
      %dma_wait3A_138 = tpu.memref_slice %arg9[%select_n3A_130] : memref<2x!tpu.dma_semaphore, #tpu.memory_space<semaphore_mem>> -> memref<1x!tpu.dma_semaphore, #tpu.memory_space<semaphore_mem>>
      %dma_wait3A_139 = tpu.memref_squeeze %dma_wait3A_138 : memref<1x!tpu.dma_semaphore, #tpu.memory_space<semaphore_mem>> -> memref<!tpu.dma_semaphore, #tpu.memory_space<semaphore_mem>>
      %dma_wait3A_140 = arith.constant 0 : i32
      %dma_wait3A_141 = tpu.memref_slice %arg8[%add3A_121, %dma_wait3A_140] : memref<10240x128xf32, #tpu.memory_space<vmem_shared>> -> memref<128x128xf32, #tpu.memory_space<vmem_shared>>
      %dma_wait3A_142 = arith.constant 0 : i32
      %dma_wait3A_143 = arith.constant 0 : i32
      %dma_wait3A_144 = tpu.memref_slice %arg7[%dma_wait3A_131, %dma_wait3A_142, %dma_wait3A_143] : memref<2x128x128xf32, #tpu.memory_space<vmem>> -> memref<1x128x128xf32, #tpu.memory_space<vmem>>
      %dma_wait3A_145 = tpu.memref_squeeze %dma_wait3A_144 : memref<1x128x128xf32, #tpu.memory_space<vmem>> -> memref<128x128xf32, #tpu.memory_space<vmem>>
      tpu.wait_dma2 semaphore(%dma_wait3A_139 : memref<!tpu.dma_semaphore, #tpu.memory_space<semaphore_mem>>) src(%dma_wait3A_145 : memref<128x128xf32, #tpu.memory_space<vmem>>) dst(%dma_wait3A_141 : memref<128x128xf32, #tpu.memory_space<vmem_shared>>)
    }
    %scan3A_61 = arith.constant 5 : i32
    %dma_wait3A = arith.constant 0 : i32
    %dma_wait3A_62 = arith.constant 0 : i32
    %dma_wait3A_63 = arith.constant 0 : i32
    %dma_wait3A_64 = arith.constant 0 : i32
    %dma_wait3A_65 = arith.constant 0 : i32
    %dma_wait3A_66 = arith.constant 0 : i32
    %dma_wait3A_67 = tpu.memref_slice %arg5[%dma_wait3A_63, %dma_wait3A_65, %dma_wait3A_66] : memref<2x10x128xi32, #tpu.memory_space<vmem>> -> memref<1x10x128xi32, #tpu.memory_space<vmem>>
    %dma_wait3A_68 = tpu.memref_squeeze %dma_wait3A_67 : memref<1x10x128xi32, #tpu.memory_space<vmem>> -> memref<10x128xi32, #tpu.memory_space<vmem>>
    %dma_wait3A_69 = arith.constant 0 : i32
    %dma_wait3A_70 = arith.constant 0 : i32
    %dma_wait3A_71 = tpu.memref_slice %arg3[%dma_wait3A, %add3A, %dma_wait3A_62, %dma_wait3A_69, %dma_wait3A_70] : memref<2x32x8x10x128xi32, #tpu.memory_space<hbm>> -> memref<1x1x1x10x128xi32, #tpu.memory_space<hbm>>
    %dma_wait3A_72 = tpu.memref_squeeze %dma_wait3A_71 : memref<1x1x1x10x128xi32, #tpu.memory_space<hbm>> -> memref<10x128xi32, #tpu.memory_space<hbm>>
    %dma_wait3A_73 = tpu.memref_slice %arg10[%dma_wait3A_64] : memref<2x!tpu.dma_semaphore, #tpu.memory_space<semaphore_mem>> -> memref<1x!tpu.dma_semaphore, #tpu.memory_space<semaphore_mem>>
    %dma_wait3A_74 = tpu.memref_squeeze %dma_wait3A_73 : memref<1x!tpu.dma_semaphore, #tpu.memory_space<semaphore_mem>> -> memref<!tpu.dma_semaphore, #tpu.memory_space<semaphore_mem>>
    %dma_wait3A_75 = arith.constant 0 : i32
    %dma_wait3A_76 = arith.constant 0 : i32
    %dma_wait3A_77 = tpu.memref_slice %arg5[%dma_wait3A_63, %dma_wait3A_75, %dma_wait3A_76] : memref<2x10x128xi32, #tpu.memory_space<vmem>> -> memref<1x10x128xi32, #tpu.memory_space<vmem>>
    %dma_wait3A_78 = tpu.memref_squeeze %dma_wait3A_77 : memref<1x10x128xi32, #tpu.memory_space<vmem>> -> memref<10x128xi32, #tpu.memory_space<vmem>>
    %dma_wait3A_79 = arith.constant 0 : i32
    %dma_wait3A_80 = arith.constant 0 : i32
    %dma_wait3A_81 = tpu.memref_slice %arg3[%dma_wait3A, %add3A, %dma_wait3A_62, %dma_wait3A_79, %dma_wait3A_80] : memref<2x32x8x10x128xi32, #tpu.memory_space<hbm>> -> memref<1x1x1x10x128xi32, #tpu.memory_space<hbm>>
    %dma_wait3A_82 = tpu.memref_squeeze %dma_wait3A_81 : memref<1x1x1x10x128xi32, #tpu.memory_space<hbm>> -> memref<10x128xi32, #tpu.memory_space<hbm>>
    tpu.wait_dma2 semaphore(%dma_wait3A_74 : memref<!tpu.dma_semaphore, #tpu.memory_space<semaphore_mem>>) src(%dma_wait3A_82 : memref<10x128xi32, #tpu.memory_space<hbm>>) dst(%dma_wait3A_78 : memref<10x128xi32, #tpu.memory_space<vmem>>)
    %dma_wait3A_83 = arith.constant 1 : i32
    %dma_wait3A_84 = arith.constant 0 : i32
    %dma_wait3A_85 = arith.constant 0 : i32
    %dma_wait3A_86 = arith.constant 1 : i32
    %dma_wait3A_87 = arith.constant 0 : i32
    %dma_wait3A_88 = arith.constant 0 : i32
    %dma_wait3A_89 = tpu.memref_slice %arg6[%dma_wait3A_85, %dma_wait3A_87, %dma_wait3A_88] : memref<2x10x128xi32, #tpu.memory_space<vmem>> -> memref<1x10x128xi32, #tpu.memory_space<vmem>>
    %dma_wait3A_90 = tpu.memref_squeeze %dma_wait3A_89 : memref<1x10x128xi32, #tpu.memory_space<vmem>> -> memref<10x128xi32, #tpu.memory_space<vmem>>
    %dma_wait3A_91 = arith.constant 0 : i32
    %dma_wait3A_92 = arith.constant 0 : i32
    %dma_wait3A_93 = tpu.memref_slice %arg3[%dma_wait3A_83, %add3A, %dma_wait3A_84, %dma_wait3A_91, %dma_wait3A_92] : memref<2x32x8x10x128xi32, #tpu.memory_space<hbm>> -> memref<1x1x1x10x128xi32, #tpu.memory_space<hbm>>
    %dma_wait3A_94 = tpu.memref_squeeze %dma_wait3A_93 : memref<1x1x1x10x128xi32, #tpu.memory_space<hbm>> -> memref<10x128xi32, #tpu.memory_space<hbm>>
    %dma_wait3A_95 = tpu.memref_slice %arg10[%dma_wait3A_86] : memref<2x!tpu.dma_semaphore, #tpu.memory_space<semaphore_mem>> -> memref<1x!tpu.dma_semaphore, #tpu.memory_space<semaphore_mem>>
    %dma_wait3A_96 = tpu.memref_squeeze %dma_wait3A_95 : memref<1x!tpu.dma_semaphore, #tpu.memory_space<semaphore_mem>> -> memref<!tpu.dma_semaphore, #tpu.memory_space<semaphore_mem>>
    %dma_wait3A_97 = arith.constant 0 : i32
    %dma_wait3A_98 = arith.constant 0 : i32
    %dma_wait3A_99 = tpu.memref_slice %arg6[%dma_wait3A_85, %dma_wait3A_97, %dma_wait3A_98] : memref<2x10x128xi32, #tpu.memory_space<vmem>> -> memref<1x10x128xi32, #tpu.memory_space<vmem>>
    %dma_wait3A_100 = tpu.memref_squeeze %dma_wait3A_99 : memref<1x10x128xi32, #tpu.memory_space<vmem>> -> memref<10x128xi32, #tpu.memory_space<vmem>>
    %dma_wait3A_101 = arith.constant 0 : i32
    %dma_wait3A_102 = arith.constant 0 : i32
    %dma_wait3A_103 = tpu.memref_slice %arg3[%dma_wait3A_83, %add3A, %dma_wait3A_84, %dma_wait3A_101, %dma_wait3A_102] : memref<2x32x8x10x128xi32, #tpu.memory_space<hbm>> -> memref<1x1x1x10x128xi32, #tpu.memory_space<hbm>>
    %dma_wait3A_104 = tpu.memref_squeeze %dma_wait3A_103 : memref<1x1x1x10x128xi32, #tpu.memory_space<hbm>> -> memref<10x128xi32, #tpu.memory_space<hbm>>
    tpu.wait_dma2 semaphore(%dma_wait3A_96 : memref<!tpu.dma_semaphore, #tpu.memory_space<semaphore_mem>>) src(%dma_wait3A_104 : memref<10x128xi32, #tpu.memory_space<hbm>>) dst(%dma_wait3A_100 : memref<10x128xi32, #tpu.memory_space<vmem>>)
    %barrier3A = arith.constant 0 : index
    tpu.barrier barrier_id(%barrier3A)
    %scan3A_105 = arith.constant 0 : i32
    %scan3A_106 = arith.constant 0 : i32
    %scan3A_107 = arith.constant 8 : i32
    %scan3A_108 = arith.addi %scan3A_106, %scan3A_107 : i32
    %scan3A_109 = arith.constant 1 : i32
    scf.for %scan3A_116 = %scan3A_106 to %scan3A_108 step %scan3A_109  : i32 {
      %jit3A = arith.constant 2 : i32
      %eq3A = arith.constant 0 : i32
      %eq3A_117 = arith.cmpi eq, %jit3A, %eq3A : i32
      %jit3A_118 = arith.constant 1 : i32
      %select_n3A = arith.select %eq3A_117, %jit3A_118, %jit3A : i32
      %rem3A = arith.remsi %scan3A_116, %select_n3A : i32
      %ne3A = arith.constant 0 : i32
      %ne3A_119 = arith.cmpi ne, %rem3A, %ne3A : i32
      %lt3A = arith.constant 0 : i32
      %lt3A_120 = arith.cmpi slt, %rem3A, %lt3A : i32
      %lt3A_121 = arith.constant 0 : i32
      %lt3A_122 = arith.cmpi slt, %select_n3A, %lt3A_121 : i32
      %ne3A_123 = arith.xori %lt3A_120, %lt3A_122 : i1
      %and3A = arith.andi %ne3A_123, %ne3A_119 : i1
      %add3A_124 = arith.addi %rem3A, %select_n3A : i32
      %select_n3A_125 = arith.select %and3A, %add3A_124, %rem3A : i32
      %add3A_126 = arith.constant 1 : i32
      %add3A_127 = arith.addi %scan3A_116, %add3A_126 : i32
      %jit3A_128 = arith.constant 2 : i32
      %eq3A_129 = arith.constant 0 : i32
      %eq3A_130 = arith.cmpi eq, %jit3A_128, %eq3A_129 : i32
      %jit3A_131 = arith.constant 1 : i32
      %select_n3A_132 = arith.select %eq3A_130, %jit3A_131, %jit3A_128 : i32
      %rem3A_133 = arith.remsi %add3A_127, %select_n3A_132 : i32
      %ne3A_134 = arith.constant 0 : i32
      %ne3A_135 = arith.cmpi ne, %rem3A_133, %ne3A_134 : i32
      %lt3A_136 = arith.constant 0 : i32
      %lt3A_137 = arith.cmpi slt, %rem3A_133, %lt3A_136 : i32
      %lt3A_138 = arith.constant 0 : i32
      %lt3A_139 = arith.cmpi slt, %select_n3A_132, %lt3A_138 : i32
      %ne3A_140 = arith.xori %lt3A_137, %lt3A_139 : i1
      %and3A_141 = arith.andi %ne3A_140, %ne3A_135 : i1
      %add3A_142 = arith.addi %rem3A_133, %select_n3A_132 : i32
      %select_n3A_143 = arith.select %and3A_141, %add3A_142, %rem3A_133 : i32
      %gt3A = arith.constant 0 : i32
      %gt3A_144 = arith.cmpi sgt, %scan3A_116, %gt3A : i32
      %convert_element_type3A = arith.extui %gt3A_144 : i1 to i32
      %cond3A = arith.constant 0 : i32
      %cond3A_145 = arith.cmpi ne, %convert_element_type3A, %cond3A : i32
      scf.if %cond3A_145 {
        %dma_wait3A_165 = arith.constant 0 : i32
        %dma_wait3A_166 = arith.constant 0 : i32
        %dma_wait3A_167 = arith.constant 0 : i32
        %dma_wait3A_168 = arith.constant 0 : i32
        %dma_wait3A_169 = tpu.memref_slice %arg5[%select_n3A_125, %dma_wait3A_167, %dma_wait3A_168] : memref<2x10x128xi32, #tpu.memory_space<vmem>> -> memref<1x10x128xi32, #tpu.memory_space<vmem>>
        %dma_wait3A_170 = tpu.memref_squeeze %dma_wait3A_169 : memref<1x10x128xi32, #tpu.memory_space<vmem>> -> memref<10x128xi32, #tpu.memory_space<vmem>>
        %dma_wait3A_171 = arith.constant 0 : i32
        %dma_wait3A_172 = arith.constant 0 : i32
        %dma_wait3A_173 = tpu.memref_slice %arg3[%dma_wait3A_165, %add3A, %scan3A_116, %dma_wait3A_171, %dma_wait3A_172] : memref<2x32x8x10x128xi32, #tpu.memory_space<hbm>> -> memref<1x1x1x10x128xi32, #tpu.memory_space<hbm>>
        %dma_wait3A_174 = tpu.memref_squeeze %dma_wait3A_173 : memref<1x1x1x10x128xi32, #tpu.memory_space<hbm>> -> memref<10x128xi32, #tpu.memory_space<hbm>>
        %dma_wait3A_175 = tpu.memref_slice %arg10[%dma_wait3A_166] : memref<2x!tpu.dma_semaphore, #tpu.memory_space<semaphore_mem>> -> memref<1x!tpu.dma_semaphore, #tpu.memory_space<semaphore_mem>>
        %dma_wait3A_176 = tpu.memref_squeeze %dma_wait3A_175 : memref<1x!tpu.dma_semaphore, #tpu.memory_space<semaphore_mem>> -> memref<!tpu.dma_semaphore, #tpu.memory_space<semaphore_mem>>
        %dma_wait3A_177 = arith.constant 0 : i32
        %dma_wait3A_178 = arith.constant 0 : i32
        %dma_wait3A_179 = tpu.memref_slice %arg5[%select_n3A_125, %dma_wait3A_177, %dma_wait3A_178] : memref<2x10x128xi32, #tpu.memory_space<vmem>> -> memref<1x10x128xi32, #tpu.memory_space<vmem>>
        %dma_wait3A_180 = tpu.memref_squeeze %dma_wait3A_179 : memref<1x10x128xi32, #tpu.memory_space<vmem>> -> memref<10x128xi32, #tpu.memory_space<vmem>>
        %dma_wait3A_181 = arith.constant 0 : i32
        %dma_wait3A_182 = arith.constant 0 : i32
        %dma_wait3A_183 = tpu.memref_slice %arg3[%dma_wait3A_165, %add3A, %scan3A_116, %dma_wait3A_181, %dma_wait3A_182] : memref<2x32x8x10x128xi32, #tpu.memory_space<hbm>> -> memref<1x1x1x10x128xi32, #tpu.memory_space<hbm>>
        %dma_wait3A_184 = tpu.memref_squeeze %dma_wait3A_183 : memref<1x1x1x10x128xi32, #tpu.memory_space<hbm>> -> memref<10x128xi32, #tpu.memory_space<hbm>>
        tpu.wait_dma2 semaphore(%dma_wait3A_176 : memref<!tpu.dma_semaphore, #tpu.memory_space<semaphore_mem>>) src(%dma_wait3A_184 : memref<10x128xi32, #tpu.memory_space<hbm>>) dst(%dma_wait3A_180 : memref<10x128xi32, #tpu.memory_space<vmem>>)
        %dma_wait3A_185 = arith.constant 1 : i32
        %dma_wait3A_186 = arith.constant 1 : i32
        %dma_wait3A_187 = arith.constant 0 : i32
        %dma_wait3A_188 = arith.constant 0 : i32
        %dma_wait3A_189 = tpu.memref_slice %arg6[%select_n3A_125, %dma_wait3A_187, %dma_wait3A_188] : memref<2x10x128xi32, #tpu.memory_space<vmem>> -> memref<1x10x128xi32, #tpu.memory_space<vmem>>
        %dma_wait3A_190 = tpu.memref_squeeze %dma_wait3A_189 : memref<1x10x128xi32, #tpu.memory_space<vmem>> -> memref<10x128xi32, #tpu.memory_space<vmem>>
        %dma_wait3A_191 = arith.constant 0 : i32
        %dma_wait3A_192 = arith.constant 0 : i32
        %dma_wait3A_193 = tpu.memref_slice %arg3[%dma_wait3A_185, %add3A, %scan3A_116, %dma_wait3A_191, %dma_wait3A_192] : memref<2x32x8x10x128xi32, #tpu.memory_space<hbm>> -> memref<1x1x1x10x128xi32, #tpu.memory_space<hbm>>
        %dma_wait3A_194 = tpu.memref_squeeze %dma_wait3A_193 : memref<1x1x1x10x128xi32, #tpu.memory_space<hbm>> -> memref<10x128xi32, #tpu.memory_space<hbm>>
        %dma_wait3A_195 = tpu.memref_slice %arg10[%dma_wait3A_186] : memref<2x!tpu.dma_semaphore, #tpu.memory_space<semaphore_mem>> -> memref<1x!tpu.dma_semaphore, #tpu.memory_space<semaphore_mem>>
        %dma_wait3A_196 = tpu.memref_squeeze %dma_wait3A_195 : memref<1x!tpu.dma_semaphore, #tpu.memory_space<semaphore_mem>> -> memref<!tpu.dma_semaphore, #tpu.memory_space<semaphore_mem>>
        %dma_wait3A_197 = arith.constant 0 : i32
        %dma_wait3A_198 = arith.constant 0 : i32
        %dma_wait3A_199 = tpu.memref_slice %arg6[%select_n3A_125, %dma_wait3A_197, %dma_wait3A_198] : memref<2x10x128xi32, #tpu.memory_space<vmem>> -> memref<1x10x128xi32, #tpu.memory_space<vmem>>
        %dma_wait3A_200 = tpu.memref_squeeze %dma_wait3A_199 : memref<1x10x128xi32, #tpu.memory_space<vmem>> -> memref<10x128xi32, #tpu.memory_space<vmem>>
        %dma_wait3A_201 = arith.constant 0 : i32
        %dma_wait3A_202 = arith.constant 0 : i32
        %dma_wait3A_203 = tpu.memref_slice %arg3[%dma_wait3A_185, %add3A, %scan3A_116, %dma_wait3A_201, %dma_wait3A_202] : memref<2x32x8x10x128xi32, #tpu.memory_space<hbm>> -> memref<1x1x1x10x128xi32, #tpu.memory_space<hbm>>
        %dma_wait3A_204 = tpu.memref_squeeze %dma_wait3A_203 : memref<1x1x1x10x128xi32, #tpu.memory_space<hbm>> -> memref<10x128xi32, #tpu.memory_space<hbm>>
        tpu.wait_dma2 semaphore(%dma_wait3A_196 : memref<!tpu.dma_semaphore, #tpu.memory_space<semaphore_mem>>) src(%dma_wait3A_204 : memref<10x128xi32, #tpu.memory_space<hbm>>) dst(%dma_wait3A_200 : memref<10x128xi32, #tpu.memory_space<vmem>>)
      } else {
      }
      %add3A_146 = arith.constant 1 : i32
      %add3A_147 = arith.addi %scan3A_116, %add3A_146 : i32
      %lt3A_148 = arith.constant 8 : i32
      %lt3A_149 = arith.cmpi slt, %add3A_147, %lt3A_148 : i32
      %convert_element_type3A_150 = arith.extui %lt3A_149 : i1 to i32
      %cond3A_151 = arith.constant 0 : i32
      %cond3A_152 = arith.cmpi ne, %convert_element_type3A_150, %cond3A_151 : i32
      scf.if %cond3A_152 {
        %add3A_165 = arith.constant 1 : i32
        %add3A_166 = arith.addi %scan3A_116, %add3A_165 : i32
        %dma_start3A_167 = arith.constant 0 : i32
        %dma_start3A_168 = arith.constant 0 : i32
        %dma_start3A_169 = arith.constant 0 : i32
        %dma_start3A_170 = arith.constant 0 : i32
        %dma_start3A_171 = tpu.memref_slice %arg5[%select_n3A_143, %dma_start3A_169, %dma_start3A_170] : memref<2x10x128xi32, #tpu.memory_space<vmem>> -> memref<1x10x128xi32, #tpu.memory_space<vmem>>
        %dma_start3A_172 = tpu.memref_squeeze %dma_start3A_171 : memref<1x10x128xi32, #tpu.memory_space<vmem>> -> memref<10x128xi32, #tpu.memory_space<vmem>>
        %dma_start3A_173 = arith.constant 0 : i32
        %dma_start3A_174 = arith.constant 0 : i32
        %dma_start3A_175 = tpu.memref_slice %arg3[%dma_start3A_167, %add3A, %add3A_166, %dma_start3A_173, %dma_start3A_174] : memref<2x32x8x10x128xi32, #tpu.memory_space<hbm>> -> memref<1x1x1x10x128xi32, #tpu.memory_space<hbm>>
        %dma_start3A_176 = tpu.memref_squeeze %dma_start3A_175 : memref<1x1x1x10x128xi32, #tpu.memory_space<hbm>> -> memref<10x128xi32, #tpu.memory_space<hbm>>
        %dma_start3A_177 = tpu.memref_slice %arg10[%dma_start3A_168] : memref<2x!tpu.dma_semaphore, #tpu.memory_space<semaphore_mem>> -> memref<1x!tpu.dma_semaphore, #tpu.memory_space<semaphore_mem>>
        %dma_start3A_178 = tpu.memref_squeeze %dma_start3A_177 : memref<1x!tpu.dma_semaphore, #tpu.memory_space<semaphore_mem>> -> memref<!tpu.dma_semaphore, #tpu.memory_space<semaphore_mem>>
        %dma_start3A_179 = arith.constant 0 : i32
        %dma_start3A_180 = arith.constant 0 : i32
        %dma_start3A_181 = tpu.memref_slice %arg5[%select_n3A_143, %dma_start3A_179, %dma_start3A_180] : memref<2x10x128xi32, #tpu.memory_space<vmem>> -> memref<1x10x128xi32, #tpu.memory_space<vmem>>
        %dma_start3A_182 = tpu.memref_squeeze %dma_start3A_181 : memref<1x10x128xi32, #tpu.memory_space<vmem>> -> memref<10x128xi32, #tpu.memory_space<vmem>>
        %dma_start3A_183 = arith.constant 0 : i32
        %dma_start3A_184 = arith.constant 0 : i32
        %dma_start3A_185 = tpu.memref_slice %arg3[%dma_start3A_167, %add3A, %add3A_166, %dma_start3A_183, %dma_start3A_184] : memref<2x32x8x10x128xi32, #tpu.memory_space<hbm>> -> memref<1x1x1x10x128xi32, #tpu.memory_space<hbm>>
        %dma_start3A_186 = tpu.memref_squeeze %dma_start3A_185 : memref<1x1x1x10x128xi32, #tpu.memory_space<hbm>> -> memref<10x128xi32, #tpu.memory_space<hbm>>
        tpu.enqueue_dma source(%dma_start3A_186 : memref<10x128xi32, #tpu.memory_space<hbm>>) target(%dma_start3A_182 : memref<10x128xi32, #tpu.memory_space<vmem>>) target_semaphore(%dma_start3A_178 : memref<!tpu.dma_semaphore, #tpu.memory_space<semaphore_mem>>)
        %add3A_187 = arith.constant 1 : i32
        %add3A_188 = arith.addi %scan3A_116, %add3A_187 : i32
        %dma_start3A_189 = arith.constant 1 : i32
        %dma_start3A_190 = arith.constant 1 : i32
        %dma_start3A_191 = arith.constant 0 : i32
        %dma_start3A_192 = arith.constant 0 : i32
        %dma_start3A_193 = tpu.memref_slice %arg6[%select_n3A_143, %dma_start3A_191, %dma_start3A_192] : memref<2x10x128xi32, #tpu.memory_space<vmem>> -> memref<1x10x128xi32, #tpu.memory_space<vmem>>
        %dma_start3A_194 = tpu.memref_squeeze %dma_start3A_193 : memref<1x10x128xi32, #tpu.memory_space<vmem>> -> memref<10x128xi32, #tpu.memory_space<vmem>>
        %dma_start3A_195 = arith.constant 0 : i32
        %dma_start3A_196 = arith.constant 0 : i32
        %dma_start3A_197 = tpu.memref_slice %arg3[%dma_start3A_189, %add3A, %add3A_188, %dma_start3A_195, %dma_start3A_196] : memref<2x32x8x10x128xi32, #tpu.memory_space<hbm>> -> memref<1x1x1x10x128xi32, #tpu.memory_space<hbm>>
        %dma_start3A_198 = tpu.memref_squeeze %dma_start3A_197 : memref<1x1x1x10x128xi32, #tpu.memory_space<hbm>> -> memref<10x128xi32, #tpu.memory_space<hbm>>
        %dma_start3A_199 = tpu.memref_slice %arg10[%dma_start3A_190] : memref<2x!tpu.dma_semaphore, #tpu.memory_space<semaphore_mem>> -> memref<1x!tpu.dma_semaphore, #tpu.memory_space<semaphore_mem>>
        %dma_start3A_200 = tpu.memref_squeeze %dma_start3A_199 : memref<1x!tpu.dma_semaphore, #tpu.memory_space<semaphore_mem>> -> memref<!tpu.dma_semaphore, #tpu.memory_space<semaphore_mem>>
        %dma_start3A_201 = arith.constant 0 : i32
        %dma_start3A_202 = arith.constant 0 : i32
        %dma_start3A_203 = tpu.memref_slice %arg6[%select_n3A_143, %dma_start3A_201, %dma_start3A_202] : memref<2x10x128xi32, #tpu.memory_space<vmem>> -> memref<1x10x128xi32, #tpu.memory_space<vmem>>
        %dma_start3A_204 = tpu.memref_squeeze %dma_start3A_203 : memref<1x10x128xi32, #tpu.memory_space<vmem>> -> memref<10x128xi32, #tpu.memory_space<vmem>>
        %dma_start3A_205 = arith.constant 0 : i32
        %dma_start3A_206 = arith.constant 0 : i32
        %dma_start3A_207 = tpu.memref_slice %arg3[%dma_start3A_189, %add3A, %add3A_188, %dma_start3A_205, %dma_start3A_206] : memref<2x32x8x10x128xi32, #tpu.memory_space<hbm>> -> memref<1x1x1x10x128xi32, #tpu.memory_space<hbm>>
        %dma_start3A_208 = tpu.memref_squeeze %dma_start3A_207 : memref<1x1x1x10x128xi32, #tpu.memory_space<hbm>> -> memref<10x128xi32, #tpu.memory_space<hbm>>
        tpu.enqueue_dma source(%dma_start3A_208 : memref<10x128xi32, #tpu.memory_space<hbm>>) target(%dma_start3A_204 : memref<10x128xi32, #tpu.memory_space<vmem>>) target_semaphore(%dma_start3A_200 : memref<!tpu.dma_semaphore, #tpu.memory_space<semaphore_mem>>)
      } else {
      }
      %scan3A_153 = arith.constant 0 : i32
      %scan3A_154 = arith.constant 0 : i32
      %scan3A_155 = arith.constant 2 : i32
      %scan3A_156 = arith.addi %scan3A_154, %scan3A_155 : i32
      %scan3A_157 = arith.constant 1 : i32
      scf.for %scan3A_165 = %scan3A_154 to %scan3A_156 step %scan3A_157  : i32 {
        %jit3A_166 = arith.constant 2 : i32
        %eq3A_167 = arith.constant 0 : i32
        %eq3A_168 = arith.cmpi eq, %jit3A_166, %eq3A_167 : i32
        %jit3A_169 = arith.constant 1 : i32
        %select_n3A_170 = arith.select %eq3A_168, %jit3A_169, %jit3A_166 : i32
        %rem3A_171 = arith.remsi %scan3A_165, %select_n3A_170 : i32
        %ne3A_172 = arith.constant 0 : i32
        %ne3A_173 = arith.cmpi ne, %rem3A_171, %ne3A_172 : i32
        %lt3A_174 = arith.constant 0 : i32
        %lt3A_175 = arith.cmpi slt, %rem3A_171, %lt3A_174 : i32
        %lt3A_176 = arith.constant 0 : i32
        %lt3A_177 = arith.cmpi slt, %select_n3A_170, %lt3A_176 : i32
        %ne3A_178 = arith.xori %lt3A_175, %lt3A_177 : i1
        %and3A_179 = arith.andi %ne3A_178, %ne3A_173 : i1
        %add3A_180 = arith.addi %rem3A_171, %select_n3A_170 : i32
        %select_n3A_181 = arith.select %and3A_179, %add3A_180, %rem3A_171 : i32
        %dma_start3A_182 = arith.constant 0 : i32
        %dma_start3A_183 = arith.constant 0 : i32
        %dma_start3A_184 = tpu.memref_slice %arg7[%select_n3A_181, %dma_start3A_182, %dma_start3A_183] : memref<2x128x128xf32, #tpu.memory_space<vmem>> -> memref<1x128x128xf32, #tpu.memory_space<vmem>>
        %dma_start3A_185 = tpu.memref_squeeze %dma_start3A_184 : memref<1x128x128xf32, #tpu.memory_space<vmem>> -> memref<128x128xf32, #tpu.memory_space<vmem>>
        %dma_start3A_186 = arith.constant 0 : i32
        %dma_start3A_187 = tpu.memref_slice %arg5[%select_n3A_125, %scan3A_165, %dma_start3A_186] : memref<2x10x128xi32, #tpu.memory_space<vmem>> -> memref<1x1x128xi32, #tpu.memory_space<vmem>>
        %dma_start3A_188 = tpu.memref_squeeze %dma_start3A_187 : memref<1x1x128xi32, #tpu.memory_space<vmem>> -> memref<128xi32, #tpu.memory_space<vmem>>
        %dma_start3A_189 = arith.constant 0 : i32
        %dma_start3A_190 = arith.constant 0 : i32
        %dma_start3A_191 = tpu.memref_slice %arg2[%dma_start3A_189, %dma_start3A_190] : memref<10000x128xf32, #tpu.memory_space<hbm>> -> memref<10000x128xf32, #tpu.memory_space<hbm>>
        %dma_start3A_192 = tpu.memref_slice %arg9[%select_n3A_181] : memref<2x!tpu.dma_semaphore, #tpu.memory_space<semaphore_mem>> -> memref<1x!tpu.dma_semaphore, #tpu.memory_space<semaphore_mem>>
        %dma_start3A_193 = tpu.memref_squeeze %dma_start3A_192 : memref<1x!tpu.dma_semaphore, #tpu.memory_space<semaphore_mem>> -> memref<!tpu.dma_semaphore, #tpu.memory_space<semaphore_mem>>
        tpu.enqueue_indirect_dma source(%dma_start3A_191 : memref<10000x128xf32, #tpu.memory_space<hbm>>) target(%dma_start3A_185 : memref<128x128xf32, #tpu.memory_space<vmem>>) offsets(%dma_start3A_188 : memref<128xi32, #tpu.memory_space<vmem>>) semaphore(%dma_start3A_193 : memref<!tpu.dma_semaphore, #tpu.memory_space<semaphore_mem>>)
      }
      %scan3A_158 = arith.constant 2 : i32
      %scan3A_159 = arith.constant 0 : i32
      %scan3A_160 = arith.constant 0 : i32
      %scan3A_161 = arith.constant 10 : i32
      %scan3A_162 = arith.addi %scan3A_160, %scan3A_161 : i32
      %scan3A_163 = arith.constant 1 : i32
      scf.for %scan3A_165 = %scan3A_160 to %scan3A_162 step %scan3A_163  : i32 {
        %jit3A_166 = arith.constant 2 : i32
        %eq3A_167 = arith.constant 0 : i32
        %eq3A_168 = arith.cmpi eq, %jit3A_166, %eq3A_167 : i32
        %jit3A_169 = arith.constant 1 : i32
        %select_n3A_170 = arith.select %eq3A_168, %jit3A_169, %jit3A_166 : i32
        %rem3A_171 = arith.remsi %scan3A_165, %select_n3A_170 : i32
        %ne3A_172 = arith.constant 0 : i32
        %ne3A_173 = arith.cmpi ne, %rem3A_171, %ne3A_172 : i32
        %lt3A_174 = arith.constant 0 : i32
        %lt3A_175 = arith.cmpi slt, %rem3A_171, %lt3A_174 : i32
        %lt3A_176 = arith.constant 0 : i32
        %lt3A_177 = arith.cmpi slt, %select_n3A_170, %lt3A_176 : i32
        %ne3A_178 = arith.xori %lt3A_175, %lt3A_177 : i1
        %and3A_179 = arith.andi %ne3A_178, %ne3A_173 : i1
        %add3A_180 = arith.addi %rem3A_171, %select_n3A_170 : i32
        %select_n3A_181 = arith.select %and3A_179, %add3A_180, %rem3A_171 : i32
        %dma_wait3A_182 = arith.constant 0 : i32
        %dma_wait3A_183 = arith.constant 0 : i32
        %dma_wait3A_184 = tpu.memref_slice %arg7[%select_n3A_181, %dma_wait3A_182, %dma_wait3A_183] : memref<2x128x128xf32, #tpu.memory_space<vmem>> -> memref<1x128x128xf32, #tpu.memory_space<vmem>>
        %dma_wait3A_185 = tpu.memref_squeeze %dma_wait3A_184 : memref<1x128x128xf32, #tpu.memory_space<vmem>> -> memref<128x128xf32, #tpu.memory_space<vmem>>
        %dma_wait3A_186 = arith.constant 0 : i32
        %dma_wait3A_187 = tpu.memref_slice %arg5[%select_n3A_125, %scan3A_165, %dma_wait3A_186] : memref<2x10x128xi32, #tpu.memory_space<vmem>> -> memref<1x1x128xi32, #tpu.memory_space<vmem>>
        %dma_wait3A_188 = tpu.memref_squeeze %dma_wait3A_187 : memref<1x1x128xi32, #tpu.memory_space<vmem>> -> memref<128xi32, #tpu.memory_space<vmem>>
        %dma_wait3A_189 = arith.constant 0 : i32
        %dma_wait3A_190 = arith.constant 0 : i32
        %dma_wait3A_191 = tpu.memref_slice %arg2[%dma_wait3A_189, %dma_wait3A_190] : memref<10000x128xf32, #tpu.memory_space<hbm>> -> memref<10000x128xf32, #tpu.memory_space<hbm>>
        %dma_wait3A_192 = tpu.memref_slice %arg9[%select_n3A_181] : memref<2x!tpu.dma_semaphore, #tpu.memory_space<semaphore_mem>> -> memref<1x!tpu.dma_semaphore, #tpu.memory_space<semaphore_mem>>
        %dma_wait3A_193 = tpu.memref_squeeze %dma_wait3A_192 : memref<1x!tpu.dma_semaphore, #tpu.memory_space<semaphore_mem>> -> memref<!tpu.dma_semaphore, #tpu.memory_space<semaphore_mem>>
        tpu.wait_indirect_dma semaphore(%dma_wait3A_193 : memref<!tpu.dma_semaphore, #tpu.memory_space<semaphore_mem>>) src(%dma_wait3A_191 : memref<10000x128xf32, #tpu.memory_space<hbm>>) dst(%dma_wait3A_185 : memref<128x128xf32, #tpu.memory_space<vmem>>)
        "tpu.region"() ({
          %run_scoped3A = tpu.sem_alloc : memref<!tpu.dma_semaphore, #tpu.memory_space<semaphore_mem>>
          %dma_start3A_201 = arith.constant 0 : i32
          %dma_start3A_202 = arith.constant 0 : i32
          %dma_start3A_203 = tpu.memref_slice %arg7[%select_n3A_181, %dma_start3A_201, %dma_start3A_202] : memref<2x128x128xf32, #tpu.memory_space<vmem>> -> memref<1x128x128xf32, #tpu.memory_space<vmem>>
          %dma_start3A_204 = tpu.memref_squeeze %dma_start3A_203 : memref<1x128x128xf32, #tpu.memory_space<vmem>> -> memref<128x128xf32, #tpu.memory_space<vmem>>
          %dma_start3A_205 = arith.constant 0 : i32
          %dma_start3A_206 = tpu.memref_slice %arg6[%select_n3A_125, %scan3A_165, %dma_start3A_205] : memref<2x10x128xi32, #tpu.memory_space<vmem>> -> memref<1x1x128xi32, #tpu.memory_space<vmem>>
          %dma_start3A_207 = tpu.memref_squeeze %dma_start3A_206 : memref<1x1x128xi32, #tpu.memory_space<vmem>> -> memref<128xi32, #tpu.memory_space<vmem>>
          %dma_start3A_208 = arith.constant 0 : i32
          %dma_start3A_209 = arith.constant 0 : i32
          %dma_start3A_210 = tpu.memref_slice %arg8[%dma_start3A_208, %dma_start3A_209] : memref<10240x128xf32, #tpu.memory_space<vmem_shared>> -> memref<10240x128xf32, #tpu.memory_space<vmem_shared>>
          tpu.enqueue_indirect_dma source(%dma_start3A_204 : memref<128x128xf32, #tpu.memory_space<vmem>>) target(%dma_start3A_210 : memref<10240x128xf32, #tpu.memory_space<vmem_shared>>) offsets(%dma_start3A_207 : memref<128xi32, #tpu.memory_space<vmem>>) semaphore(%run_scoped3A : memref<!tpu.dma_semaphore, #tpu.memory_space<semaphore_mem>>) {add = true}
          %dma_wait3A_211 = arith.constant 0 : i32
          %dma_wait3A_212 = arith.constant 0 : i32
          %dma_wait3A_213 = tpu.memref_slice %arg7[%select_n3A_181, %dma_wait3A_211, %dma_wait3A_212] : memref<2x128x128xf32, #tpu.memory_space<vmem>> -> memref<1x128x128xf32, #tpu.memory_space<vmem>>
          %dma_wait3A_214 = tpu.memref_squeeze %dma_wait3A_213 : memref<1x128x128xf32, #tpu.memory_space<vmem>> -> memref<128x128xf32, #tpu.memory_space<vmem>>
          %dma_wait3A_215 = arith.constant 0 : i32
          %dma_wait3A_216 = tpu.memref_slice %arg6[%select_n3A_125, %scan3A_165, %dma_wait3A_215] : memref<2x10x128xi32, #tpu.memory_space<vmem>> -> memref<1x1x128xi32, #tpu.memory_space<vmem>>
          %dma_wait3A_217 = tpu.memref_squeeze %dma_wait3A_216 : memref<1x1x128xi32, #tpu.memory_space<vmem>> -> memref<128xi32, #tpu.memory_space<vmem>>
          %dma_wait3A_218 = arith.constant 0 : i32
          %dma_wait3A_219 = arith.constant 0 : i32
          %dma_wait3A_220 = tpu.memref_slice %arg8[%dma_wait3A_218, %dma_wait3A_219] : memref<10240x128xf32, #tpu.memory_space<vmem_shared>> -> memref<10240x128xf32, #tpu.memory_space<vmem_shared>>
          tpu.wait_indirect_dma semaphore(%run_scoped3A : memref<!tpu.dma_semaphore, #tpu.memory_space<semaphore_mem>>) src(%dma_wait3A_214 : memref<128x128xf32, #tpu.memory_space<vmem>>) dst(%dma_wait3A_220 : memref<10240x128xf32, #tpu.memory_space<vmem_shared>>)
          tpu.yield
        }) : () -> ()
        %add3A_194 = arith.constant 2 : i32
        %add3A_195 = arith.addi %scan3A_165, %add3A_194 : i32
        %lt3A_196 = arith.constant 10 : i32
        %lt3A_197 = arith.cmpi slt, %add3A_195, %lt3A_196 : i32
        %convert_element_type3A_198 = arith.extui %lt3A_197 : i1 to i32
        %cond3A_199 = arith.constant 0 : i32
        %cond3A_200 = arith.cmpi ne, %convert_element_type3A_198, %cond3A_199 : i32
        scf.if %cond3A_200 {
          %add3A_201 = arith.constant 2 : i32
          %add3A_202 = arith.addi %scan3A_165, %add3A_201 : i32
          %jit3A_203 = arith.constant 2 : i32
          %eq3A_204 = arith.constant 0 : i32
          %eq3A_205 = arith.cmpi eq, %jit3A_203, %eq3A_204 : i32
          %jit3A_206 = arith.constant 1 : i32
          %select_n3A_207 = arith.select %eq3A_205, %jit3A_206, %jit3A_203 : i32
          %rem3A_208 = arith.remsi %add3A_202, %select_n3A_207 : i32
          %ne3A_209 = arith.constant 0 : i32
          %ne3A_210 = arith.cmpi ne, %rem3A_208, %ne3A_209 : i32
          %lt3A_211 = arith.constant 0 : i32
          %lt3A_212 = arith.cmpi slt, %rem3A_208, %lt3A_211 : i32
          %lt3A_213 = arith.constant 0 : i32
          %lt3A_214 = arith.cmpi slt, %select_n3A_207, %lt3A_213 : i32
          %ne3A_215 = arith.xori %lt3A_212, %lt3A_214 : i1
          %and3A_216 = arith.andi %ne3A_215, %ne3A_210 : i1
          %add3A_217 = arith.addi %rem3A_208, %select_n3A_207 : i32
          %select_n3A_218 = arith.select %and3A_216, %add3A_217, %rem3A_208 : i32
          %dma_start3A_219 = arith.constant 0 : i32
          %dma_start3A_220 = arith.constant 0 : i32
          %dma_start3A_221 = tpu.memref_slice %arg7[%select_n3A_218, %dma_start3A_219, %dma_start3A_220] : memref<2x128x128xf32, #tpu.memory_space<vmem>> -> memref<1x128x128xf32, #tpu.memory_space<vmem>>
          %dma_start3A_222 = tpu.memref_squeeze %dma_start3A_221 : memref<1x128x128xf32, #tpu.memory_space<vmem>> -> memref<128x128xf32, #tpu.memory_space<vmem>>
          %dma_start3A_223 = arith.constant 0 : i32
          %dma_start3A_224 = tpu.memref_slice %arg5[%select_n3A_125, %add3A_202, %dma_start3A_223] : memref<2x10x128xi32, #tpu.memory_space<vmem>> -> memref<1x1x128xi32, #tpu.memory_space<vmem>>
          %dma_start3A_225 = tpu.memref_squeeze %dma_start3A_224 : memref<1x1x128xi32, #tpu.memory_space<vmem>> -> memref<128xi32, #tpu.memory_space<vmem>>
          %dma_start3A_226 = arith.constant 0 : i32
          %dma_start3A_227 = arith.constant 0 : i32
          %dma_start3A_228 = tpu.memref_slice %arg2[%dma_start3A_226, %dma_start3A_227] : memref<10000x128xf32, #tpu.memory_space<hbm>> -> memref<10000x128xf32, #tpu.memory_space<hbm>>
          %dma_start3A_229 = tpu.memref_slice %arg9[%select_n3A_218] : memref<2x!tpu.dma_semaphore, #tpu.memory_space<semaphore_mem>> -> memref<1x!tpu.dma_semaphore, #tpu.memory_space<semaphore_mem>>
          %dma_start3A_230 = tpu.memref_squeeze %dma_start3A_229 : memref<1x!tpu.dma_semaphore, #tpu.memory_space<semaphore_mem>> -> memref<!tpu.dma_semaphore, #tpu.memory_space<semaphore_mem>>
          tpu.enqueue_indirect_dma source(%dma_start3A_228 : memref<10000x128xf32, #tpu.memory_space<hbm>>) target(%dma_start3A_222 : memref<128x128xf32, #tpu.memory_space<vmem>>) offsets(%dma_start3A_225 : memref<128xi32, #tpu.memory_space<vmem>>) semaphore(%dma_start3A_230 : memref<!tpu.dma_semaphore, #tpu.memory_space<semaphore_mem>>)
        } else {
        }
      }
      %scan3A_164 = arith.constant 10 : i32
    }
    %scan3A_110 = arith.constant 8 : i32
    %barrier3A_111 = arith.constant 0 : index
    tpu.barrier barrier_id(%barrier3A_111)
    %mul3A_112 = arith.constant 640 : i32
    %mul3A_113 = arith.muli %arg1, %mul3A_112 : i32
    %mul3A_114 = arith.constant 640 : i32
    %mul3A_115 = arith.muli %arg1, %mul3A_114 : i32
    "tpu.region"() ({
      %run_scoped3A = tpu.sem_alloc : memref<!tpu.dma_semaphore, #tpu.memory_space<semaphore_mem>>
      %dma_start3A_116 = arith.constant 0 : i32
      %dma_start3A_117 = tpu.memref_slice %arg4[%arg0, %mul3A_115, %dma_start3A_116] : memref<2x10240x128xf32, #tpu.memory_space<hbm>> -> memref<1x640x128xf32, #tpu.memory_space<hbm>>
      %dma_start3A_118 = tpu.memref_squeeze %dma_start3A_117 : memref<1x640x128xf32, #tpu.memory_space<hbm>> -> memref<640x128xf32, #tpu.memory_space<hbm>>
      %dma_start3A_119 = arith.constant 0 : i32
      %dma_start3A_120 = tpu.memref_slice %arg8[%mul3A_113, %dma_start3A_119] : memref<10240x128xf32, #tpu.memory_space<vmem_shared>> -> memref<640x128xf32, #tpu.memory_space<vmem_shared>>
      tpu.enqueue_dma source(%dma_start3A_120 : memref<640x128xf32, #tpu.memory_space<vmem_shared>>) target(%dma_start3A_118 : memref<640x128xf32, #tpu.memory_space<hbm>>) target_semaphore(%run_scoped3A : memref<!tpu.dma_semaphore, #tpu.memory_space<semaphore_mem>>)
      %dma_wait3A_121 = arith.constant 0 : i32
      %dma_wait3A_122 = tpu.memref_slice %arg4[%arg0, %mul3A_115, %dma_wait3A_121] : memref<2x10240x128xf32, #tpu.memory_space<hbm>> -> memref<1x640x128xf32, #tpu.memory_space<hbm>>
      %dma_wait3A_123 = tpu.memref_squeeze %dma_wait3A_122 : memref<1x640x128xf32, #tpu.memory_space<hbm>> -> memref<640x128xf32, #tpu.memory_space<hbm>>
      %dma_wait3A_124 = arith.constant 0 : i32
      %dma_wait3A_125 = tpu.memref_slice %arg8[%mul3A_113, %dma_wait3A_124] : memref<10240x128xf32, #tpu.memory_space<vmem_shared>> -> memref<640x128xf32, #tpu.memory_space<vmem_shared>>
      tpu.wait_dma2 semaphore(%run_scoped3A : memref<!tpu.dma_semaphore, #tpu.memory_space<semaphore_mem>>) src(%dma_wait3A_125 : memref<640x128xf32, #tpu.memory_space<vmem_shared>>) dst(%dma_wait3A_123 : memref<640x128xf32, #tpu.memory_space<hbm>>)
      tpu.yield
    }) : () -> ()
    return
  }
}

module attributes {stable_mosaic.version = 14 : i64} {
  func.func @_dense_final_body(%arg0: memref<1x1xf32, #tpu.memory_space<vmem>>, %arg1: memref<10000x128xf32, #tpu.memory_space<vmem>>, %arg2: memref<2x10240x128xf32, #tpu.memory_space<vmem>>, %arg3: memref<128x128xf32, #tpu.memory_space<vmem>>, %arg4: memref<1x128xf32, #tpu.memory_space<vmem>>, %arg5: memref<10000x128xf32, #tpu.memory_space<vmem>>) attributes {dimension_semantics = [], scalar_prefetch = 0 : i64, scratch_operands = 0 : i64, tpu.core_type = #tpu.core_type<tc>} {
    %get3A = arith.constant 0 : index
    %get3A_0 = arith.constant 0 : index
    %get3A_1 = vector.load %arg1[%get3A, %get3A_0] : memref<10000x128xf32, #tpu.memory_space<vmem>>, vector<10000x128xf32>
    %get3A_2 = arith.constant 0 : index
    %get3A_3 = arith.constant 0 : index
    %get3A_4 = vector.load %arg0[%get3A_2, %get3A_3] : memref<1x1xf32, #tpu.memory_space<vmem>>, vector<1x1xf32>
    %get3A_5 = vector.extract %get3A_4[0, 0] : f32 from vector<1x1xf32>
    %add3A = arith.constant 1.000000e+00 : f32
    %add3A_6 = arith.addf %add3A, %get3A_5 : f32
    %mul3A = vector.broadcast %add3A_6 : f32 to vector<10000x128xf32>
    %mul3A_7 = arith.mulf %get3A_1, %mul3A : vector<10000x128xf32>
    %get3A_8 = arith.constant 0 : index
    %get3A_9 = arith.constant 0 : index
    %get3A_10 = arith.constant 0 : index
    %get3A_11 = vector.load %arg2[%get3A_8, %get3A_9, %get3A_10] : memref<2x10240x128xf32, #tpu.memory_space<vmem>>, vector<1x10000x128xf32>
    %get3A_12 = vector.shape_cast %get3A_11 : vector<1x10000x128xf32> to vector<10000x128xf32>
    %add3A_13 = arith.addf %mul3A_7, %get3A_12 : vector<10000x128xf32>
    %get3A_14 = arith.constant 1 : index
    %get3A_15 = arith.constant 0 : index
    %get3A_16 = arith.constant 0 : index
    %get3A_17 = vector.load %arg2[%get3A_14, %get3A_15, %get3A_16] : memref<2x10240x128xf32, #tpu.memory_space<vmem>>, vector<1x10000x128xf32>
    %get3A_18 = vector.shape_cast %get3A_17 : vector<1x10000x128xf32> to vector<10000x128xf32>
    %add3A_19 = arith.addf %add3A_13, %get3A_18 : vector<10000x128xf32>
    %get3A_20 = arith.constant 0 : index
    %get3A_21 = arith.constant 0 : index
    %get3A_22 = vector.load %arg3[%get3A_20, %get3A_21] : memref<128x128xf32, #tpu.memory_space<vmem>>, vector<128x128xf32>
    %dot_general3A = arith.constant dense<0.000000e+00> : vector<10000x128xf32>
    %dot_general3A_23 = tpu.matmul %add3A_19, %get3A_22, %dot_general3A {dimension_numbers = #tpu.dot_dimension_numbers<[1], [0], [0], [1], [0, 0, 1, 1], [], []>, precision = #tpu.contract_precision<fp32>, transpose_lhs_hint = false} : vector<10000x128xf32>, vector<128x128xf32>, vector<10000x128xf32> -> vector<10000x128xf32>
    %get3A_24 = arith.constant 0 : index
    %get3A_25 = arith.constant 0 : index
    %get3A_26 = vector.load %arg4[%get3A_24, %get3A_25] : memref<1x128xf32, #tpu.memory_space<vmem>>, vector<1x128xf32>
    %add3A_27 = vector.broadcast %get3A_26 : vector<1x128xf32> to vector<10000x128xf32>
    %add3A_28 = arith.addf %dot_general3A_23, %add3A_27 : vector<10000x128xf32>
    %reduce_max3A = arith.constant dense<0xFF800000> : vector<10000xf32>
    %reduce_max3A_29 = vector.multi_reduction <maximumf>, %add3A_28, %reduce_max3A [1] : vector<10000x128xf32> to vector<10000xf32>
    %broadcast_in_dim3A = vector.shape_cast %reduce_max3A_29 : vector<10000xf32> to vector<10000x1xf32>
    %sub3A = vector.broadcast %broadcast_in_dim3A : vector<10000x1xf32> to vector<10000x128xf32>
    %sub3A_30 = arith.subf %add3A_28, %sub3A : vector<10000x128xf32>
    %exp3A = math.exp %sub3A_30 : vector<10000x128xf32>
    %reduce_sum3A = arith.constant dense<0.000000e+00> : vector<10000xf32>
    %reduce_sum3A_31 = vector.multi_reduction <add>, %exp3A, %reduce_sum3A [1] : vector<10000x128xf32> to vector<10000xf32>
    %broadcast_in_dim3A_32 = vector.shape_cast %reduce_sum3A_31 : vector<10000xf32> to vector<10000x1xf32>
    %log3A = math.log %broadcast_in_dim3A_32 : vector<10000x1xf32>
    %sub3A_33 = vector.broadcast %log3A : vector<10000x1xf32> to vector<10000x128xf32>
    %sub3A_34 = arith.subf %sub3A_30, %sub3A_33 : vector<10000x128xf32>
    %swap3A = arith.constant 0 : index
    %swap3A_35 = arith.constant 0 : index
    %swap3A_36 = vector.load %arg5[%swap3A, %swap3A_35] : memref<10000x128xf32, #tpu.memory_space<vmem>>, vector<10000x128xf32>
    tpu.vector_store %arg5[%swap3A, %swap3A_35], %sub3A_34 {strides = array<i32>} : memref<10000x128xf32, #tpu.memory_space<vmem>>, vector<10000x128xf32>,
    return
  }
}

module attributes {stable_mosaic.version = 14 : i64} {
  func.func @_dense_hidden_body(%arg0: memref<1x1xf32, #tpu.memory_space<vmem>>, %arg1: memref<10000x128xf32, #tpu.memory_space<vmem>>, %arg2: memref<2x10240x128xf32, #tpu.memory_space<vmem>>, %arg3: memref<128x128xf32, #tpu.memory_space<vmem>>, %arg4: memref<1x128xf32, #tpu.memory_space<vmem>>, %arg5: memref<1x128xf32, #tpu.memory_space<vmem>>, %arg6: memref<1x128xf32, #tpu.memory_space<vmem>>, %arg7: memref<10000x128xf32, #tpu.memory_space<vmem>>) attributes {dimension_semantics = [], scalar_prefetch = 0 : i64, scratch_operands = 0 : i64, tpu.core_type = #tpu.core_type<tc>} {
    %get3A = arith.constant 0 : index
    %get3A_0 = arith.constant 0 : index
    %get3A_1 = vector.load %arg1[%get3A, %get3A_0] : memref<10000x128xf32, #tpu.memory_space<vmem>>, vector<10000x128xf32>
    %get3A_2 = arith.constant 0 : index
    %get3A_3 = arith.constant 0 : index
    %get3A_4 = vector.load %arg0[%get3A_2, %get3A_3] : memref<1x1xf32, #tpu.memory_space<vmem>>, vector<1x1xf32>
    %get3A_5 = vector.extract %get3A_4[0, 0] : f32 from vector<1x1xf32>
    %add3A = arith.constant 1.000000e+00 : f32
    %add3A_6 = arith.addf %add3A, %get3A_5 : f32
    %mul3A = vector.broadcast %add3A_6 : f32 to vector<10000x128xf32>
    %mul3A_7 = arith.mulf %get3A_1, %mul3A : vector<10000x128xf32>
    %get3A_8 = arith.constant 0 : index
    %get3A_9 = arith.constant 0 : index
    %get3A_10 = arith.constant 0 : index
    %get3A_11 = vector.load %arg2[%get3A_8, %get3A_9, %get3A_10] : memref<2x10240x128xf32, #tpu.memory_space<vmem>>, vector<1x10000x128xf32>
    %get3A_12 = vector.shape_cast %get3A_11 : vector<1x10000x128xf32> to vector<10000x128xf32>
    %add3A_13 = arith.addf %mul3A_7, %get3A_12 : vector<10000x128xf32>
    %get3A_14 = arith.constant 1 : index
    %get3A_15 = arith.constant 0 : index
    %get3A_16 = arith.constant 0 : index
    %get3A_17 = vector.load %arg2[%get3A_14, %get3A_15, %get3A_16] : memref<2x10240x128xf32, #tpu.memory_space<vmem>>, vector<1x10000x128xf32>
    %get3A_18 = vector.shape_cast %get3A_17 : vector<1x10000x128xf32> to vector<10000x128xf32>
    %add3A_19 = arith.addf %add3A_13, %get3A_18 : vector<10000x128xf32>
    %get3A_20 = arith.constant 0 : index
    %get3A_21 = arith.constant 0 : index
    %get3A_22 = vector.load %arg3[%get3A_20, %get3A_21] : memref<128x128xf32, #tpu.memory_space<vmem>>, vector<128x128xf32>
    %dot_general3A = arith.constant dense<0.000000e+00> : vector<10000x128xf32>
    %dot_general3A_23 = tpu.matmul %add3A_19, %get3A_22, %dot_general3A {dimension_numbers = #tpu.dot_dimension_numbers<[1], [0], [0], [1], [0, 0, 1, 1], [], []>, precision = #tpu.contract_precision<fp32>, transpose_lhs_hint = false} : vector<10000x128xf32>, vector<128x128xf32>, vector<10000x128xf32> -> vector<10000x128xf32>
    %get3A_24 = arith.constant 0 : index
    %get3A_25 = arith.constant 0 : index
    %get3A_26 = vector.load %arg4[%get3A_24, %get3A_25] : memref<1x128xf32, #tpu.memory_space<vmem>>, vector<1x128xf32>
    %add3A_27 = vector.broadcast %get3A_26 : vector<1x128xf32> to vector<10000x128xf32>
    %add3A_28 = arith.addf %dot_general3A_23, %add3A_27 : vector<10000x128xf32>
    %reduce_sum3A = arith.constant dense<0.000000e+00> : vector<128xf32>
    %reduce_sum3A_29 = vector.multi_reduction <add>, %add3A_28, %reduce_sum3A [0] : vector<10000x128xf32> to vector<128xf32>
    %broadcast_in_dim3A = vector.shape_cast %reduce_sum3A_29 : vector<128xf32> to vector<1x128xf32>
    %div3A = arith.constant 1.000000e+04 : f32
    %div3A_30 = vector.broadcast %div3A : f32 to vector<1x128xf32>
    %div3A_31 = arith.divf %broadcast_in_dim3A, %div3A_30 : vector<1x128xf32>
    %sub3A = vector.broadcast %div3A_31 : vector<1x128xf32> to vector<10000x128xf32>
    %sub3A_32 = arith.subf %add3A_28, %sub3A : vector<10000x128xf32>
    %sub3A_33 = vector.broadcast %div3A_31 : vector<1x128xf32> to vector<10000x128xf32>
    %sub3A_34 = arith.subf %add3A_28, %sub3A_33 : vector<10000x128xf32>
    %mul3A_35 = arith.mulf %sub3A_32, %sub3A_34 : vector<10000x128xf32>
    %reduce_sum3A_36 = arith.constant dense<0.000000e+00> : vector<128xf32>
    %reduce_sum3A_37 = vector.multi_reduction <add>, %mul3A_35, %reduce_sum3A_36 [0] : vector<10000x128xf32> to vector<128xf32>
    %broadcast_in_dim3A_38 = vector.shape_cast %reduce_sum3A_37 : vector<128xf32> to vector<1x128xf32>
    %div3A_39 = arith.constant 1.000000e+04 : f32
    %div3A_40 = vector.broadcast %div3A_39 : f32 to vector<1x128xf32>
    %div3A_41 = arith.divf %broadcast_in_dim3A_38, %div3A_40 : vector<1x128xf32>
    %get3A_42 = arith.constant 0 : index
    %get3A_43 = arith.constant 0 : index
    %get3A_44 = vector.load %arg5[%get3A_42, %get3A_43] : memref<1x128xf32, #tpu.memory_space<vmem>>, vector<1x128xf32>
    %sub3A_45 = vector.broadcast %div3A_31 : vector<1x128xf32> to vector<10000x128xf32>
    %sub3A_46 = arith.subf %add3A_28, %sub3A_45 : vector<10000x128xf32>
    %mul3A_47 = vector.broadcast %get3A_44 : vector<1x128xf32> to vector<10000x128xf32>
    %mul3A_48 = arith.mulf %mul3A_47, %sub3A_46 : vector<10000x128xf32>
    %add3A_49 = arith.constant 9.99999974E-6 : f32
    %add3A_50 = vector.broadcast %add3A_49 : f32 to vector<1x128xf32>
    %add3A_51 = arith.addf %div3A_41, %add3A_50 : vector<1x128xf32>
    %sqrt3A = math.sqrt %add3A_51 : vector<1x128xf32>
    %div3A_52 = vector.broadcast %sqrt3A : vector<1x128xf32> to vector<10000x128xf32>
    %div3A_53 = arith.divf %mul3A_48, %div3A_52 : vector<10000x128xf32>
    %get3A_54 = arith.constant 0 : index
    %get3A_55 = arith.constant 0 : index
    %get3A_56 = vector.load %arg6[%get3A_54, %get3A_55] : memref<1x128xf32, #tpu.memory_space<vmem>>, vector<1x128xf32>
    %add3A_57 = vector.broadcast %get3A_56 : vector<1x128xf32> to vector<10000x128xf32>
    %add3A_58 = arith.addf %div3A_53, %add3A_57 : vector<10000x128xf32>
    %max3A = arith.constant 0.000000e+00 : f32
    %max3A_59 = vector.broadcast %max3A : f32 to vector<10000x128xf32>
    %max3A_60 = arith.maximumf %add3A_58, %max3A_59 : vector<10000x128xf32>
    %swap3A = arith.constant 0 : index
    %swap3A_61 = arith.constant 0 : index
    %swap3A_62 = vector.load %arg7[%swap3A, %swap3A_61] : memref<10000x128xf32, #tpu.memory_space<vmem>>, vector<10000x128xf32>
    tpu.vector_store %arg7[%swap3A, %swap3A_61], %max3A_60 {strides = array<i32>} : memref<10000x128xf32, #tpu.memory_space<vmem>>, vector<10000x128xf32>,
    return
  }
}

</mosaic_0001>

<sc_bundles>
// kernel: kernel.11.cloned.1.call-start
scs
__scs_entry_jumppad:
0x0: {  	(pc) =	sbr.rel $0x88, $3  }
0x1: {  	(tag) =	ssettag $0x0;
	lr =	simm.s32 $0x1  }
0x2: {  	[smem:$0x3F92] =	sst lr;
	_ =	strace $0xD0000000  }
0x3: {  	_ = 	snop  }
0x4: {  	_ = 	snop  }
0x5: {  	_ = 	snop  }
0x6: {  	_ = 	snop  }
0x7: {  	_ = 	snop  }
__scs_overlays_trampoline_lowered:
0x8: {  	[smem:$0x3FA1] =	sst s0  }
0x9: {  	[smem:$0x3FA2] =	sst s1  }
0xa: {  	[smem:$0x3FA3] =	sst s2  }
0xb: {  	[smem:$0x3FA4] =	sst s3  }
0xc: {  	[smem:$0x3FA5] =	sst s4  }
0xd: {  	[smem:$0x3FA6] =	sst s5  }
0xe: {  	[smem:$0x3FA7] =	sst s6  }
0xf: {  	[smem:$0x3FA8] =	sst s7  }
0x10: {  	[smem:$0x3FA9] =	sst s8  }
0x11: {  	[smem:$0x3FAA] =	sst s9;
	s0 =	simm.s32 @!p0 $0x0  }
0x12: {  	s1 =	sld [smem:$0x3F90];
	s0 =	simm.s32 @p0 $0x1  }
0x13: {  	[smem:$0x3FAB] =	sst s0;
	s0 =	simm.s32 @!p1 $0x0  }
0x14: {  	s2 =	sld [smem:$0x3F8F];
	s0 =	simm.s32 @p1 $0x1  }
0x15: {  	[smem:$0x3FAC] =	sst s0;
	s0 =	simm.s32 @!p2 $0x0  }
0x16: {  	s3 =	sld [smem:$0x3FDB];
	s0 =	simm.s32 @p2 $0x1  }
0x17: {  	s4 =	simm.s32 $0x1BF5;
	[smem:$0x3FAE] =	sst s0  }
0x18: {  	s0 =	sld [smem:$0x3F91];
	_ =	swait.ge [sflag:s4], $0x0  }
0x19: {  	s7 =	sld [smem:$0x3F92]  }
0x1a: {  	s8 =	sadd.s32 $0xFFFFE003, lr  }
0x1b: {  	s9 =	sadd.s32 $0xFFFFFEF7, lr;
	s5 =	simm.s32 $0xFFFFFFFF;
	p2 =	slt.u32 s8, $0xFFFFF086  }
0x1c: {  	p1 =	slt.u32 s9, $0xF7A;
	s5 =	simm.s32 @!p2 $0x0  }
0x1d: {  	s5 =	simm.s32 @p1 $0x1;
	p0 =	seq.s32 s7, s2  }
0x1e: {  	s7 =	smul.u32 @!p0 $0xF7A, s2;
	p2 =	seq.s32 @!p0 s5, $0x0  }
0x1f: {  	s9 =	smul.u32 $0xF7A, s1;
	s8 =	simm.s32 @!p0 $0x1BF5;
	p2 =	por !p2, p0  }
0x20: {  	[sflag:s8] =	ssyncset.s32 @!p0 $0xFFFFF086;
	s6 =	sadd.s32 @!p0 s3, s7;
	s7 =	simm.s32 @!p0 $0x108  }
0x21: {  	s3 =	sadd.s32 s3, s9;
	s6 =	sadd.s32 @!p0 $0x88, s6;
	s7 =	simm.s32 @p2 $0x1082  }
0x22: {  	[simem:s7], [sflag:s8] =	dma.local @!p0 [hbm:s6], $0xF7A  }
0x23: {  	s9 =	sor.u32 $0xD0000000, s2;
	s6 =	simm.s32 $0x108;
	_ =	swait.ge @!p0 [sflag:s8], $0x0  }
0x24: {  	s3 =	sadd.s32 $0x88, s3;
	s6 =	simm.s32 @!p1 $0x1082;
	[sflag:s4] =	ssyncset.s32 $0xFFFFF086  }
0x25: {  	[simem:s6], [sflag:s4] =	dma.local [hbm:s3], $0xF7A  }
0x26: {  	[smem:$0x3F92] =	sst s1;
	(tag) =	ssettag s2;
	_ =	strace s9  }
0x27: {  	s1 =	sld [smem:$0x3FA2]  }
0x28: {  	s2 =	sld [smem:$0x3FA3]  }
0x29: {  	s4 =	sld [smem:$0x3FA5]  }
0x2a: {  	p0 =	seq.s32 s5, $0x0;
	s5 =	sld [smem:$0x3FA6]  }
0x2b: {  	s6 =	sld [smem:$0x3FA7]  }
0x2c: {  	s7 =	sld [smem:$0x3FA8]  }
0x2d: {  	s3 =	simm.s32 $0x108;
	s8 =	sld [smem:$0x3FA9]  }
0x2e: {  	s3 =	simm.s32 @!p0 $0x1082;
	s9 =	sld [smem:$0x3FAA]  }
0x2f: {  	lr =	sadd.s32 s0, s3;
	s0 =	sld [smem:$0x3FA1]  }
0x30: {  	s3 =	sld [smem:$0x3FA4]  }
0x31: {  	[smem:$0x3FAD] =	sst s10  }
0x32: {  	s10 =	sld [smem:$0x3FAB];
	_ =	sdelay $0x3  }
0x33: {  	p0 =	seq.s32 s10, $0x1;
	s10 =	sld [smem:$0x3FAD];
	_ =	sdelay $0x3  }
0x34: {  	[smem:$0x3FAD] =	sst s10  }
0x35: {  	s10 =	sld [smem:$0x3FAC];
	_ =	sdelay $0x3  }
0x36: {  	p1 =	seq.s32 s10, $0x1;
	s10 =	sld [smem:$0x3FAD];
	_ =	sdelay $0x3  }
0x37: {  	[smem:$0x3FAD] =	sst s10  }
0x38: {  	s10 =	sld [smem:$0x3FAE]  }
0x39: {  	_ = 	snop;
	(pc) =	sbr.ind lr, $3  }
0x3a: {  	_ = 	snop  }
0x3b: {  	_ = 	snop  }
0x3c: {  	p2 =	seq.s32 s10, $0x1;
	s10 =	sld [smem:$0x3FAD]  }
0x3d: {  	_ =	shalt  }
0x3e: {  	_ =	shalt  }
0x3f: {  	_ =	shalt  }
0x40: {  	_ =	shalt  }
0x41: {  	_ =	shalt  }
0x42: {  	_ =	shalt  }
0x43: {  	_ =	shalt  }
0x44: {  	_ =	shalt  }
0x45: {  	_ =	shalt  }
0x46: {  	_ =	shalt  }
0x47: {  	_ =	shalt  }
0x48: {  	_ =	shalt  }
0x49: {  	_ =	shalt  }
0x4a: {  	_ =	shalt  }
0x4b: {  	_ =	shalt  }
0x4c: {  	_ =	shalt  }
0x4d: {  	_ =	shalt  }
0x4e: {  	_ =	shalt  }
0x4f: {  	_ =	shalt  }
0x50: {  	_ =	shalt  }
0x51: {  	_ =	shalt  }
0x52: {  	_ =	shalt  }
0x53: {  	_ =	shalt  }
0x54: {  	_ =	shalt  }
0x55: {  	_ =	shalt  }
0x56: {  	_ =	shalt  }
0x57: {  	_ =	shalt  }
0x58: {  	_ =	shalt  }
0x59: {  	_ =	shalt  }
0x5a: {  	_ =	shalt  }
0x5b: {  	_ =	shalt  }
0x5c: {  	_ =	shalt  }
0x5d: {  	_ =	shalt  }
0x5e: {  	_ =	shalt  }
0x5f: {  	_ =	shalt  }
0x60: {  	_ =	shalt  }
0x61: {  	_ =	shalt  }
0x62: {  	_ =	shalt  }
0x63: {  	_ =	shalt  }
0x64: {  	_ =	shalt  }
0x65: {  	_ =	shalt  }
0x66: {  	_ =	shalt  }
0x67: {  	_ =	shalt  }
0x68: {  	_ =	shalt  }
0x69: {  	_ =	shalt  }
0x6a: {  	_ =	shalt  }
0x6b: {  	_ =	shalt  }
0x6c: {  	_ =	shalt  }
0x6d: {  	_ =	shalt  }
0x6e: {  	_ =	shalt  }
0x6f: {  	_ =	shalt  }
0x70: {  	_ =	shalt  }
0x71: {  	_ =	shalt  }
0x72: {  	_ =	shalt  }
0x73: {  	_ =	shalt  }
0x74: {  	_ =	shalt  }
0x75: {  	_ =	shalt  }
0x76: {  	_ =	shalt  }
0x77: {  	_ =	shalt  }
0x78: {  	_ =	shalt  }
0x79: {  	_ =	shalt  }
0x7a: {  	_ =	shalt  }
0x7b: {  	_ =	shalt  }
0x7c: {  	_ =	shalt  }
0x7d: {  	_ =	shalt  }
0x7e: {  	_ =	shalt  }
0x7f: {  	_ =	shalt  }
0x80: {  	_ =	shalt  }
0x81: {  	_ =	shalt  }
0x82: {  	_ =	shalt  }
0x83: {  	_ =	shalt  }
0x84: {  	_ =	shalt  }
0x85: {  	_ =	shalt  }
0x86: {  	_ =	shalt  }
0x87: {  	_ =	shalt  }
.Lfunc_end0:
.L_simem_size_0:
called_computation.1_lowered:
.L_overlay_start_0:
0x88: {  	s2 =	sld [smem:$0x3FD9]  }
0x89: {  	s3 =	sld [smem:$0x3FFE];
	_ =	sdelay $0x1  }
0x8a: {  	s1 =	srdreg.scid  }
0x8b: {  	s0 =	sand.u32 $0x1, s1  }
0x8c: {  	s17 =	sshll.u32 s0, $0xA;
	s2 =	sadd.s32 s3, s2  }
0x8d: {  	s2 =	sadd.s32 s2, s17  }
0x8e: {  	[smem:$0x3FB9] =	sst s2  }
0x8f: {  	_ = 	snop  }
0x90: {  	s2 =	sld [smem:$0x3FD0];
	(tm) =	ssettm $0x1  }
0x91: {  	s18 =	sld [smem:$0x3FFB];
	_ =	sdelay $0x3  }
0x92: {  	_ =	strace s18  }
0x93: {  	s3 =	sld [smem:$0x3FFC];
	_ =	sdelay $0x3  }
0x94: {  	_ =	strace s3  }
0x95: {  	s3 =	sld [smem:$0x3FFD];
	_ =	sdelay $0x3  }
0x96: {  	_ =	strace s3  }
0x97: {  	_ =	strace $0x8FFFFFFF  }
0x98: {  	s19 =	sld [smem:$0x3FDB];
	_ =	sdelay $0x1  }
0x99: {  	s4 =	simm.s32 $_scs_section_size  }
0x9a: {  	s5 =	simm.s32 $_size__tile_overlayer_lowered;
	s6 =	simm.s32 $_tile_overlayer_lowered  }
0x9b: {  	s22 =	simm.s32 $0x1BFF;
	s21 =	sshll.u32 s6, $0x1;
	s3 =	sadd.s32 s4, s19  }
0x9c: {  	s7 =	simm.s32 $0x0;
	s20 =	sshll.u32 s5, $0x1;
	s5 =	sadd.s32 s21, s3  }
0x9d: {  	[timem:s7], [sflag:s22] =	dma.local [hbm:s5], s20  }
0x9e: {  	_ =	swait.ge [sflag:s22], s20  }
0x9f: {  	s4 =	ssub.s32 $0x0, s20;
	[sflag:s22] =	ssyncset.done $0x0  }
0xa0: {  	[sflag:s22] =	ssyncadd.s32 s4;
	_ =	sdelay $0x1  }
0xa1: {  	s23 =	simm.s32 $0x1B8B  }
0xa2: {  	_ =	swait.ge [sflag:s23], $0x1  }
0xa3: {  	[sflag:s23] =	ssyncset.done $0x0  }
0xa4: {  	s25 =	simm.s32 $0x1B8E;
	s24 =	sld [smem:$0x3FFE];
	[sflag:s23] =	ssyncadd.s32 $0xFFFFFFFF  }
0xa5: {  	s26 =	simm.s32 $execute0_lowered;
	[smem:$0x3FD2] =	sst s25  }
0xa6: {  	s5 =	sshll.u32 s26, $0x1;
	_ =	strace $0x80000049;
	[dreg:$0x1] =	wrdreg $0xFFFFFFFF  }
0xa7: {  	s28 =	simm.s32 $_size_execute0_lowered;
	s3 =	sadd.s32 s3, s5;
	[dreg:$0x0] =	wrdreg $0x0  }
0xa8: {  	s5 =	sshll.u32 s28, $0x1;
	[dreg:$0x2] =	wrdreg s3  }
0xa9: {  	[dreg:$0x3] =	wrdreg s5  }
0xaa: {  	[dreg:$0x4] =	wrdreg $0xC0  }
0xab: {  	_ =	task [dreg:s7], $0x5FFFF  }
0xac: {  	[dreg:$0x1] =	wrdreg $0xFFFFFFFF  }
0xad: {  	[dreg:$0x0] =	wrdreg $0x60  }
0xae: {  	[dreg:$0x2] =	wrdreg s2  }
0xaf: {  	[dreg:$0x3] =	wrdreg s24  }
0xb0: {  	[dreg:$0x4] =	wrdreg $0xA0000  }
0xb1: {  	[dreg:$0x5] =	wrdreg $0x9  }
0xb2: {  	_ =	task.clear_ibuf [dreg:s7], $0x6FFFF;
	_ =	strace $0x90000049  }
0xb3: {  	s29 =	simm.s32 $0x9;
	_ =	strace $0x8000004B  }
0xb4: {  	_ =	swait.ge [sflag:s29], $0x1  }
0xb5: {  	[sflag:s29] =	ssyncadd.s32 $0xFFFFFFFF  }
0xb6: {  	_ =	strace $0x9000004B  }
0xb7: {  	_ =	sfence  }
0xb8: {  	s30 =	sld [smem:$0x0];
	_ =	sdelay $0x2  }
0xb9: {  	s31 =	sshll.u32 s1, $0xD;
	s1 =	sshrl.u32 s1, $0x2  }
0xba: {  	s3 =	sand.u32 $0x4000, s31;
	s1 =	sadd.s32 s1, s30  }
0xbb: {  	s0 =	sor.u32 s3, s0;
	s1 =	sshll.u32 s1, $0x11  }
0xbc: {  	s0 =	sor.u32 s1, s0  }
0xbd: {  	s0 =	sadd.s32 $0x8F2B, s0  }
0xbe: {  	[sflag:s0] =	ssyncadd.remote.s32 $0x1  }
0xbf: {  	_ =	sfence.sel $0xFFFF  }
0xc0: {  	[dreg:$0x0] =	wrdreg $0xFFFFFFFF;
	(pc) =	sbr.abs _section_cstart, $3  }
0xc1: {  	[dreg:$0x1] =	wrdreg $0xFFFFFFFF  }
0xc2: {  	_ =	task.clear_ibuf [dreg:s7], $0x2FFFF;
	_ =	strace $0x9FFFFFFF  }
0xc3: {  	(tm) =	ssettm $0x7FFFFFFF  }
tec
execute0_lowered:
.L_overlay_start_1:
0x0: {  	(tag) =	ssettag $0x1  }
0x1: {  	s0 =	rddreg [dreg:$0x0]  }
0x2: {  	s5 =	rddreg [dreg:$0x1];
	s1 =	srdreg.scid  }
0x3: {  	s3 =	rddreg [dreg:$0x2];
	s2 =	stileid.u32  }
0x4: {  	s4 =	simm.s32 $0x0;
	s17 =	simm.s32 $0x2000;
	s18 =	simm.s32 $0x1  }
0x5: {  	s19 =	simm.s32 $0x2;
	s20 =	simm.s32 $0x3;
	s21 =	simm.s32 $0x4  }
0x6: {  	s22 =	simm.s32 $0x80;
	s23 =	simm.s32 $0x6000;
	s24 =	simm.s32 $0x5  }
0x7: {  	s6 =	sand.u32 $0x1, s1;
	s1 =	rddreg [dreg:$0x3];
	s8 =	smul.u32 $0x14000, s2  }
0x8: {  	[smem:$0x7FF] =	sst s4;
	s15 =	sadd.s32 $0x3600, s5;
	s26 =	smul.u32 $0x50000, s2  }
0x9: {  	s9 =	sshll.u32 s2, $0xE;
	s7 =	smul.u32 $0x140000, s6;
	s25 =	sshll.u32 s6, $0x12  }
0xa: {  	_ =	strace $0x8000004A;
	s6 =	ssub.s32 $0x2, s6;
	s13 =	sor.u32 s9, s25  }
0xb: {  	s29 =	sshrl.u32 s6, $0x1;
	s31 =	sshrl.u32 s26, $0x2;
	s25 =	simm.s32 $0x0  }
0xc: {  	s7 =	sadd.s32 s8, s7;
	s30 =	sshrl.u32 s13, $0x3;
	s10 =	ssub.s32 s6, s29  }
0xd: {  	s14 =	sor.u32 $0x80800, s13;
	s16 =	sor.u32 $0x800, s13;
	s7 =	sshrl.u32 s7, $0x3  }
0xe: {  	s9 =	smax.u32 s10, $0x1;
	s14 =	sshrl.u32 s14, $0x3;
	s16 =	sshrl.u32 s16, $0x3  }
0xf: {  	s28 =	sadd.s32 s7, s5;
	s5 =	sadd.s32 s15, s30;
	s7 =	sadd.s32 s31, s3  }
0x10: {  	s14 =	sadd.s32 s14, s15;
	s15 =	sadd.s32 s16, s15;
	s16 =	simm.s32 $0x1000  }
0x11: {  	s6 =	sadd.s32 $0x10000, s5;
	s8 =	sadd.s32 $0x23600, s28;
	s10 =	sadd.s32 $0x4000, s7  }
0x12: {  	v0 =	vimm.f32 $0.0e+00;
	s11 =	sadd.s32 $0x8000, s7;
	s12 =	sadd.s32 $0xC000, s7;
	s13 =	sadd.s32 $0x10000, s7  }
.LBB2_1:
0x13: {  	[tilespmem:s4], [sflag:$0x3] =	stream.linear.gather [hbm4b:s5+s4], $0x500, $0x38;
	[tilespmem:$0x1E000] =	vst v63  }
0x14: {  	s26 =	sand.u32 $0xFE00, s4  }
0x15: {  	s28 =	sand.u32 $0x70, s4;
	s29 =	sshrl.u32 s26, $0x2  }
0x16: {  	[tilespmem:s16], [sflag:$0x4] =	stream.linear.gather [hbm4b:s6+s4], $0x500, $0x38;
	[tilespmem:$0x1E000] =	vst v63  }
0x17: {  	s26 =	simm.s32 $0x40;
	s29 =	sor.u32 s28, s29;
	s28 =	simm.s32 $0x0  }
.LBB2_2:
0x18: {  	p0 =	sne.s32 s26, $0xFFC0  }
0x19: {  	[tilespmem:s29+$0x2000] =	vst v0;
	s28 =	sadd.s32 $0x10, s28;
	s29 =	smov.u32 s26;
	s26 =	sadd.s32 $0x40, s26  }
.Ltmp0:
0x1a: {  	(pc) =	sbr.rel @p0 .LBB2_2-.Ltmp0, $4  }
0x1b: {  	_ = 	snop  }
0x1c: {  	s29 =	sand.u32 $0xFE00, s29  }
0x1d: {  	s30 =	sand.u32 $0x70, s28;
	s29 =	sshrl.u32 s29, $0x2  }
0x1e: {  	s29 =	sor.u32 s30, s29  }
0x1f: {  	[tilespmem:s29+$0x2000] =	vst v0  }
0x20: {  	[spmem:s7] =	stream.linear.scatter [tilespmem:s17], [sflag:$0x1], $0x4000, $0x38;
	[tilespmem:$0x1E000] =	vst v63  }
0x21: {  	_ = 	snop  }
0x22: {  	[spmem:s10] =	stream.linear.scatter [tilespmem:s17], [sflag:$0x2], $0x4000, $0x38;
	[tilespmem:$0x1E000] =	vst v63  }
0x23: {  	_ = 	snop  }
0x24: {  	[spmem:s11] =	stream.linear.scatter [tilespmem:s17], [sflag:$0x1], $0x4000, $0x38;
	[tilespmem:$0x1E000] =	vst v63  }
0x25: {  	_ = 	snop  }
0x26: {  	[spmem:s12] =	stream.linear.scatter [tilespmem:s17], [sflag:$0x2], $0x4000, $0x38;
	[tilespmem:$0x1E000] =	vst v63  }
0x27: {  	_ = 	snop  }
0x28: {  	[spmem:s13] =	stream.linear.scatter [tilespmem:s17], [sflag:$0x1], $0x4000, $0x38;
	[tilespmem:$0x1E000] =	vst v63  }
0x29: {  	_ =	swait.ge [sflag:s18], $0x4000  }
0x2a: {  	[sflag:s18] =	ssyncset.done $0x0  }
0x2b: {  	[sflag:s18] =	ssyncadd.s32 $0xFFFFC000  }
0x2c: {  	_ =	swait.ge [sflag:s19], $0x4000  }
0x2d: {  	[sflag:s19] =	ssyncset.done $0x0  }
0x2e: {  	[sflag:s19] =	ssyncadd.s32 $0xFFFFC000  }
0x2f: {  	_ =	swait.ge [sflag:s18], $0x4000  }
0x30: {  	[sflag:s18] =	ssyncset.done $0x0  }
0x31: {  	[sflag:s18] =	ssyncadd.s32 $0xFFFFC000  }
0x32: {  	_ =	swait.ge [sflag:s19], $0x4000  }
0x33: {  	[sflag:s19] =	ssyncset.done $0x0  }
0x34: {  	[sflag:s19] =	ssyncadd.s32 $0xFFFFC000  }
0x35: {  	_ =	swait.ge [sflag:s18], $0x4000  }
0x36: {  	[sflag:s18] =	ssyncset.done $0x0  }
0x37: {  	[sflag:s18] =	ssyncadd.s32 $0xFFFFC000  }
0x38: {  	_ =	swait.ge [sflag:s20], $0x500  }
0x39: {  	[sflag:s20] =	ssyncset.done $0x0  }
0x3a: {  	[sflag:s20] =	ssyncadd.s32 $0xFFFFFB00  }
0x3b: {  	_ =	swait.ge [sflag:s21], $0x500  }
0x3c: {  	[sflag:s21] =	ssyncset.done $0x0  }
0x3d: {  	s26 =	simm.s32 $0x0;
	[sflag:s21] =	ssyncadd.s32 $0xFFFFFB00  }
0x3e: {  	s28 =	simm.s32 $0x800;
	s29 =	simm.s32 $0x0;
	[bflag:$0x0] =	sbarrier.arrive $0xFFFF  }
.LBB2_4:
0x3f: {  	p0 =	seq.s32 s26, $0x0  }
0x40: {  	s30 =	simm.s32 @!p0 $0x3  }
0x41: {  	_ =	swait.ge @!p0 [sflag:s30], $0x500  }
0x42: {  	[sflag:s30] =	ssyncset.done @!p0 $0x0  }
0x43: {  	[sflag:s30] =	ssyncadd.s32 @!p0 $0xFFFFFB00;
	s30 =	simm.s32 @!p0 $0x4  }
0x44: {  	p1 =	seq.s32 @!p0 s26, $0x700;
	_ =	swait.ge @!p0 [sflag:s30], $0x500  }
0x45: {  	p1 =	por p0, !p1;
	[sflag:s30] =	ssyncset.done @!p0 $0x0  }
0x46: {  	s31 =	sadd.s32 @p1 s26, s15;
	[sflag:s30] =	ssyncadd.s32 @!p0 $0xFFFFFB00;
	s30 =	sand.u32 @p1 $0x800, s28  }
0x47: {  	[tilespmem:s30], [sflag:$0x3] =	stream.linear.gather @p1 [hbm4b:s31+s4], $0x500, $0x38;
	[tilespmem:$0x1E000] =	vst v63  }
0x48: {  	s30 =	sor.u32 @p1 $0x1000, s30;
	s31 =	sadd.s32 @p1 s26, s14  }
0x49: {  	[tilespmem:s30], [sflag:$0x4] =	stream.linear.gather @p1 [hbm4b:s31+s4], $0x500, $0x38;
	[tilespmem:$0x1E000] =	vst v63  }
0x4a: {  	s31 =	sand.u32 $0x1, s29  }
0x4b: {  	s30 =	sshll.u32 s31, $0xB  }
0x4c: {  	[tilespmem:s17], [sflag:$0x1] =	stream.indirect.gather [hbm4b:s0+s22], $0x80, s30, s22, $0xb8;
	[tilespmem:$0x1E000] =	vst v63  }
0x4d: {  	s31 =	sor.u32 $0x80, s30  }
0x4e: {  	[tilespmem:s23], [sflag:$0x2] =	stream.indirect.gather [hbm4b:s0+s22], $0x80, s31, s22, $0xb8;
	[tilespmem:$0x1E000] =	vst v63  }
0x4f: {  	_ =	swait.ge [sflag:s18], $0x4000  }
0x50: {  	[sflag:s18] =	ssyncset.done $0x0  }
0x51: {  	s31 =	sor.u32 $0x1000, s30;
	[sflag:s18] =	ssyncadd.s32 $0xFFFFC000  }
0x52: {  	[spmem:s3] =	stream.indirect.scatter.add.f32 [tilespmem:s17], [sflag:$0x5], $0x80, s31, s22, $0xb8;
	[tilespmem:$0x1E000] =	vst v63  }
0x53: {  	_ =	swait.ge [sflag:s24], $0x4000  }
0x54: {  	[sflag:s24] =	ssyncset.done $0x0  }
0x55: {  	s31 =	sor.u32 $0x100, s30;
	[sflag:s24] =	ssyncadd.s32 $0xFFFFC000  }
0x56: {  	[tilespmem:s17], [sflag:$0x1] =	stream.indirect.gather [hbm4b:s0+s22], $0x80, s31, s22, $0xb8;
	[tilespmem:$0x1E000] =	vst v63  }
0x57: {  	_ =	swait.ge [sflag:s19], $0x4000  }
0x58: {  	[sflag:s19] =	ssyncset.done $0x0  }
0x59: {  	s31 =	sor.u32 $0x1080, s30;
	[sflag:s19] =	ssyncadd.s32 $0xFFFFC000  }
0x5a: {  	[spmem:s3] =	stream.indirect.scatter.add.f32 [tilespmem:s23], [sflag:$0x5], $0x80, s31, s22, $0xb8;
	[tilespmem:$0x1E000] =	vst v63  }
0x5b: {  	_ =	swait.ge [sflag:s24], $0x4000  }
0x5c: {  	[sflag:s24] =	ssyncset.done $0x0  }
0x5d: {  	s31 =	sor.u32 $0x180, s30;
	[sflag:s24] =	ssyncadd.s32 $0xFFFFC000  }
0x5e: {  	[tilespmem:s23], [sflag:$0x2] =	stream.indirect.gather [hbm4b:s0+s22], $0x80, s31, s22, $0xb8;
	[tilespmem:$0x1E000] =	vst v63  }
0x5f: {  	_ =	swait.ge [sflag:s18], $0x4000  }
0x60: {  	[sflag:s18] =	ssyncset.done $0x0  }
0x61: {  	s31 =	sor.u32 $0x1100, s30;
	[sflag:s18] =	ssyncadd.s32 $0xFFFFC000  }
0x62: {  	[spmem:s3] =	stream.indirect.scatter.add.f32 [tilespmem:s17], [sflag:$0x5], $0x80, s31, s22, $0xb8;
	[tilespmem:$0x1E000] =	vst v63  }
0x63: {  	_ =	swait.ge [sflag:s24], $0x4000  }
0x64: {  	[sflag:s24] =	ssyncset.done $0x0  }
0x65: {  	s31 =	sor.u32 $0x200, s30;
	[sflag:s24] =	ssyncadd.s32 $0xFFFFC000  }
0x66: {  	[tilespmem:s17], [sflag:$0x1] =	stream.indirect.gather [hbm4b:s0+s22], $0x80, s31, s22, $0xb8;
	[tilespmem:$0x1E000] =	vst v63  }
0x67: {  	_ =	swait.ge [sflag:s19], $0x4000  }
0x68: {  	[sflag:s19] =	ssyncset.done $0x0  }
0x69: {  	s31 =	sor.u32 $0x1180, s30;
	[sflag:s19] =	ssyncadd.s32 $0xFFFFC000  }
0x6a: {  	[spmem:s3] =	stream.indirect.scatter.add.f32 [tilespmem:s23], [sflag:$0x5], $0x80, s31, s22, $0xb8;
	[tilespmem:$0x1E000] =	vst v63  }
0x6b: {  	_ =	swait.ge [sflag:s24], $0x4000  }
0x6c: {  	[sflag:s24] =	ssyncset.done $0x0  }
0x6d: {  	s31 =	sor.u32 $0x280, s30;
	[sflag:s24] =	ssyncadd.s32 $0xFFFFC000  }
0x6e: {  	[tilespmem:s23], [sflag:$0x2] =	stream.indirect.gather [hbm4b:s0+s22], $0x80, s31, s22, $0xb8;
	[tilespmem:$0x1E000] =	vst v63  }
0x6f: {  	_ =	swait.ge [sflag:s18], $0x4000  }
0x70: {  	[sflag:s18] =	ssyncset.done $0x0  }
0x71: {  	s31 =	sor.u32 $0x1200, s30;
	[sflag:s18] =	ssyncadd.s32 $0xFFFFC000  }
0x72: {  	[spmem:s3] =	stream.indirect.scatter.add.f32 [tilespmem:s17], [sflag:$0x5], $0x80, s31, s22, $0xb8;
	[tilespmem:$0x1E000] =	vst v63  }
0x73: {  	_ =	swait.ge [sflag:s24], $0x4000  }
0x74: {  	[sflag:s24] =	ssyncset.done $0x0  }
0x75: {  	s31 =	sor.u32 $0x300, s30;
	[sflag:s24] =	ssyncadd.s32 $0xFFFFC000  }
0x76: {  	[tilespmem:s17], [sflag:$0x1] =	stream.indirect.gather [hbm4b:s0+s22], $0x80, s31, s22, $0xb8;
	[tilespmem:$0x1E000] =	vst v63  }
0x77: {  	_ =	swait.ge [sflag:s19], $0x4000  }
0x78: {  	[sflag:s19] =	ssyncset.done $0x0  }
0x79: {  	s31 =	sor.u32 $0x1280, s30;
	[sflag:s19] =	ssyncadd.s32 $0xFFFFC000  }
0x7a: {  	[spmem:s3] =	stream.indirect.scatter.add.f32 [tilespmem:s23], [sflag:$0x5], $0x80, s31, s22, $0xb8;
	[tilespmem:$0x1E000] =	vst v63  }
0x7b: {  	_ =	swait.ge [sflag:s24], $0x4000  }
0x7c: {  	[sflag:s24] =	ssyncset.done $0x0  }
0x7d: {  	s31 =	sor.u32 $0x380, s30;
	[sflag:s24] =	ssyncadd.s32 $0xFFFFC000  }
0x7e: {  	[tilespmem:s23], [sflag:$0x2] =	stream.indirect.gather [hbm4b:s0+s22], $0x80, s31, s22, $0xb8;
	[tilespmem:$0x1E000] =	vst v63  }
0x7f: {  	_ =	swait.ge [sflag:s18], $0x4000  }
0x80: {  	[sflag:s18] =	ssyncset.done $0x0  }
0x81: {  	s31 =	sor.u32 $0x1300, s30;
	[sflag:s18] =	ssyncadd.s32 $0xFFFFC000  }
0x82: {  	[spmem:s3] =	stream.indirect.scatter.add.f32 [tilespmem:s17], [sflag:$0x5], $0x80, s31, s22, $0xb8;
	[tilespmem:$0x1E000] =	vst v63  }
0x83: {  	_ =	swait.ge [sflag:s24], $0x4000  }
0x84: {  	[sflag:s24] =	ssyncset.done $0x0  }
0x85: {  	s31 =	sor.u32 $0x400, s30;
	[sflag:s24] =	ssyncadd.s32 $0xFFFFC000  }
0x86: {  	[tilespmem:s17], [sflag:$0x1] =	stream.indirect.gather [hbm4b:s0+s22], $0x80, s31, s22, $0xb8;
	[tilespmem:$0x1E000] =	vst v63  }
0x87: {  	_ =	swait.ge [sflag:s19], $0x4000  }
0x88: {  	[sflag:s19] =	ssyncset.done $0x0  }
0x89: {  	s31 =	sor.u32 $0x1380, s30;
	[sflag:s19] =	ssyncadd.s32 $0xFFFFC000  }
0x8a: {  	[spmem:s3] =	stream.indirect.scatter.add.f32 [tilespmem:s23], [sflag:$0x5], $0x80, s31, s22, $0xb8;
	[tilespmem:$0x1E000] =	vst v63  }
0x8b: {  	_ =	swait.ge [sflag:s24], $0x4000  }
0x8c: {  	[sflag:s24] =	ssyncset.done $0x0  }
0x8d: {  	s31 =	sor.u32 $0x480, s30;
	[sflag:s24] =	ssyncadd.s32 $0xFFFFC000  }
0x8e: {  	[tilespmem:s23], [sflag:$0x2] =	stream.indirect.gather [hbm4b:s0+s22], $0x80, s31, s22, $0xb8;
	[tilespmem:$0x1E000] =	vst v63  }
0x8f: {  	_ =	swait.ge [sflag:s18], $0x4000  }
0x90: {  	[sflag:s18] =	ssyncset.done $0x0  }
0x91: {  	s31 =	sor.u32 $0x1400, s30;
	[sflag:s18] =	ssyncadd.s32 $0xFFFFC000  }
0x92: {  	[spmem:s3] =	stream.indirect.scatter.add.f32 [tilespmem:s17], [sflag:$0x5], $0x80, s31, s22, $0xb8;
	[tilespmem:$0x1E000] =	vst v63  }
0x93: {  	_ =	swait.ge [sflag:s24], $0x4000  }
0x94: {  	[sflag:s24] =	ssyncset.done $0x0  }
0x95: {  	[sflag:s24] =	ssyncadd.s32 $0xFFFFC000  }
0x96: {  	s26 =	sadd.s32 $0x100, s26;
	_ =	swait.ge [sflag:s19], $0x4000  }
0x97: {  	p0 =	sne.s32 s26, $0x800;
	[sflag:s19] =	ssyncset.done $0x0  }
.Ltmp1:
0x98: {  	s30 =	sor.u32 $0x1480, s30;
	[sflag:s19] =	ssyncadd.s32 $0xFFFFC000;
	(pc) =	sbr.rel @p0 .LBB2_4-.Ltmp1, $4  }
0x99: {  	[spmem:s3] =	stream.indirect.scatter.add.f32 [tilespmem:s23], [sflag:$0x5], $0x80, s30, s22, $0xb8;
	[tilespmem:$0x1E000] =	vst v63  }
0x9a: {  	_ =	swait.ge [sflag:s24], $0x4000  }
0x9b: {  	[sflag:s24] =	ssyncset.done $0x0  }
0x9c: {  	s28 =	sadd.s32 $0x800, s28;
	s29 =	sadd.s32 $0x1, s29;
	[sflag:s24] =	ssyncadd.s32 $0xFFFFC000  }
0x9d: {  	s25 =	sadd.s32 $0x1, s25  }
0x9e: {  	s26 =	sshll.u32 s2, $0x6;
	[bflag:$0x0] =	sbarrier.arrive $0xFFFF;
	p0 =	sne.s32 s25, s9  }
.Ltmp2:
0x9f: {  	s28 =	sshrl.u32 s7, $0x3;
	s26 =	sor.u32 $0x1C05, s26;
	(pc) =	sbr.rel @p0 .LBB2_1-.Ltmp2, $4  }
0xa0: {  	[hbm:s8], [sflag:s26] =	dma.local [spmem:s28], $0x2800  }
0xa1: {  	_ =	swait.ge [sflag:s24], $0x2800  }
0xa2: {  	[sflag:s24] =	ssyncset.done $0x0  }
0xa3: {  	[sflag:s24] =	ssyncadd.s32 $0xFFFFD800  }
0xa4: {  	_ =	sfence.sel $0x180000  }
0xa5: {  	[bflag:$0x0] =	sbarrier.arrive $0xFFFF  }
0xa6: {  	p0 =	sne.s32 s2, $0x0;
	_ =	strace $0x9000004A  }
0xa7: {  	s0 =	sadd.s32 @!p0 $0x100000, s1;
	[bflag:$0x2] =	sbarrier.arrive $0xFFFF  }
0xa8: {  	[sflag:s0] =	ssyncadd.tile.s32 @!p0 $0x1;
	_ =	shalt  }
.Lfunc_end2:
_tile_overlayer_lowered:
.L_overlay_start_2:
0xa9: {  	(tag) =	ssettag $0x2  }
0xaa: {  	s0 =	rddreg [dreg:$0x0];
	s2 =	stileid.u32  }
0xab: {  	s1 =	rddreg [dreg:$0x1];
	p0 =	sne.s32 s2, $0x0  }
0xac: {  	s3 =	rddreg [dreg:$0x2];
	[bflag:$0x3] =	sbarrier.arrive $0xFFFF;
	s2 =	simm.s32 @!p0 $0x1C05  }
0xad: {  	[timem:s3], [sflag:s2] =	dma.local @!p0 [hbm:s0], s1  }
0xae: {  	s0 =	simm.s32 @!p0 $0x5  }
0xaf: {  	_ =	swait.ge @!p0 [sflag:s0], s1  }
0xb0: {  	s1 =	ssub.s32 @!p0 $0x0, s1;
	[sflag:s0] =	ssyncset.done @!p0 $0x0  }
0xb1: {  	[sflag:s0] =	ssyncadd.s32 @!p0 s1  }
0xb2: {  	[bflag:$0x3] =	sbarrier.arrive $0xFFFF  }
0xb3: {  	_ =	shalt  }

// kernel: kernel.14.cloned.1.call-start
scs
__scs_entry_jumppad:
0x0: {  	(pc) =	sbr.rel $0x88, $3  }
0x1: {  	(tag) =	ssettag $0x0;
	lr =	simm.s32 $0x1  }
0x2: {  	[smem:$0x3F92] =	sst lr;
	_ =	strace $0xD0000000  }
0x3: {  	_ = 	snop  }
0x4: {  	_ = 	snop  }
0x5: {  	_ = 	snop  }
0x6: {  	_ = 	snop  }
0x7: {  	_ = 	snop  }
__scs_overlays_trampoline_lowered:
0x8: {  	[smem:$0x3FA1] =	sst s0  }
0x9: {  	[smem:$0x3FA2] =	sst s1  }
0xa: {  	[smem:$0x3FA3] =	sst s2  }
0xb: {  	[smem:$0x3FA4] =	sst s3  }
0xc: {  	[smem:$0x3FA5] =	sst s4  }
0xd: {  	[smem:$0x3FA6] =	sst s5  }
0xe: {  	[smem:$0x3FA7] =	sst s6  }
0xf: {  	[smem:$0x3FA8] =	sst s7  }
0x10: {  	[smem:$0x3FA9] =	sst s8  }
0x11: {  	[smem:$0x3FAA] =	sst s9;
	s0 =	simm.s32 @!p0 $0x0  }
0x12: {  	s1 =	sld [smem:$0x3F90];
	s0 =	simm.s32 @p0 $0x1  }
0x13: {  	[smem:$0x3FAB] =	sst s0;
	s0 =	simm.s32 @!p1 $0x0  }
0x14: {  	s2 =	sld [smem:$0x3F8F];
	s0 =	simm.s32 @p1 $0x1  }
0x15: {  	[smem:$0x3FAC] =	sst s0;
	s0 =	simm.s32 @!p2 $0x0  }
0x16: {  	s3 =	sld [smem:$0x3FDB];
	s0 =	simm.s32 @p2 $0x1  }
0x17: {  	s4 =	simm.s32 $0x1BF5;
	[smem:$0x3FAE] =	sst s0  }
0x18: {  	s0 =	sld [smem:$0x3F91];
	_ =	swait.ge [sflag:s4], $0x0  }
0x19: {  	s7 =	sld [smem:$0x3F92]  }
0x1a: {  	s8 =	sadd.s32 $0xFFFFE003, lr  }
0x1b: {  	s9 =	sadd.s32 $0xFFFFFEF7, lr;
	s5 =	simm.s32 $0xFFFFFFFF;
	p2 =	slt.u32 s8, $0xFFFFF086  }
0x1c: {  	p1 =	slt.u32 s9, $0xF7A;
	s5 =	simm.s32 @!p2 $0x0  }
0x1d: {  	s5 =	simm.s32 @p1 $0x1;
	p0 =	seq.s32 s7, s2  }
0x1e: {  	s7 =	smul.u32 @!p0 $0xF7A, s2;
	p2 =	seq.s32 @!p0 s5, $0x0  }
0x1f: {  	s9 =	smul.u32 $0xF7A, s1;
	s8 =	simm.s32 @!p0 $0x1BF5;
	p2 =	por !p2, p0  }
0x20: {  	[sflag:s8] =	ssyncset.s32 @!p0 $0xFFFFF086;
	s6 =	sadd.s32 @!p0 s3, s7;
	s7 =	simm.s32 @!p0 $0x108  }
0x21: {  	s3 =	sadd.s32 s3, s9;
	s6 =	sadd.s32 @!p0 $0x88, s6;
	s7 =	simm.s32 @p2 $0x1082  }
0x22: {  	[simem:s7], [sflag:s8] =	dma.local @!p0 [hbm:s6], $0xF7A  }
0x23: {  	s9 =	sor.u32 $0xD0000000, s2;
	s6 =	simm.s32 $0x108;
	_ =	swait.ge @!p0 [sflag:s8], $0x0  }
0x24: {  	s3 =	sadd.s32 $0x88, s3;
	s6 =	simm.s32 @!p1 $0x1082;
	[sflag:s4] =	ssyncset.s32 $0xFFFFF086  }
0x25: {  	[simem:s6], [sflag:s4] =	dma.local [hbm:s3], $0xF7A  }
0x26: {  	[smem:$0x3F92] =	sst s1;
	(tag) =	ssettag s2;
	_ =	strace s9  }
0x27: {  	s1 =	sld [smem:$0x3FA2]  }
0x28: {  	s2 =	sld [smem:$0x3FA3]  }
0x29: {  	s4 =	sld [smem:$0x3FA5]  }
0x2a: {  	p0 =	seq.s32 s5, $0x0;
	s5 =	sld [smem:$0x3FA6]  }
0x2b: {  	s6 =	sld [smem:$0x3FA7]  }
0x2c: {  	s7 =	sld [smem:$0x3FA8]  }
0x2d: {  	s3 =	simm.s32 $0x108;
	s8 =	sld [smem:$0x3FA9]  }
0x2e: {  	s3 =	simm.s32 @!p0 $0x1082;
	s9 =	sld [smem:$0x3FAA]  }
0x2f: {  	lr =	sadd.s32 s0, s3;
	s0 =	sld [smem:$0x3FA1]  }
0x30: {  	s3 =	sld [smem:$0x3FA4]  }
0x31: {  	[smem:$0x3FAD] =	sst s10  }
0x32: {  	s10 =	sld [smem:$0x3FAB];
	_ =	sdelay $0x3  }
0x33: {  	p0 =	seq.s32 s10, $0x1;
	s10 =	sld [smem:$0x3FAD];
	_ =	sdelay $0x3  }
0x34: {  	[smem:$0x3FAD] =	sst s10  }
0x35: {  	s10 =	sld [smem:$0x3FAC];
	_ =	sdelay $0x3  }
0x36: {  	p1 =	seq.s32 s10, $0x1;
	s10 =	sld [smem:$0x3FAD];
	_ =	sdelay $0x3  }
0x37: {  	[smem:$0x3FAD] =	sst s10  }
0x38: {  	s10 =	sld [smem:$0x3FAE]  }
0x39: {  	_ = 	snop;
	(pc) =	sbr.ind lr, $3  }
0x3a: {  	_ = 	snop  }
0x3b: {  	_ = 	snop  }
0x3c: {  	p2 =	seq.s32 s10, $0x1;
	s10 =	sld [smem:$0x3FAD]  }
0x3d: {  	_ =	shalt  }
0x3e: {  	_ =	shalt  }
0x3f: {  	_ =	shalt  }
0x40: {  	_ =	shalt  }
0x41: {  	_ =	shalt  }
0x42: {  	_ =	shalt  }
0x43: {  	_ =	shalt  }
0x44: {  	_ =	shalt  }
0x45: {  	_ =	shalt  }
0x46: {  	_ =	shalt  }
0x47: {  	_ =	shalt  }
0x48: {  	_ =	shalt  }
0x49: {  	_ =	shalt  }
0x4a: {  	_ =	shalt  }
0x4b: {  	_ =	shalt  }
0x4c: {  	_ =	shalt  }
0x4d: {  	_ =	shalt  }
0x4e: {  	_ =	shalt  }
0x4f: {  	_ =	shalt  }
0x50: {  	_ =	shalt  }
0x51: {  	_ =	shalt  }
0x52: {  	_ =	shalt  }
0x53: {  	_ =	shalt  }
0x54: {  	_ =	shalt  }
0x55: {  	_ =	shalt  }
0x56: {  	_ =	shalt  }
0x57: {  	_ =	shalt  }
0x58: {  	_ =	shalt  }
0x59: {  	_ =	shalt  }
0x5a: {  	_ =	shalt  }
0x5b: {  	_ =	shalt  }
0x5c: {  	_ =	shalt  }
0x5d: {  	_ =	shalt  }
0x5e: {  	_ =	shalt  }
0x5f: {  	_ =	shalt  }
0x60: {  	_ =	shalt  }
0x61: {  	_ =	shalt  }
0x62: {  	_ =	shalt  }
0x63: {  	_ =	shalt  }
0x64: {  	_ =	shalt  }
0x65: {  	_ =	shalt  }
0x66: {  	_ =	shalt  }
0x67: {  	_ =	shalt  }
0x68: {  	_ =	shalt  }
0x69: {  	_ =	shalt  }
0x6a: {  	_ =	shalt  }
0x6b: {  	_ =	shalt  }
0x6c: {  	_ =	shalt  }
0x6d: {  	_ =	shalt  }
0x6e: {  	_ =	shalt  }
0x6f: {  	_ =	shalt  }
0x70: {  	_ =	shalt  }
0x71: {  	_ =	shalt  }
0x72: {  	_ =	shalt  }
0x73: {  	_ =	shalt  }
0x74: {  	_ =	shalt  }
0x75: {  	_ =	shalt  }
0x76: {  	_ =	shalt  }
0x77: {  	_ =	shalt  }
0x78: {  	_ =	shalt  }
0x79: {  	_ =	shalt  }
0x7a: {  	_ =	shalt  }
0x7b: {  	_ =	shalt  }
0x7c: {  	_ =	shalt  }
0x7d: {  	_ =	shalt  }
0x7e: {  	_ =	shalt  }
0x7f: {  	_ =	shalt  }
0x80: {  	_ =	shalt  }
0x81: {  	_ =	shalt  }
0x82: {  	_ =	shalt  }
0x83: {  	_ =	shalt  }
0x84: {  	_ =	shalt  }
0x85: {  	_ =	shalt  }
0x86: {  	_ =	shalt  }
0x87: {  	_ =	shalt  }
.Lfunc_end0:
.L_simem_size_0:
called_computation.2_lowered:
.L_overlay_start_0:
0x88: {  	s2 =	sld [smem:$0x3FD9]  }
0x89: {  	s3 =	sld [smem:$0x3FFE];
	_ =	sdelay $0x1  }
0x8a: {  	s1 =	srdreg.scid  }
0x8b: {  	s0 =	sand.u32 $0x1, s1  }
0x8c: {  	s17 =	sshll.u32 s0, $0xA;
	s2 =	sadd.s32 s3, s2  }
0x8d: {  	s2 =	sadd.s32 s2, s17  }
0x8e: {  	[smem:$0x3FB9] =	sst s2  }
0x8f: {  	_ = 	snop  }
0x90: {  	s2 =	sld [smem:$0x3FD0];
	(tm) =	ssettm $0x1  }
0x91: {  	s18 =	sld [smem:$0x3FFB];
	_ =	sdelay $0x3  }
0x92: {  	_ =	strace s18  }
0x93: {  	s3 =	sld [smem:$0x3FFC];
	_ =	sdelay $0x3  }
0x94: {  	_ =	strace s3  }
0x95: {  	s3 =	sld [smem:$0x3FFD];
	_ =	sdelay $0x3  }
0x96: {  	_ =	strace s3  }
0x97: {  	_ =	strace $0x8FFFFFFF  }
0x98: {  	s19 =	sld [smem:$0x3FDB];
	_ =	sdelay $0x1  }
0x99: {  	s4 =	simm.s32 $_scs_section_size  }
0x9a: {  	s5 =	simm.s32 $_size__tile_overlayer_lowered;
	s6 =	simm.s32 $_tile_overlayer_lowered  }
0x9b: {  	s22 =	simm.s32 $0x1BFF;
	s21 =	sshll.u32 s6, $0x1;
	s3 =	sadd.s32 s4, s19  }
0x9c: {  	s7 =	simm.s32 $0x0;
	s20 =	sshll.u32 s5, $0x1;
	s5 =	sadd.s32 s21, s3  }
0x9d: {  	[timem:s7], [sflag:s22] =	dma.local [hbm:s5], s20  }
0x9e: {  	_ =	swait.ge [sflag:s22], s20  }
0x9f: {  	s4 =	ssub.s32 $0x0, s20;
	[sflag:s22] =	ssyncset.done $0x0  }
0xa0: {  	[sflag:s22] =	ssyncadd.s32 s4;
	_ =	sdelay $0x1  }
0xa1: {  	s23 =	simm.s32 $0x1B8B  }
0xa2: {  	_ =	swait.ge [sflag:s23], $0x1  }
0xa3: {  	[sflag:s23] =	ssyncset.done $0x0  }
0xa4: {  	s25 =	simm.s32 $0x1B8E;
	s24 =	sld [smem:$0x3FFE];
	[sflag:s23] =	ssyncadd.s32 $0xFFFFFFFF  }
0xa5: {  	s26 =	simm.s32 $execute0_lowered;
	[smem:$0x3FD2] =	sst s25  }
0xa6: {  	s5 =	sshll.u32 s26, $0x1;
	_ =	strace $0x8000004C;
	[dreg:$0x1] =	wrdreg $0xFFFFFFFF  }
0xa7: {  	s28 =	simm.s32 $_size_execute0_lowered;
	s3 =	sadd.s32 s3, s5;
	[dreg:$0x0] =	wrdreg $0x0  }
0xa8: {  	s5 =	sshll.u32 s28, $0x1;
	[dreg:$0x2] =	wrdreg s3  }
0xa9: {  	[dreg:$0x3] =	wrdreg s5  }
0xaa: {  	[dreg:$0x4] =	wrdreg $0xC0  }
0xab: {  	_ =	task [dreg:s7], $0x5FFFF  }
0xac: {  	[dreg:$0x1] =	wrdreg $0xFFFFFFFF  }
0xad: {  	[dreg:$0x0] =	wrdreg $0x60  }
0xae: {  	[dreg:$0x2] =	wrdreg s2  }
0xaf: {  	[dreg:$0x3] =	wrdreg s24  }
0xb0: {  	[dreg:$0x4] =	wrdreg $0xA0000  }
0xb1: {  	[dreg:$0x5] =	wrdreg $0x9  }
0xb2: {  	_ =	task.clear_ibuf [dreg:s7], $0x6FFFF;
	_ =	strace $0x9000004C  }
0xb3: {  	s29 =	simm.s32 $0x9;
	_ =	strace $0x8000004E  }
0xb4: {  	_ =	swait.ge [sflag:s29], $0x1  }
0xb5: {  	[sflag:s29] =	ssyncadd.s32 $0xFFFFFFFF  }
0xb6: {  	_ =	strace $0x9000004E  }
0xb7: {  	_ =	sfence  }
0xb8: {  	s30 =	sld [smem:$0x0];
	_ =	sdelay $0x2  }
0xb9: {  	s31 =	sshll.u32 s1, $0xD;
	s1 =	sshrl.u32 s1, $0x2  }
0xba: {  	s3 =	sand.u32 $0x4000, s31;
	s1 =	sadd.s32 s1, s30  }
0xbb: {  	s0 =	sor.u32 s3, s0;
	s1 =	sshll.u32 s1, $0x11  }
0xbc: {  	s0 =	sor.u32 s1, s0  }
0xbd: {  	s0 =	sadd.s32 $0x8F2B, s0  }
0xbe: {  	[sflag:s0] =	ssyncadd.remote.s32 $0x1  }
0xbf: {  	_ =	sfence.sel $0xFFFF  }
0xc0: {  	[dreg:$0x0] =	wrdreg $0xFFFFFFFF;
	(pc) =	sbr.abs _section_cstart, $3  }
0xc1: {  	[dreg:$0x1] =	wrdreg $0xFFFFFFFF  }
0xc2: {  	_ =	task.clear_ibuf [dreg:s7], $0x2FFFF;
	_ =	strace $0x9FFFFFFF  }
0xc3: {  	(tm) =	ssettm $0x7FFFFFFF  }
tec
execute0_lowered:
.L_overlay_start_1:
0x0: {  	(tag) =	ssettag $0x1  }
0x1: {  	s0 =	rddreg [dreg:$0x0]  }
0x2: {  	s5 =	rddreg [dreg:$0x1];
	s1 =	srdreg.scid  }
0x3: {  	s3 =	rddreg [dreg:$0x2];
	s2 =	stileid.u32  }
0x4: {  	s4 =	simm.s32 $0x0;
	s17 =	simm.s32 $0x2000;
	s18 =	simm.s32 $0x1  }
0x5: {  	s19 =	simm.s32 $0x2;
	s20 =	simm.s32 $0x3;
	s21 =	simm.s32 $0x4  }
0x6: {  	s22 =	simm.s32 $0x80;
	s23 =	simm.s32 $0x6000;
	s24 =	simm.s32 $0x5  }
0x7: {  	s6 =	sand.u32 $0x1, s1;
	s1 =	rddreg [dreg:$0x3];
	s8 =	smul.u32 $0x14000, s2  }
0x8: {  	[smem:$0x7FF] =	sst s4;
	s15 =	sadd.s32 $0x3600, s5;
	s26 =	smul.u32 $0x50000, s2  }
0x9: {  	s9 =	sshll.u32 s2, $0xE;
	s7 =	smul.u32 $0x140000, s6;
	s25 =	sshll.u32 s6, $0x12  }
0xa: {  	_ =	strace $0x8000004D;
	s6 =	ssub.s32 $0x2, s6;
	s13 =	sor.u32 s9, s25  }
0xb: {  	s29 =	sshrl.u32 s6, $0x1;
	s31 =	sshrl.u32 s26, $0x2;
	s25 =	simm.s32 $0x0  }
0xc: {  	s7 =	sadd.s32 s8, s7;
	s30 =	sshrl.u32 s13, $0x3;
	s10 =	ssub.s32 s6, s29  }
0xd: {  	s14 =	sor.u32 $0x80800, s13;
	s16 =	sor.u32 $0x800, s13;
	s7 =	sshrl.u32 s7, $0x3  }
0xe: {  	s9 =	smax.u32 s10, $0x1;
	s14 =	sshrl.u32 s14, $0x3;
	s16 =	sshrl.u32 s16, $0x3  }
0xf: {  	s28 =	sadd.s32 s7, s5;
	s5 =	sadd.s32 s15, s30;
	s7 =	sadd.s32 s31, s3  }
0x10: {  	s14 =	sadd.s32 s14, s15;
	s15 =	sadd.s32 s16, s15;
	s16 =	simm.s32 $0x1000  }
0x11: {  	s6 =	sadd.s32 $0x10000, s5;
	s8 =	sadd.s32 $0x23600, s28;
	s10 =	sadd.s32 $0x4000, s7  }
0x12: {  	v0 =	vimm.f32 $0.0e+00;
	s11 =	sadd.s32 $0x8000, s7;
	s12 =	sadd.s32 $0xC000, s7;
	s13 =	sadd.s32 $0x10000, s7  }
.LBB2_1:
0x13: {  	[tilespmem:s4], [sflag:$0x3] =	stream.linear.gather [hbm4b:s5+s4], $0x500, $0x38;
	[tilespmem:$0x1E000] =	vst v63  }
0x14: {  	s26 =	sand.u32 $0xFE00, s4  }
0x15: {  	s28 =	sand.u32 $0x70, s4;
	s29 =	sshrl.u32 s26, $0x2  }
0x16: {  	[tilespmem:s16], [sflag:$0x4] =	stream.linear.gather [hbm4b:s6+s4], $0x500, $0x38;
	[tilespmem:$0x1E000] =	vst v63  }
0x17: {  	s26 =	simm.s32 $0x40;
	s29 =	sor.u32 s28, s29;
	s28 =	simm.s32 $0x0  }
.LBB2_2:
0x18: {  	p0 =	sne.s32 s26, $0xFFC0  }
0x19: {  	[tilespmem:s29+$0x2000] =	vst v0;
	s28 =	sadd.s32 $0x10, s28;
	s29 =	smov.u32 s26;
	s26 =	sadd.s32 $0x40, s26  }
.Ltmp0:
0x1a: {  	(pc) =	sbr.rel @p0 .LBB2_2-.Ltmp0, $4  }
0x1b: {  	_ = 	snop  }
0x1c: {  	s29 =	sand.u32 $0xFE00, s29  }
0x1d: {  	s30 =	sand.u32 $0x70, s28;
	s29 =	sshrl.u32 s29, $0x2  }
0x1e: {  	s29 =	sor.u32 s30, s29  }
0x1f: {  	[tilespmem:s29+$0x2000] =	vst v0  }
0x20: {  	[spmem:s7] =	stream.linear.scatter [tilespmem:s17], [sflag:$0x1], $0x4000, $0x38;
	[tilespmem:$0x1E000] =	vst v63  }
0x21: {  	_ = 	snop  }
0x22: {  	[spmem:s10] =	stream.linear.scatter [tilespmem:s17], [sflag:$0x2], $0x4000, $0x38;
	[tilespmem:$0x1E000] =	vst v63  }
0x23: {  	_ = 	snop  }
0x24: {  	[spmem:s11] =	stream.linear.scatter [tilespmem:s17], [sflag:$0x1], $0x4000, $0x38;
	[tilespmem:$0x1E000] =	vst v63  }
0x25: {  	_ = 	snop  }
0x26: {  	[spmem:s12] =	stream.linear.scatter [tilespmem:s17], [sflag:$0x2], $0x4000, $0x38;
	[tilespmem:$0x1E000] =	vst v63  }
0x27: {  	_ = 	snop  }
0x28: {  	[spmem:s13] =	stream.linear.scatter [tilespmem:s17], [sflag:$0x1], $0x4000, $0x38;
	[tilespmem:$0x1E000] =	vst v63  }
0x29: {  	_ =	swait.ge [sflag:s18], $0x4000  }
0x2a: {  	[sflag:s18] =	ssyncset.done $0x0  }
0x2b: {  	[sflag:s18] =	ssyncadd.s32 $0xFFFFC000  }
0x2c: {  	_ =	swait.ge [sflag:s19], $0x4000  }
0x2d: {  	[sflag:s19] =	ssyncset.done $0x0  }
0x2e: {  	[sflag:s19] =	ssyncadd.s32 $0xFFFFC000  }
0x2f: {  	_ =	swait.ge [sflag:s18], $0x4000  }
0x30: {  	[sflag:s18] =	ssyncset.done $0x0  }
0x31: {  	[sflag:s18] =	ssyncadd.s32 $0xFFFFC000  }
0x32: {  	_ =	swait.ge [sflag:s19], $0x4000  }
0x33: {  	[sflag:s19] =	ssyncset.done $0x0  }
0x34: {  	[sflag:s19] =	ssyncadd.s32 $0xFFFFC000  }
0x35: {  	_ =	swait.ge [sflag:s18], $0x4000  }
0x36: {  	[sflag:s18] =	ssyncset.done $0x0  }
0x37: {  	[sflag:s18] =	ssyncadd.s32 $0xFFFFC000  }
0x38: {  	_ =	swait.ge [sflag:s20], $0x500  }
0x39: {  	[sflag:s20] =	ssyncset.done $0x0  }
0x3a: {  	[sflag:s20] =	ssyncadd.s32 $0xFFFFFB00  }
0x3b: {  	_ =	swait.ge [sflag:s21], $0x500  }
0x3c: {  	[sflag:s21] =	ssyncset.done $0x0  }
0x3d: {  	s26 =	simm.s32 $0x0;
	[sflag:s21] =	ssyncadd.s32 $0xFFFFFB00  }
0x3e: {  	s28 =	simm.s32 $0x800;
	s29 =	simm.s32 $0x0;
	[bflag:$0x0] =	sbarrier.arrive $0xFFFF  }
.LBB2_4:
0x3f: {  	p0 =	seq.s32 s26, $0x0  }
0x40: {  	s30 =	simm.s32 @!p0 $0x3  }
0x41: {  	_ =	swait.ge @!p0 [sflag:s30], $0x500  }
0x42: {  	[sflag:s30] =	ssyncset.done @!p0 $0x0  }
0x43: {  	[sflag:s30] =	ssyncadd.s32 @!p0 $0xFFFFFB00;
	s30 =	simm.s32 @!p0 $0x4  }
0x44: {  	p1 =	seq.s32 @!p0 s26, $0x700;
	_ =	swait.ge @!p0 [sflag:s30], $0x500  }
0x45: {  	p1 =	por p0, !p1;
	[sflag:s30] =	ssyncset.done @!p0 $0x0  }
0x46: {  	s31 =	sadd.s32 @p1 s26, s15;
	[sflag:s30] =	ssyncadd.s32 @!p0 $0xFFFFFB00;
	s30 =	sand.u32 @p1 $0x800, s28  }
0x47: {  	[tilespmem:s30], [sflag:$0x3] =	stream.linear.gather @p1 [hbm4b:s31+s4], $0x500, $0x38;
	[tilespmem:$0x1E000] =	vst v63  }
0x48: {  	s30 =	sor.u32 @p1 $0x1000, s30;
	s31 =	sadd.s32 @p1 s26, s14  }
0x49: {  	[tilespmem:s30], [sflag:$0x4] =	stream.linear.gather @p1 [hbm4b:s31+s4], $0x500, $0x38;
	[tilespmem:$0x1E000] =	vst v63  }
0x4a: {  	s31 =	sand.u32 $0x1, s29  }
0x4b: {  	s30 =	sshll.u32 s31, $0xB  }
0x4c: {  	[tilespmem:s17], [sflag:$0x1] =	stream.indirect.gather [hbm4b:s0+s22], $0x80, s30, s22, $0xb8;
	[tilespmem:$0x1E000] =	vst v63  }
0x4d: {  	s31 =	sor.u32 $0x80, s30  }
0x4e: {  	[tilespmem:s23], [sflag:$0x2] =	stream.indirect.gather [hbm4b:s0+s22], $0x80, s31, s22, $0xb8;
	[tilespmem:$0x1E000] =	vst v63  }
0x4f: {  	_ =	swait.ge [sflag:s18], $0x4000  }
0x50: {  	[sflag:s18] =	ssyncset.done $0x0  }
0x51: {  	s31 =	sor.u32 $0x1000, s30;
	[sflag:s18] =	ssyncadd.s32 $0xFFFFC000  }
0x52: {  	[spmem:s3] =	stream.indirect.scatter.add.f32 [tilespmem:s17], [sflag:$0x5], $0x80, s31, s22, $0xb8;
	[tilespmem:$0x1E000] =	vst v63  }
0x53: {  	_ =	swait.ge [sflag:s24], $0x4000  }
0x54: {  	[sflag:s24] =	ssyncset.done $0x0  }
0x55: {  	s31 =	sor.u32 $0x100, s30;
	[sflag:s24] =	ssyncadd.s32 $0xFFFFC000  }
0x56: {  	[tilespmem:s17], [sflag:$0x1] =	stream.indirect.gather [hbm4b:s0+s22], $0x80, s31, s22, $0xb8;
	[tilespmem:$0x1E000] =	vst v63  }
0x57: {  	_ =	swait.ge [sflag:s19], $0x4000  }
0x58: {  	[sflag:s19] =	ssyncset.done $0x0  }
0x59: {  	s31 =	sor.u32 $0x1080, s30;
	[sflag:s19] =	ssyncadd.s32 $0xFFFFC000  }
0x5a: {  	[spmem:s3] =	stream.indirect.scatter.add.f32 [tilespmem:s23], [sflag:$0x5], $0x80, s31, s22, $0xb8;
	[tilespmem:$0x1E000] =	vst v63  }
0x5b: {  	_ =	swait.ge [sflag:s24], $0x4000  }
0x5c: {  	[sflag:s24] =	ssyncset.done $0x0  }
0x5d: {  	s31 =	sor.u32 $0x180, s30;
	[sflag:s24] =	ssyncadd.s32 $0xFFFFC000  }
0x5e: {  	[tilespmem:s23], [sflag:$0x2] =	stream.indirect.gather [hbm4b:s0+s22], $0x80, s31, s22, $0xb8;
	[tilespmem:$0x1E000] =	vst v63  }
0x5f: {  	_ =	swait.ge [sflag:s18], $0x4000  }
0x60: {  	[sflag:s18] =	ssyncset.done $0x0  }
0x61: {  	s31 =	sor.u32 $0x1100, s30;
	[sflag:s18] =	ssyncadd.s32 $0xFFFFC000  }
0x62: {  	[spmem:s3] =	stream.indirect.scatter.add.f32 [tilespmem:s17], [sflag:$0x5], $0x80, s31, s22, $0xb8;
	[tilespmem:$0x1E000] =	vst v63  }
0x63: {  	_ =	swait.ge [sflag:s24], $0x4000  }
0x64: {  	[sflag:s24] =	ssyncset.done $0x0  }
0x65: {  	s31 =	sor.u32 $0x200, s30;
	[sflag:s24] =	ssyncadd.s32 $0xFFFFC000  }
0x66: {  	[tilespmem:s17], [sflag:$0x1] =	stream.indirect.gather [hbm4b:s0+s22], $0x80, s31, s22, $0xb8;
	[tilespmem:$0x1E000] =	vst v63  }
0x67: {  	_ =	swait.ge [sflag:s19], $0x4000  }
0x68: {  	[sflag:s19] =	ssyncset.done $0x0  }
0x69: {  	s31 =	sor.u32 $0x1180, s30;
	[sflag:s19] =	ssyncadd.s32 $0xFFFFC000  }
0x6a: {  	[spmem:s3] =	stream.indirect.scatter.add.f32 [tilespmem:s23], [sflag:$0x5], $0x80, s31, s22, $0xb8;
	[tilespmem:$0x1E000] =	vst v63  }
0x6b: {  	_ =	swait.ge [sflag:s24], $0x4000  }
0x6c: {  	[sflag:s24] =	ssyncset.done $0x0  }
0x6d: {  	s31 =	sor.u32 $0x280, s30;
	[sflag:s24] =	ssyncadd.s32 $0xFFFFC000  }
0x6e: {  	[tilespmem:s23], [sflag:$0x2] =	stream.indirect.gather [hbm4b:s0+s22], $0x80, s31, s22, $0xb8;
	[tilespmem:$0x1E000] =	vst v63  }
0x6f: {  	_ =	swait.ge [sflag:s18], $0x4000  }
0x70: {  	[sflag:s18] =	ssyncset.done $0x0  }
0x71: {  	s31 =	sor.u32 $0x1200, s30;
	[sflag:s18] =	ssyncadd.s32 $0xFFFFC000  }
0x72: {  	[spmem:s3] =	stream.indirect.scatter.add.f32 [tilespmem:s17], [sflag:$0x5], $0x80, s31, s22, $0xb8;
	[tilespmem:$0x1E000] =	vst v63  }
0x73: {  	_ =	swait.ge [sflag:s24], $0x4000  }
0x74: {  	[sflag:s24] =	ssyncset.done $0x0  }
0x75: {  	s31 =	sor.u32 $0x300, s30;
	[sflag:s24] =	ssyncadd.s32 $0xFFFFC000  }
0x76: {  	[tilespmem:s17], [sflag:$0x1] =	stream.indirect.gather [hbm4b:s0+s22], $0x80, s31, s22, $0xb8;
	[tilespmem:$0x1E000] =	vst v63  }
0x77: {  	_ =	swait.ge [sflag:s19], $0x4000  }
0x78: {  	[sflag:s19] =	ssyncset.done $0x0  }
0x79: {  	s31 =	sor.u32 $0x1280, s30;
	[sflag:s19] =	ssyncadd.s32 $0xFFFFC000  }
0x7a: {  	[spmem:s3] =	stream.indirect.scatter.add.f32 [tilespmem:s23], [sflag:$0x5], $0x80, s31, s22, $0xb8;
	[tilespmem:$0x1E000] =	vst v63  }
0x7b: {  	_ =	swait.ge [sflag:s24], $0x4000  }
0x7c: {  	[sflag:s24] =	ssyncset.done $0x0  }
0x7d: {  	s31 =	sor.u32 $0x380, s30;
	[sflag:s24] =	ssyncadd.s32 $0xFFFFC000  }
0x7e: {  	[tilespmem:s23], [sflag:$0x2] =	stream.indirect.gather [hbm4b:s0+s22], $0x80, s31, s22, $0xb8;
	[tilespmem:$0x1E000] =	vst v63  }
0x7f: {  	_ =	swait.ge [sflag:s18], $0x4000  }
0x80: {  	[sflag:s18] =	ssyncset.done $0x0  }
0x81: {  	s31 =	sor.u32 $0x1300, s30;
	[sflag:s18] =	ssyncadd.s32 $0xFFFFC000  }
0x82: {  	[spmem:s3] =	stream.indirect.scatter.add.f32 [tilespmem:s17], [sflag:$0x5], $0x80, s31, s22, $0xb8;
	[tilespmem:$0x1E000] =	vst v63  }
0x83: {  	_ =	swait.ge [sflag:s24], $0x4000  }
0x84: {  	[sflag:s24] =	ssyncset.done $0x0  }
0x85: {  	s31 =	sor.u32 $0x400, s30;
	[sflag:s24] =	ssyncadd.s32 $0xFFFFC000  }
0x86: {  	[tilespmem:s17], [sflag:$0x1] =	stream.indirect.gather [hbm4b:s0+s22], $0x80, s31, s22, $0xb8;
	[tilespmem:$0x1E000] =	vst v63  }
0x87: {  	_ =	swait.ge [sflag:s19], $0x4000  }
0x88: {  	[sflag:s19] =	ssyncset.done $0x0  }
0x89: {  	s31 =	sor.u32 $0x1380, s30;
	[sflag:s19] =	ssyncadd.s32 $0xFFFFC000  }
0x8a: {  	[spmem:s3] =	stream.indirect.scatter.add.f32 [tilespmem:s23], [sflag:$0x5], $0x80, s31, s22, $0xb8;
	[tilespmem:$0x1E000] =	vst v63  }
0x8b: {  	_ =	swait.ge [sflag:s24], $0x4000  }
0x8c: {  	[sflag:s24] =	ssyncset.done $0x0  }
0x8d: {  	s31 =	sor.u32 $0x480, s30;
	[sflag:s24] =	ssyncadd.s32 $0xFFFFC000  }
0x8e: {  	[tilespmem:s23], [sflag:$0x2] =	stream.indirect.gather [hbm4b:s0+s22], $0x80, s31, s22, $0xb8;
	[tilespmem:$0x1E000] =	vst v63  }
0x8f: {  	_ =	swait.ge [sflag:s18], $0x4000  }
0x90: {  	[sflag:s18] =	ssyncset.done $0x0  }
0x91: {  	s31 =	sor.u32 $0x1400, s30;
	[sflag:s18] =	ssyncadd.s32 $0xFFFFC000  }
0x92: {  	[spmem:s3] =	stream.indirect.scatter.add.f32 [tilespmem:s17], [sflag:$0x5], $0x80, s31, s22, $0xb8;
	[tilespmem:$0x1E000] =	vst v63  }
0x93: {  	_ =	swait.ge [sflag:s24], $0x4000  }
0x94: {  	[sflag:s24] =	ssyncset.done $0x0  }
0x95: {  	[sflag:s24] =	ssyncadd.s32 $0xFFFFC000  }
0x96: {  	s26 =	sadd.s32 $0x100, s26;
	_ =	swait.ge [sflag:s19], $0x4000  }
0x97: {  	p0 =	sne.s32 s26, $0x800;
	[sflag:s19] =	ssyncset.done $0x0  }
.Ltmp1:
0x98: {  	s30 =	sor.u32 $0x1480, s30;
	[sflag:s19] =	ssyncadd.s32 $0xFFFFC000;
	(pc) =	sbr.rel @p0 .LBB2_4-.Ltmp1, $4  }
0x99: {  	[spmem:s3] =	stream.indirect.scatter.add.f32 [tilespmem:s23], [sflag:$0x5], $0x80, s30, s22, $0xb8;
	[tilespmem:$0x1E000] =	vst v63  }
0x9a: {  	_ =	swait.ge [sflag:s24], $0x4000  }
0x9b: {  	[sflag:s24] =	ssyncset.done $0x0  }
0x9c: {  	s28 =	sadd.s32 $0x800, s28;
	s29 =	sadd.s32 $0x1, s29;
	[sflag:s24] =	ssyncadd.s32 $0xFFFFC000  }
0x9d: {  	s25 =	sadd.s32 $0x1, s25  }
0x9e: {  	s26 =	sshll.u32 s2, $0x6;
	[bflag:$0x0] =	sbarrier.arrive $0xFFFF;
	p0 =	sne.s32 s25, s9  }
.Ltmp2:
0x9f: {  	s28 =	sshrl.u32 s7, $0x3;
	s26 =	sor.u32 $0x1C05, s26;
	(pc) =	sbr.rel @p0 .LBB2_1-.Ltmp2, $4  }
0xa0: {  	[hbm:s8], [sflag:s26] =	dma.local [spmem:s28], $0x2800  }
0xa1: {  	_ =	swait.ge [sflag:s24], $0x2800  }
0xa2: {  	[sflag:s24] =	ssyncset.done $0x0  }
0xa3: {  	[sflag:s24] =	ssyncadd.s32 $0xFFFFD800  }
0xa4: {  	_ =	sfence.sel $0x180000  }
0xa5: {  	[bflag:$0x0] =	sbarrier.arrive $0xFFFF  }
0xa6: {  	p0 =	sne.s32 s2, $0x0;
	_ =	strace $0x9000004D  }
0xa7: {  	s0 =	sadd.s32 @!p0 $0x100000, s1;
	[bflag:$0x2] =	sbarrier.arrive $0xFFFF  }
0xa8: {  	[sflag:s0] =	ssyncadd.tile.s32 @!p0 $0x1;
	_ =	shalt  }
.Lfunc_end2:
_tile_overlayer_lowered:
.L_overlay_start_2:
0xa9: {  	(tag) =	ssettag $0x2  }
0xaa: {  	s0 =	rddreg [dreg:$0x0];
	s2 =	stileid.u32  }
0xab: {  	s1 =	rddreg [dreg:$0x1];
	p0 =	sne.s32 s2, $0x0  }
0xac: {  	s3 =	rddreg [dreg:$0x2];
	[bflag:$0x3] =	sbarrier.arrive $0xFFFF;
	s2 =	simm.s32 @!p0 $0x1C05  }
0xad: {  	[timem:s3], [sflag:s2] =	dma.local @!p0 [hbm:s0], s1  }
0xae: {  	s0 =	simm.s32 @!p0 $0x5  }
0xaf: {  	_ =	swait.ge @!p0 [sflag:s0], s1  }
0xb0: {  	s1 =	ssub.s32 @!p0 $0x0, s1;
	[sflag:s0] =	ssyncset.done @!p0 $0x0  }
0xb1: {  	[sflag:s0] =	ssyncadd.s32 @!p0 s1  }
0xb2: {  	[bflag:$0x3] =	sbarrier.arrive $0xFFFF  }
0xb3: {  	_ =	shalt  }

// kernel: kernel.8.cloned.1.call-start
scs
__scs_entry_jumppad:
0x0: {  	(pc) =	sbr.rel $0x88, $3  }
0x1: {  	(tag) =	ssettag $0x0;
	lr =	simm.s32 $0x1  }
0x2: {  	[smem:$0x3F92] =	sst lr;
	_ =	strace $0xD0000000  }
0x3: {  	_ = 	snop  }
0x4: {  	_ = 	snop  }
0x5: {  	_ = 	snop  }
0x6: {  	_ = 	snop  }
0x7: {  	_ = 	snop  }
__scs_overlays_trampoline_lowered:
0x8: {  	[smem:$0x3FA1] =	sst s0  }
0x9: {  	[smem:$0x3FA2] =	sst s1  }
0xa: {  	[smem:$0x3FA3] =	sst s2  }
0xb: {  	[smem:$0x3FA4] =	sst s3  }
0xc: {  	[smem:$0x3FA5] =	sst s4  }
0xd: {  	[smem:$0x3FA6] =	sst s5  }
0xe: {  	[smem:$0x3FA7] =	sst s6  }
0xf: {  	[smem:$0x3FA8] =	sst s7  }
0x10: {  	[smem:$0x3FA9] =	sst s8  }
0x11: {  	[smem:$0x3FAA] =	sst s9;
	s0 =	simm.s32 @!p0 $0x0  }
0x12: {  	s1 =	sld [smem:$0x3F90];
	s0 =	simm.s32 @p0 $0x1  }
0x13: {  	[smem:$0x3FAB] =	sst s0;
	s0 =	simm.s32 @!p1 $0x0  }
0x14: {  	s2 =	sld [smem:$0x3F8F];
	s0 =	simm.s32 @p1 $0x1  }
0x15: {  	[smem:$0x3FAC] =	sst s0;
	s0 =	simm.s32 @!p2 $0x0  }
0x16: {  	s3 =	sld [smem:$0x3FDB];
	s0 =	simm.s32 @p2 $0x1  }
0x17: {  	s4 =	simm.s32 $0x1BF5;
	[smem:$0x3FAE] =	sst s0  }
0x18: {  	s0 =	sld [smem:$0x3F91];
	_ =	swait.ge [sflag:s4], $0x0  }
0x19: {  	s7 =	sld [smem:$0x3F92]  }
0x1a: {  	s8 =	sadd.s32 $0xFFFFE003, lr  }
0x1b: {  	s9 =	sadd.s32 $0xFFFFFEF7, lr;
	s5 =	simm.s32 $0xFFFFFFFF;
	p2 =	slt.u32 s8, $0xFFFFF086  }
0x1c: {  	p1 =	slt.u32 s9, $0xF7A;
	s5 =	simm.s32 @!p2 $0x0  }
0x1d: {  	s5 =	simm.s32 @p1 $0x1;
	p0 =	seq.s32 s7, s2  }
0x1e: {  	s7 =	smul.u32 @!p0 $0xF7A, s2;
	p2 =	seq.s32 @!p0 s5, $0x0  }
0x1f: {  	s9 =	smul.u32 $0xF7A, s1;
	s8 =	simm.s32 @!p0 $0x1BF5;
	p2 =	por !p2, p0  }
0x20: {  	[sflag:s8] =	ssyncset.s32 @!p0 $0xFFFFF086;
	s6 =	sadd.s32 @!p0 s3, s7;
	s7 =	simm.s32 @!p0 $0x108  }
0x21: {  	s3 =	sadd.s32 s3, s9;
	s6 =	sadd.s32 @!p0 $0x88, s6;
	s7 =	simm.s32 @p2 $0x1082  }
0x22: {  	[simem:s7], [sflag:s8] =	dma.local @!p0 [hbm:s6], $0xF7A  }
0x23: {  	s9 =	sor.u32 $0xD0000000, s2;
	s6 =	simm.s32 $0x108;
	_ =	swait.ge @!p0 [sflag:s8], $0x0  }
0x24: {  	s3 =	sadd.s32 $0x88, s3;
	s6 =	simm.s32 @!p1 $0x1082;
	[sflag:s4] =	ssyncset.s32 $0xFFFFF086  }
0x25: {  	[simem:s6], [sflag:s4] =	dma.local [hbm:s3], $0xF7A  }
0x26: {  	[smem:$0x3F92] =	sst s1;
	(tag) =	ssettag s2;
	_ =	strace s9  }
0x27: {  	s1 =	sld [smem:$0x3FA2]  }
0x28: {  	s2 =	sld [smem:$0x3FA3]  }
0x29: {  	s4 =	sld [smem:$0x3FA5]  }
0x2a: {  	p0 =	seq.s32 s5, $0x0;
	s5 =	sld [smem:$0x3FA6]  }
0x2b: {  	s6 =	sld [smem:$0x3FA7]  }
0x2c: {  	s7 =	sld [smem:$0x3FA8]  }
0x2d: {  	s3 =	simm.s32 $0x108;
	s8 =	sld [smem:$0x3FA9]  }
0x2e: {  	s3 =	simm.s32 @!p0 $0x1082;
	s9 =	sld [smem:$0x3FAA]  }
0x2f: {  	lr =	sadd.s32 s0, s3;
	s0 =	sld [smem:$0x3FA1]  }
0x30: {  	s3 =	sld [smem:$0x3FA4]  }
0x31: {  	[smem:$0x3FAD] =	sst s10  }
0x32: {  	s10 =	sld [smem:$0x3FAB];
	_ =	sdelay $0x3  }
0x33: {  	p0 =	seq.s32 s10, $0x1;
	s10 =	sld [smem:$0x3FAD];
	_ =	sdelay $0x3  }
0x34: {  	[smem:$0x3FAD] =	sst s10  }
0x35: {  	s10 =	sld [smem:$0x3FAC];
	_ =	sdelay $0x3  }
0x36: {  	p1 =	seq.s32 s10, $0x1;
	s10 =	sld [smem:$0x3FAD];
	_ =	sdelay $0x3  }
0x37: {  	[smem:$0x3FAD] =	sst s10  }
0x38: {  	s10 =	sld [smem:$0x3FAE]  }
0x39: {  	_ = 	snop;
	(pc) =	sbr.ind lr, $3  }
0x3a: {  	_ = 	snop  }
0x3b: {  	_ = 	snop  }
0x3c: {  	p2 =	seq.s32 s10, $0x1;
	s10 =	sld [smem:$0x3FAD]  }
0x3d: {  	_ =	shalt  }
0x3e: {  	_ =	shalt  }
0x3f: {  	_ =	shalt  }
0x40: {  	_ =	shalt  }
0x41: {  	_ =	shalt  }
0x42: {  	_ =	shalt  }
0x43: {  	_ =	shalt  }
0x44: {  	_ =	shalt  }
0x45: {  	_ =	shalt  }
0x46: {  	_ =	shalt  }
0x47: {  	_ =	shalt  }
0x48: {  	_ =	shalt  }
0x49: {  	_ =	shalt  }
0x4a: {  	_ =	shalt  }
0x4b: {  	_ =	shalt  }
0x4c: {  	_ =	shalt  }
0x4d: {  	_ =	shalt  }
0x4e: {  	_ =	shalt  }
0x4f: {  	_ =	shalt  }
0x50: {  	_ =	shalt  }
0x51: {  	_ =	shalt  }
0x52: {  	_ =	shalt  }
0x53: {  	_ =	shalt  }
0x54: {  	_ =	shalt  }
0x55: {  	_ =	shalt  }
0x56: {  	_ =	shalt  }
0x57: {  	_ =	shalt  }
0x58: {  	_ =	shalt  }
0x59: {  	_ =	shalt  }
0x5a: {  	_ =	shalt  }
0x5b: {  	_ =	shalt  }
0x5c: {  	_ =	shalt  }
0x5d: {  	_ =	shalt  }
0x5e: {  	_ =	shalt  }
0x5f: {  	_ =	shalt  }
0x60: {  	_ =	shalt  }
0x61: {  	_ =	shalt  }
0x62: {  	_ =	shalt  }
0x63: {  	_ =	shalt  }
0x64: {  	_ =	shalt  }
0x65: {  	_ =	shalt  }
0x66: {  	_ =	shalt  }
0x67: {  	_ =	shalt  }
0x68: {  	_ =	shalt  }
0x69: {  	_ =	shalt  }
0x6a: {  	_ =	shalt  }
0x6b: {  	_ =	shalt  }
0x6c: {  	_ =	shalt  }
0x6d: {  	_ =	shalt  }
0x6e: {  	_ =	shalt  }
0x6f: {  	_ =	shalt  }
0x70: {  	_ =	shalt  }
0x71: {  	_ =	shalt  }
0x72: {  	_ =	shalt  }
0x73: {  	_ =	shalt  }
0x74: {  	_ =	shalt  }
0x75: {  	_ =	shalt  }
0x76: {  	_ =	shalt  }
0x77: {  	_ =	shalt  }
0x78: {  	_ =	shalt  }
0x79: {  	_ =	shalt  }
0x7a: {  	_ =	shalt  }
0x7b: {  	_ =	shalt  }
0x7c: {  	_ =	shalt  }
0x7d: {  	_ =	shalt  }
0x7e: {  	_ =	shalt  }
0x7f: {  	_ =	shalt  }
0x80: {  	_ =	shalt  }
0x81: {  	_ =	shalt  }
0x82: {  	_ =	shalt  }
0x83: {  	_ =	shalt  }
0x84: {  	_ =	shalt  }
0x85: {  	_ =	shalt  }
0x86: {  	_ =	shalt  }
0x87: {  	_ =	shalt  }
.Lfunc_end0:
.L_simem_size_0:
called_computation_lowered:
.L_overlay_start_0:
0x88: {  	s2 =	sld [smem:$0x3FD9]  }
0x89: {  	s3 =	sld [smem:$0x3FFE];
	_ =	sdelay $0x1  }
0x8a: {  	s1 =	srdreg.scid  }
0x8b: {  	s0 =	sand.u32 $0x1, s1  }
0x8c: {  	s17 =	sshll.u32 s0, $0xA;
	s2 =	sadd.s32 s3, s2  }
0x8d: {  	s2 =	sadd.s32 s2, s17  }
0x8e: {  	[smem:$0x3FB9] =	sst s2  }
0x8f: {  	_ = 	snop  }
0x90: {  	s2 =	sld [smem:$0x3FC9];
	(tm) =	ssettm $0x1  }
0x91: {  	s18 =	sld [smem:$0x3FFB];
	_ =	sdelay $0x3  }
0x92: {  	_ =	strace s18  }
0x93: {  	s3 =	sld [smem:$0x3FFC];
	_ =	sdelay $0x3  }
0x94: {  	_ =	strace s3  }
0x95: {  	s3 =	sld [smem:$0x3FFD];
	_ =	sdelay $0x3  }
0x96: {  	_ =	strace s3  }
0x97: {  	_ =	strace $0x8FFFFFFF  }
0x98: {  	s19 =	sld [smem:$0x3FDB];
	_ =	sdelay $0x1  }
0x99: {  	s4 =	simm.s32 $_scs_section_size  }
0x9a: {  	s5 =	simm.s32 $_size__tile_overlayer_lowered;
	s6 =	simm.s32 $_tile_overlayer_lowered  }
0x9b: {  	s22 =	simm.s32 $0x1BFF;
	s21 =	sshll.u32 s6, $0x1;
	s3 =	sadd.s32 s4, s19  }
0x9c: {  	s7 =	simm.s32 $0x0;
	s20 =	sshll.u32 s5, $0x1;
	s5 =	sadd.s32 s21, s3  }
0x9d: {  	[timem:s7], [sflag:s22] =	dma.local [hbm:s5], s20  }
0x9e: {  	_ =	swait.ge [sflag:s22], s20  }
0x9f: {  	s4 =	ssub.s32 $0x0, s20;
	[sflag:s22] =	ssyncset.done $0x0  }
0xa0: {  	[sflag:s22] =	ssyncadd.s32 s4;
	_ =	sdelay $0x1  }
0xa1: {  	s23 =	simm.s32 $0x1B8B  }
0xa2: {  	_ =	swait.ge [sflag:s23], $0x1  }
0xa3: {  	[sflag:s23] =	ssyncset.done $0x0  }
0xa4: {  	s25 =	simm.s32 $0x1B8E;
	s24 =	sld [smem:$0x3FFE];
	[sflag:s23] =	ssyncadd.s32 $0xFFFFFFFF  }
0xa5: {  	s26 =	simm.s32 $execute0_lowered;
	[smem:$0x3FD2] =	sst s25  }
0xa6: {  	s5 =	sshll.u32 s26, $0x1;
	_ =	strace $0x80000046;
	[dreg:$0x1] =	wrdreg $0xFFFFFFFF  }
0xa7: {  	s28 =	simm.s32 $_size_execute0_lowered;
	s3 =	sadd.s32 s3, s5;
	[dreg:$0x0] =	wrdreg $0x0  }
0xa8: {  	s5 =	sshll.u32 s28, $0x1;
	[dreg:$0x2] =	wrdreg s3  }
0xa9: {  	[dreg:$0x3] =	wrdreg s5  }
0xaa: {  	[dreg:$0x4] =	wrdreg $0xC0  }
0xab: {  	_ =	task [dreg:s7], $0x5FFFF  }
0xac: {  	[dreg:$0x1] =	wrdreg $0xFFFFFFFF  }
0xad: {  	[dreg:$0x0] =	wrdreg $0x60  }
0xae: {  	[dreg:$0x2] =	wrdreg s2  }
0xaf: {  	[dreg:$0x3] =	wrdreg s24  }
0xb0: {  	[dreg:$0x4] =	wrdreg $0xA0000  }
0xb1: {  	[dreg:$0x5] =	wrdreg $0x9  }
0xb2: {  	_ =	task.clear_ibuf [dreg:s7], $0x6FFFF;
	_ =	strace $0x90000046  }
0xb3: {  	s29 =	simm.s32 $0x9;
	_ =	strace $0x80000048  }
0xb4: {  	_ =	swait.ge [sflag:s29], $0x1  }
0xb5: {  	[sflag:s29] =	ssyncadd.s32 $0xFFFFFFFF  }
0xb6: {  	_ =	strace $0x90000048  }
0xb7: {  	_ =	sfence  }
0xb8: {  	s30 =	sld [smem:$0x0];
	_ =	sdelay $0x2  }
0xb9: {  	s31 =	sshll.u32 s1, $0xD;
	s1 =	sshrl.u32 s1, $0x2  }
0xba: {  	s3 =	sand.u32 $0x4000, s31;
	s1 =	sadd.s32 s1, s30  }
0xbb: {  	s0 =	sor.u32 s3, s0;
	s1 =	sshll.u32 s1, $0x11  }
0xbc: {  	s0 =	sor.u32 s1, s0  }
0xbd: {  	s0 =	sadd.s32 $0x8F2B, s0  }
0xbe: {  	[sflag:s0] =	ssyncadd.remote.s32 $0x1  }
0xbf: {  	_ =	sfence.sel $0xFFFF  }
0xc0: {  	[dreg:$0x0] =	wrdreg $0xFFFFFFFF;
	(pc) =	sbr.abs _section_cstart, $3  }
0xc1: {  	[dreg:$0x1] =	wrdreg $0xFFFFFFFF  }
0xc2: {  	_ =	task.clear_ibuf [dreg:s7], $0x2FFFF;
	_ =	strace $0x9FFFFFFF  }
0xc3: {  	(tm) =	ssettm $0x7FFFFFFF  }
tec
execute0_lowered:
.L_overlay_start_1:
0x0: {  	(tag) =	ssettag $0x1  }
0x1: {  	s0 =	rddreg [dreg:$0x0]  }
0x2: {  	s5 =	rddreg [dreg:$0x1];
	s1 =	srdreg.scid  }
0x3: {  	s3 =	rddreg [dreg:$0x2];
	s2 =	stileid.u32  }
0x4: {  	s4 =	simm.s32 $0x0;
	s17 =	simm.s32 $0x2000;
	s18 =	simm.s32 $0x1  }
0x5: {  	s19 =	simm.s32 $0x2;
	s20 =	simm.s32 $0x3;
	s21 =	simm.s32 $0x4  }
0x6: {  	s22 =	simm.s32 $0x80;
	s23 =	simm.s32 $0x6000;
	s24 =	simm.s32 $0x5  }
0x7: {  	s6 =	sand.u32 $0x1, s1;
	s1 =	rddreg [dreg:$0x3];
	s8 =	smul.u32 $0x14000, s2  }
0x8: {  	[smem:$0x7FF] =	sst s4;
	s15 =	sadd.s32 $0x3600, s5;
	s26 =	smul.u32 $0x50000, s2  }
0x9: {  	s9 =	sshll.u32 s2, $0xE;
	s7 =	smul.u32 $0x140000, s6;
	s25 =	sshll.u32 s6, $0x12  }
0xa: {  	_ =	strace $0x80000047;
	s6 =	ssub.s32 $0x2, s6;
	s13 =	sor.u32 s9, s25  }
0xb: {  	s29 =	sshrl.u32 s6, $0x1;
	s31 =	sshrl.u32 s26, $0x2;
	s25 =	simm.s32 $0x0  }
0xc: {  	s7 =	sadd.s32 s8, s7;
	s30 =	sshrl.u32 s13, $0x3;
	s10 =	ssub.s32 s6, s29  }
0xd: {  	s14 =	sor.u32 $0x80800, s13;
	s16 =	sor.u32 $0x800, s13;
	s7 =	sshrl.u32 s7, $0x3  }
0xe: {  	s9 =	smax.u32 s10, $0x1;
	s14 =	sshrl.u32 s14, $0x3;
	s16 =	sshrl.u32 s16, $0x3  }
0xf: {  	s28 =	sadd.s32 s7, s5;
	s5 =	sadd.s32 s15, s30;
	s7 =	sadd.s32 s31, s3  }
0x10: {  	s14 =	sadd.s32 s14, s15;
	s15 =	sadd.s32 s16, s15;
	s16 =	simm.s32 $0x1000  }
0x11: {  	s6 =	sadd.s32 $0x10000, s5;
	s8 =	sadd.s32 $0x23600, s28;
	s10 =	sadd.s32 $0x4000, s7  }
0x12: {  	v0 =	vimm.f32 $0.0e+00;
	s11 =	sadd.s32 $0x8000, s7;
	s12 =	sadd.s32 $0xC000, s7;
	s13 =	sadd.s32 $0x10000, s7  }
.LBB2_1:
0x13: {  	[tilespmem:s4], [sflag:$0x3] =	stream.linear.gather [hbm4b:s5+s4], $0x500, $0x38;
	[tilespmem:$0x1E000] =	vst v63  }
0x14: {  	s26 =	sand.u32 $0xFE00, s4  }
0x15: {  	s28 =	sand.u32 $0x70, s4;
	s29 =	sshrl.u32 s26, $0x2  }
0x16: {  	[tilespmem:s16], [sflag:$0x4] =	stream.linear.gather [hbm4b:s6+s4], $0x500, $0x38;
	[tilespmem:$0x1E000] =	vst v63  }
0x17: {  	s26 =	simm.s32 $0x40;
	s29 =	sor.u32 s28, s29;
	s28 =	simm.s32 $0x0  }
.LBB2_2:
0x18: {  	p0 =	sne.s32 s26, $0xFFC0  }
0x19: {  	[tilespmem:s29+$0x2000] =	vst v0;
	s28 =	sadd.s32 $0x10, s28;
	s29 =	smov.u32 s26;
	s26 =	sadd.s32 $0x40, s26  }
.Ltmp0:
0x1a: {  	(pc) =	sbr.rel @p0 .LBB2_2-.Ltmp0, $4  }
0x1b: {  	_ = 	snop  }
0x1c: {  	s29 =	sand.u32 $0xFE00, s29  }
0x1d: {  	s30 =	sand.u32 $0x70, s28;
	s29 =	sshrl.u32 s29, $0x2  }
0x1e: {  	s29 =	sor.u32 s30, s29  }
0x1f: {  	[tilespmem:s29+$0x2000] =	vst v0  }
0x20: {  	[spmem:s7] =	stream.linear.scatter [tilespmem:s17], [sflag:$0x1], $0x4000, $0x38;
	[tilespmem:$0x1E000] =	vst v63  }
0x21: {  	_ = 	snop  }
0x22: {  	[spmem:s10] =	stream.linear.scatter [tilespmem:s17], [sflag:$0x2], $0x4000, $0x38;
	[tilespmem:$0x1E000] =	vst v63  }
0x23: {  	_ = 	snop  }
0x24: {  	[spmem:s11] =	stream.linear.scatter [tilespmem:s17], [sflag:$0x1], $0x4000, $0x38;
	[tilespmem:$0x1E000] =	vst v63  }
0x25: {  	_ = 	snop  }
0x26: {  	[spmem:s12] =	stream.linear.scatter [tilespmem:s17], [sflag:$0x2], $0x4000, $0x38;
	[tilespmem:$0x1E000] =	vst v63  }
0x27: {  	_ = 	snop  }
0x28: {  	[spmem:s13] =	stream.linear.scatter [tilespmem:s17], [sflag:$0x1], $0x4000, $0x38;
	[tilespmem:$0x1E000] =	vst v63  }
0x29: {  	_ =	swait.ge [sflag:s18], $0x4000  }
0x2a: {  	[sflag:s18] =	ssyncset.done $0x0  }
0x2b: {  	[sflag:s18] =	ssyncadd.s32 $0xFFFFC000  }
0x2c: {  	_ =	swait.ge [sflag:s19], $0x4000  }
0x2d: {  	[sflag:s19] =	ssyncset.done $0x0  }
0x2e: {  	[sflag:s19] =	ssyncadd.s32 $0xFFFFC000  }
0x2f: {  	_ =	swait.ge [sflag:s18], $0x4000  }
0x30: {  	[sflag:s18] =	ssyncset.done $0x0  }
0x31: {  	[sflag:s18] =	ssyncadd.s32 $0xFFFFC000  }
0x32: {  	_ =	swait.ge [sflag:s19], $0x4000  }
0x33: {  	[sflag:s19] =	ssyncset.done $0x0  }
0x34: {  	[sflag:s19] =	ssyncadd.s32 $0xFFFFC000  }
0x35: {  	_ =	swait.ge [sflag:s18], $0x4000  }
0x36: {  	[sflag:s18] =	ssyncset.done $0x0  }
0x37: {  	[sflag:s18] =	ssyncadd.s32 $0xFFFFC000  }
0x38: {  	_ =	swait.ge [sflag:s20], $0x500  }
0x39: {  	[sflag:s20] =	ssyncset.done $0x0  }
0x3a: {  	[sflag:s20] =	ssyncadd.s32 $0xFFFFFB00  }
0x3b: {  	_ =	swait.ge [sflag:s21], $0x500  }
0x3c: {  	[sflag:s21] =	ssyncset.done $0x0  }
0x3d: {  	s26 =	simm.s32 $0x0;
	[sflag:s21] =	ssyncadd.s32 $0xFFFFFB00  }
0x3e: {  	s28 =	simm.s32 $0x800;
	s29 =	simm.s32 $0x0;
	[bflag:$0x0] =	sbarrier.arrive $0xFFFF  }
.LBB2_4:
0x3f: {  	p0 =	seq.s32 s26, $0x0  }
0x40: {  	s30 =	simm.s32 @!p0 $0x3  }
0x41: {  	_ =	swait.ge @!p0 [sflag:s30], $0x500  }
0x42: {  	[sflag:s30] =	ssyncset.done @!p0 $0x0  }
0x43: {  	[sflag:s30] =	ssyncadd.s32 @!p0 $0xFFFFFB00;
	s30 =	simm.s32 @!p0 $0x4  }
0x44: {  	p1 =	seq.s32 @!p0 s26, $0x700;
	_ =	swait.ge @!p0 [sflag:s30], $0x500  }
0x45: {  	p1 =	por p0, !p1;
	[sflag:s30] =	ssyncset.done @!p0 $0x0  }
0x46: {  	s31 =	sadd.s32 @p1 s26, s15;
	[sflag:s30] =	ssyncadd.s32 @!p0 $0xFFFFFB00;
	s30 =	sand.u32 @p1 $0x800, s28  }
0x47: {  	[tilespmem:s30], [sflag:$0x3] =	stream.linear.gather @p1 [hbm4b:s31+s4], $0x500, $0x38;
	[tilespmem:$0x1E000] =	vst v63  }
0x48: {  	s30 =	sor.u32 @p1 $0x1000, s30;
	s31 =	sadd.s32 @p1 s26, s14  }
0x49: {  	[tilespmem:s30], [sflag:$0x4] =	stream.linear.gather @p1 [hbm4b:s31+s4], $0x500, $0x38;
	[tilespmem:$0x1E000] =	vst v63  }
0x4a: {  	s31 =	sand.u32 $0x1, s29  }
0x4b: {  	s30 =	sshll.u32 s31, $0xB  }
0x4c: {  	[tilespmem:s17], [sflag:$0x1] =	stream.indirect.gather [hbm4b:s0+s22], $0x80, s30, s22, $0xb8;
	[tilespmem:$0x1E000] =	vst v63  }
0x4d: {  	s31 =	sor.u32 $0x80, s30  }
0x4e: {  	[tilespmem:s23], [sflag:$0x2] =	stream.indirect.gather [hbm4b:s0+s22], $0x80, s31, s22, $0xb8;
	[tilespmem:$0x1E000] =	vst v63  }
0x4f: {  	_ =	swait.ge [sflag:s18], $0x4000  }
0x50: {  	[sflag:s18] =	ssyncset.done $0x0  }
0x51: {  	s31 =	sor.u32 $0x1000, s30;
	[sflag:s18] =	ssyncadd.s32 $0xFFFFC000  }
0x52: {  	[spmem:s3] =	stream.indirect.scatter.add.f32 [tilespmem:s17], [sflag:$0x5], $0x80, s31, s22, $0xb8;
	[tilespmem:$0x1E000] =	vst v63  }
0x53: {  	_ =	swait.ge [sflag:s24], $0x4000  }
0x54: {  	[sflag:s24] =	ssyncset.done $0x0  }
0x55: {  	s31 =	sor.u32 $0x100, s30;
	[sflag:s24] =	ssyncadd.s32 $0xFFFFC000  }
0x56: {  	[tilespmem:s17], [sflag:$0x1] =	stream.indirect.gather [hbm4b:s0+s22], $0x80, s31, s22, $0xb8;
	[tilespmem:$0x1E000] =	vst v63  }
0x57: {  	_ =	swait.ge [sflag:s19], $0x4000  }
0x58: {  	[sflag:s19] =	ssyncset.done $0x0  }
0x59: {  	s31 =	sor.u32 $0x1080, s30;
	[sflag:s19] =	ssyncadd.s32 $0xFFFFC000  }
0x5a: {  	[spmem:s3] =	stream.indirect.scatter.add.f32 [tilespmem:s23], [sflag:$0x5], $0x80, s31, s22, $0xb8;
	[tilespmem:$0x1E000] =	vst v63  }
0x5b: {  	_ =	swait.ge [sflag:s24], $0x4000  }
0x5c: {  	[sflag:s24] =	ssyncset.done $0x0  }
0x5d: {  	s31 =	sor.u32 $0x180, s30;
	[sflag:s24] =	ssyncadd.s32 $0xFFFFC000  }
0x5e: {  	[tilespmem:s23], [sflag:$0x2] =	stream.indirect.gather [hbm4b:s0+s22], $0x80, s31, s22, $0xb8;
	[tilespmem:$0x1E000] =	vst v63  }
0x5f: {  	_ =	swait.ge [sflag:s18], $0x4000  }
0x60: {  	[sflag:s18] =	ssyncset.done $0x0  }
0x61: {  	s31 =	sor.u32 $0x1100, s30;
	[sflag:s18] =	ssyncadd.s32 $0xFFFFC000  }
0x62: {  	[spmem:s3] =	stream.indirect.scatter.add.f32 [tilespmem:s17], [sflag:$0x5], $0x80, s31, s22, $0xb8;
	[tilespmem:$0x1E000] =	vst v63  }
0x63: {  	_ =	swait.ge [sflag:s24], $0x4000  }
0x64: {  	[sflag:s24] =	ssyncset.done $0x0  }
0x65: {  	s31 =	sor.u32 $0x200, s30;
	[sflag:s24] =	ssyncadd.s32 $0xFFFFC000  }
0x66: {  	[tilespmem:s17], [sflag:$0x1] =	stream.indirect.gather [hbm4b:s0+s22], $0x80, s31, s22, $0xb8;
	[tilespmem:$0x1E000] =	vst v63  }
0x67: {  	_ =	swait.ge [sflag:s19], $0x4000  }
0x68: {  	[sflag:s19] =	ssyncset.done $0x0  }
0x69: {  	s31 =	sor.u32 $0x1180, s30;
	[sflag:s19] =	ssyncadd.s32 $0xFFFFC000  }
0x6a: {  	[spmem:s3] =	stream.indirect.scatter.add.f32 [tilespmem:s23], [sflag:$0x5], $0x80, s31, s22, $0xb8;
	[tilespmem:$0x1E000] =	vst v63  }
0x6b: {  	_ =	swait.ge [sflag:s24], $0x4000  }
0x6c: {  	[sflag:s24] =	ssyncset.done $0x0  }
0x6d: {  	s31 =	sor.u32 $0x280, s30;
	[sflag:s24] =	ssyncadd.s32 $0xFFFFC000  }
0x6e: {  	[tilespmem:s23], [sflag:$0x2] =	stream.indirect.gather [hbm4b:s0+s22], $0x80, s31, s22, $0xb8;
	[tilespmem:$0x1E000] =	vst v63  }
0x6f: {  	_ =	swait.ge [sflag:s18], $0x4000  }
0x70: {  	[sflag:s18] =	ssyncset.done $0x0  }
0x71: {  	s31 =	sor.u32 $0x1200, s30;
	[sflag:s18] =	ssyncadd.s32 $0xFFFFC000  }
0x72: {  	[spmem:s3] =	stream.indirect.scatter.add.f32 [tilespmem:s17], [sflag:$0x5], $0x80, s31, s22, $0xb8;
	[tilespmem:$0x1E000] =	vst v63  }
0x73: {  	_ =	swait.ge [sflag:s24], $0x4000  }
0x74: {  	[sflag:s24] =	ssyncset.done $0x0  }
0x75: {  	s31 =	sor.u32 $0x300, s30;
	[sflag:s24] =	ssyncadd.s32 $0xFFFFC000  }
0x76: {  	[tilespmem:s17], [sflag:$0x1] =	stream.indirect.gather [hbm4b:s0+s22], $0x80, s31, s22, $0xb8;
	[tilespmem:$0x1E000] =	vst v63  }
0x77: {  	_ =	swait.ge [sflag:s19], $0x4000  }
0x78: {  	[sflag:s19] =	ssyncset.done $0x0  }
0x79: {  	s31 =	sor.u32 $0x1280, s30;
	[sflag:s19] =	ssyncadd.s32 $0xFFFFC000  }
0x7a: {  	[spmem:s3] =	stream.indirect.scatter.add.f32 [tilespmem:s23], [sflag:$0x5], $0x80, s31, s22, $0xb8;
	[tilespmem:$0x1E000] =	vst v63  }
0x7b: {  	_ =	swait.ge [sflag:s24], $0x4000  }
0x7c: {  	[sflag:s24] =	ssyncset.done $0x0  }
0x7d: {  	s31 =	sor.u32 $0x380, s30;
	[sflag:s24] =	ssyncadd.s32 $0xFFFFC000  }
0x7e: {  	[tilespmem:s23], [sflag:$0x2] =	stream.indirect.gather [hbm4b:s0+s22], $0x80, s31, s22, $0xb8;
	[tilespmem:$0x1E000] =	vst v63  }
0x7f: {  	_ =	swait.ge [sflag:s18], $0x4000  }
0x80: {  	[sflag:s18] =	ssyncset.done $0x0  }
0x81: {  	s31 =	sor.u32 $0x1300, s30;
	[sflag:s18] =	ssyncadd.s32 $0xFFFFC000  }
0x82: {  	[spmem:s3] =	stream.indirect.scatter.add.f32 [tilespmem:s17], [sflag:$0x5], $0x80, s31, s22, $0xb8;
	[tilespmem:$0x1E000] =	vst v63  }
0x83: {  	_ =	swait.ge [sflag:s24], $0x4000  }
0x84: {  	[sflag:s24] =	ssyncset.done $0x0  }
0x85: {  	s31 =	sor.u32 $0x400, s30;
	[sflag:s24] =	ssyncadd.s32 $0xFFFFC000  }
0x86: {  	[tilespmem:s17], [sflag:$0x1] =	stream.indirect.gather [hbm4b:s0+s22], $0x80, s31, s22, $0xb8;
	[tilespmem:$0x1E000] =	vst v63  }
0x87: {  	_ =	swait.ge [sflag:s19], $0x4000  }
0x88: {  	[sflag:s19] =	ssyncset.done $0x0  }
0x89: {  	s31 =	sor.u32 $0x1380, s30;
	[sflag:s19] =	ssyncadd.s32 $0xFFFFC000  }
0x8a: {  	[spmem:s3] =	stream.indirect.scatter.add.f32 [tilespmem:s23], [sflag:$0x5], $0x80, s31, s22, $0xb8;
	[tilespmem:$0x1E000] =	vst v63  }
0x8b: {  	_ =	swait.ge [sflag:s24], $0x4000  }
0x8c: {  	[sflag:s24] =	ssyncset.done $0x0  }
0x8d: {  	s31 =	sor.u32 $0x480, s30;
	[sflag:s24] =	ssyncadd.s32 $0xFFFFC000  }
0x8e: {  	[tilespmem:s23], [sflag:$0x2] =	stream.indirect.gather [hbm4b:s0+s22], $0x80, s31, s22, $0xb8;
	[tilespmem:$0x1E000] =	vst v63  }
0x8f: {  	_ =	swait.ge [sflag:s18], $0x4000  }
0x90: {  	[sflag:s18] =	ssyncset.done $0x0  }
0x91: {  	s31 =	sor.u32 $0x1400, s30;
	[sflag:s18] =	ssyncadd.s32 $0xFFFFC000  }
0x92: {  	[spmem:s3] =	stream.indirect.scatter.add.f32 [tilespmem:s17], [sflag:$0x5], $0x80, s31, s22, $0xb8;
	[tilespmem:$0x1E000] =	vst v63  }
0x93: {  	_ =	swait.ge [sflag:s24], $0x4000  }
0x94: {  	[sflag:s24] =	ssyncset.done $0x0  }
0x95: {  	[sflag:s24] =	ssyncadd.s32 $0xFFFFC000  }
0x96: {  	s26 =	sadd.s32 $0x100, s26;
	_ =	swait.ge [sflag:s19], $0x4000  }
0x97: {  	p0 =	sne.s32 s26, $0x800;
	[sflag:s19] =	ssyncset.done $0x0  }
.Ltmp1:
0x98: {  	s30 =	sor.u32 $0x1480, s30;
	[sflag:s19] =	ssyncadd.s32 $0xFFFFC000;
	(pc) =	sbr.rel @p0 .LBB2_4-.Ltmp1, $4  }
0x99: {  	[spmem:s3] =	stream.indirect.scatter.add.f32 [tilespmem:s23], [sflag:$0x5], $0x80, s30, s22, $0xb8;
	[tilespmem:$0x1E000] =	vst v63  }
0x9a: {  	_ =	swait.ge [sflag:s24], $0x4000  }
0x9b: {  	[sflag:s24] =	ssyncset.done $0x0  }
0x9c: {  	s28 =	sadd.s32 $0x800, s28;
	s29 =	sadd.s32 $0x1, s29;
	[sflag:s24] =	ssyncadd.s32 $0xFFFFC000  }
0x9d: {  	s25 =	sadd.s32 $0x1, s25  }
0x9e: {  	s26 =	sshll.u32 s2, $0x6;
	[bflag:$0x0] =	sbarrier.arrive $0xFFFF;
	p0 =	sne.s32 s25, s9  }
.Ltmp2:
0x9f: {  	s28 =	sshrl.u32 s7, $0x3;
	s26 =	sor.u32 $0x1C05, s26;
	(pc) =	sbr.rel @p0 .LBB2_1-.Ltmp2, $4  }
0xa0: {  	[hbm:s8], [sflag:s26] =	dma.local [spmem:s28], $0x2800  }
0xa1: {  	_ =	swait.ge [sflag:s24], $0x2800  }
0xa2: {  	[sflag:s24] =	ssyncset.done $0x0  }
0xa3: {  	[sflag:s24] =	ssyncadd.s32 $0xFFFFD800  }
0xa4: {  	_ =	sfence.sel $0x180000  }
0xa5: {  	[bflag:$0x0] =	sbarrier.arrive $0xFFFF  }
0xa6: {  	p0 =	sne.s32 s2, $0x0;
	_ =	strace $0x90000047  }
0xa7: {  	s0 =	sadd.s32 @!p0 $0x100000, s1;
	[bflag:$0x2] =	sbarrier.arrive $0xFFFF  }
0xa8: {  	[sflag:s0] =	ssyncadd.tile.s32 @!p0 $0x1;
	_ =	shalt  }
.Lfunc_end2:
_tile_overlayer_lowered:
.L_overlay_start_2:
0xa9: {  	(tag) =	ssettag $0x2  }
0xaa: {  	s0 =	rddreg [dreg:$0x0];
	s2 =	stileid.u32  }
0xab: {  	s1 =	rddreg [dreg:$0x1];
	p0 =	sne.s32 s2, $0x0  }
0xac: {  	s3 =	rddreg [dreg:$0x2];
	[bflag:$0x3] =	sbarrier.arrive $0xFFFF;
	s2 =	simm.s32 @!p0 $0x1C05  }
0xad: {  	[timem:s3], [sflag:s2] =	dma.local @!p0 [hbm:s0], s1  }
0xae: {  	s0 =	simm.s32 @!p0 $0x5  }
0xaf: {  	_ =	swait.ge @!p0 [sflag:s0], s1  }
0xb0: {  	s1 =	ssub.s32 @!p0 $0x0, s1;
	[sflag:s0] =	ssyncset.done @!p0 $0x0  }
0xb1: {  	[sflag:s0] =	ssyncadd.s32 @!p0 s1  }
0xb2: {  	[bflag:$0x3] =	sbarrier.arrive $0xFFFF  }
0xb3: {  	_ =	shalt  }

</sc_bundles>
